<compile_context>
chip_gen: v7x
topology: tpu7x:2x2x1
jax: 0.10.2.dev20260603
libtpu: 0.0.44.dev20260713+nightly
codegen_flags: <defaults>
</compile_context>

<pallas_src>
import functools

import jax
import jax.numpy as jnp
from jax import lax
from jax.experimental import pallas as pl
from jax.experimental.pallas import tpu as pltpu
from jax.experimental.pallas import tpu_sc as plsc

_B, _N, _CIN, _COUT, _K = 4, 8192, 64, 128, 16
_M = _N // 4
_SUB, _LAN = 8, _N // 8
_TQ = 128
_ROWS_MLP = 512
_BIGI = 2 ** 30


def _tourn(ta, tb):
    take = (tb[0] > ta[0]) | ((tb[0] == ta[0]) & (tb[4] < ta[4]))
    return tuple(jnp.where(take, b, a) for a, b in zip(ta, tb))


def _argmax_tuple(d, px, py, pz, lin):
    t = tuple(a.reshape(_SUB, _LAN // 128, 128) for a in (d, px, py, pz, lin))
    for half in (4, 2, 1):
        t = _tourn(tuple(a[:, :half] for a in t),
                   tuple(a[:, half:2 * half] for a in t))
    t = tuple(a.reshape(_SUB, 128) for a in t)
    for k in (64, 32, 16, 8, 4, 2, 1):
        t = _tourn(t, tuple(pltpu.roll(a, k, 1) for a in t))
    for k in (4, 2, 1):
        t = _tourn(t, tuple(pltpu.roll(a, k, 0) for a in t))
    return (t[1][0:1, 0:1], t[2][0:1, 0:1], t[3][0:1, 0:1])


def _fps_body(p_ref, *p2_refs):
    px = [p_ref[b, 0] for b in range(_B)]
    py = [p_ref[b, 1] for b in range(_B)]
    pz = [p_ref[b, 2] for b in range(_B)]
    row = lax.broadcasted_iota(jnp.int32, (_SUB, _LAN), 0)
    col = lax.broadcasted_iota(jnp.int32, (_SUB, _LAN), 1)
    lin = row * _LAN + col

    def body(i, state):
        dists, cents = state
        new_d, new_c = [], []
        for b in range(_B):
            cx, cy, cz = cents[b]
            p2_refs[b][pl.ds(i, 1), :] = jnp.concatenate([cx, cy, cz],
                                                         axis=1)
            dx = px[b] - cx
            dy = py[b] - cy
            dz = pz[b] - cz
            d = dx * dx + dy * dy + dz * dz
            db = jnp.minimum(dists[b], d)
            new_d.append(db)
            new_c.append(_argmax_tuple(db, px[b], py[b], pz[b], lin))
        return tuple(new_d), tuple(new_c)

    dists0 = tuple(jnp.full((_SUB, _LAN), 1e10, jnp.float32)
                   for _ in range(_B))
    cents0 = tuple((px[b][0:1, 0:1], py[b][0:1, 0:1], pz[b][0:1, 0:1])
                   for b in range(_B))
    lax.fori_loop(0, _M, body, (dists0, cents0))


def _run_fps(p1r):
    outs = pl.pallas_call(
        _fps_body,
        in_specs=[pl.BlockSpec((_B, 3, _SUB, _LAN), lambda: (0, 0, 0, 0))],
        out_specs=[pl.BlockSpec((_M, 3), lambda: (0, 0))] * _B,
        out_shape=[jax.ShapeDtypeStruct((_M, 3), jnp.float32)] * _B,
    )(p1r)
    return jnp.stack(outs)


def _mlp_body(x_ref, wt_ref, gb_ref, h_ref, sb_ref, acc_ref):
    i = pl.program_id(0)
    h = jnp.dot(x_ref[...], wt_ref[...], preferred_element_type=jnp.float32)
    h_ref[...] = h
    s = jnp.sum(h, axis=0, keepdims=True)
    ss = jnp.sum(h * h, axis=0, keepdims=True)

    @pl.when(i == 0)
    def _():
        acc_ref[0:1, :] = s
        acc_ref[1:2, :] = ss

    @pl.when(i > 0)
    def _():
        acc_ref[0:1, :] = acc_ref[0:1, :] + s
        acc_ref[1:2, :] = acc_ref[1:2, :] + ss

    @pl.when(i == pl.num_programs(0) - 1)
    def _():
        inv_n = 1.0 / (_B * _N)
        mean = acc_ref[0:1, :] * inv_n
        var = acc_ref[1:2, :] * inv_n - mean * mean
        scale = gb_ref[0:1, :] / jnp.sqrt(var + 1e-5)
        bias = gb_ref[1:2, :] - mean * scale
        sb_ref[0:1, :] = scale
        sb_ref[1:2, :] = bias


def _run_mlp(x2d, wt, gb):
    nsteps = (_B * _N) // _ROWS_MLP
    return pl.pallas_call(
        _mlp_body,
        grid=(nsteps,),
        in_specs=[
            pl.BlockSpec((_ROWS_MLP, _CIN), lambda i: (i, 0)),
            pl.BlockSpec((_CIN, _COUT), lambda i: (0, 0)),
            pl.BlockSpec((2, _COUT), lambda i: (0, 0)),
        ],
        out_specs=[
            pl.BlockSpec((_ROWS_MLP, _COUT), lambda i: (i, 0)),
            pl.BlockSpec((2, _COUT), lambda i: (0, 0)),
        ],
        out_shape=[
            jax.ShapeDtypeStruct((_B * _N, _COUT), jnp.float32),
            jax.ShapeDtypeStruct((2, _COUT), jnp.float32),
        ],
        scratch_shapes=[pltpu.VMEM((2, _COUT), jnp.float32)],
    )(x2d, wt, gb)


def _knn_body(p1t_ref, p2_ref, nbr_ref):
    b = pl.program_id(0)
    px = p1t_ref[0, 0:1, :]
    py = p1t_ref[0, 1:2, :]
    pz = p1t_ref[0, 2:3, :]
    rr = px * px + py * py + pz * pz
    q3 = p2_ref[0]
    qx = q3[:, 0:1]
    qy = q3[:, 1:2]
    qz = q3[:, 2:3]
    qq = qx * qx + qy * qy + qz * qz
    cross = lax.dot_general(q3, p1t_ref[0], (((1,), (0,)), ((), ())),
                            preferred_element_type=jnp.float32)
    d = qq - 2.0 * cross + rr
    li = lax.broadcasted_iota(jnp.int32, (1, _N), 1)
    offs = b * _N
    for k in range(_K):
        m = jnp.min(d, axis=1, keepdims=True)
        sel = jnp.where(d == m, li, jnp.int32(_BIGI))
        idx = jnp.min(sel, axis=1, keepdims=True)
        nbr_ref[0, :, k:k + 1] = idx + offs
        d = jnp.where(li == idx, jnp.inf, d)


def _run_knn(p1t, p2):
    return pl.pallas_call(
        _knn_body,
        grid=(_B, _M // _TQ),
        in_specs=[
            pl.BlockSpec((1, 3, _N), lambda b, m: (b, 0, 0)),
            pl.BlockSpec((1, _TQ, 3), lambda b, m: (b, m, 0)),
        ],
        out_specs=pl.BlockSpec((1, _TQ, _K), lambda b, m: (b, m, 0)),
        out_shape=jax.ShapeDtypeStruct((_B, _M, _K), jnp.int32),
    )(p1t, p2)


_NW = 32
_QPW = (_B * _M) // _NW
_CH = 8


def _pool_body(nbr_hbm, h_hbm, sb_hbm, y_hbm, idx_v, rows_v, ybuf_v, sb_v,
               sem):
    wid = lax.axis_index("s") * 2 + lax.axis_index("c")
    base_q = wid * _QPW
    pltpu.sync_copy(nbr_hbm.at[pl.ds(base_q * _K, _QPW * _K)], idx_v)
    pltpu.sync_copy(sb_hbm.at[pl.ds(0, 2 * _COUT)], sb_v)

    def chunk(c, carry):
        pltpu.async_copy(
            h_hbm.at[idx_v.at[pl.ds(c * _CH * _K, _CH * _K)]], rows_v,
            sem).wait()

        def per_q(q, carry_q):
            def per_g(g, carry_g):
                def per_r(r, acc):
                    return jnp.maximum(acc, rows_v[q * _K + r,
                                                   pl.ds(g * 16, 16)])

                acc = lax.fori_loop(1, _K, per_r,
                                    rows_v[q * _K, pl.ds(g * 16, 16)])
                sc = sb_v[pl.ds(g * 16, 16)]
                bi = sb_v[pl.ds(_COUT + g * 16, 16)]
                ybuf_v[q, pl.ds(g * 16, 16)] = jnp.maximum(
                    acc * sc + bi, 0.0)
                return carry_g

            return lax.fori_loop(0, _COUT // 16, per_g, carry_q)

        lax.fori_loop(0, _CH, per_q, 0)
        pltpu.sync_copy(ybuf_v, y_hbm.at[pl.ds(base_q + c * _CH, _CH)])
        return carry

    lax.fori_loop(0, _QPW // _CH, chunk, 0)


def _run_pool(nbr_flat, h2d, sb_flat):
    mesh = plsc.VectorSubcoreMesh(core_axis_name="c", subcore_axis_name="s")
    f = pl.kernel(
        _pool_body,
        mesh=mesh,
        out_type=jax.ShapeDtypeStruct((_B * _M, _COUT), jnp.float32),
        scratch_types=[
            pltpu.VMEM((_QPW * _K,), jnp.int32),
            pltpu.VMEM((_CH * _K, _COUT), jnp.float32),
            pltpu.VMEM((_CH, _COUT), jnp.float32),
            pltpu.VMEM((2 * _COUT,), jnp.float32),
            pltpu.SemaphoreType.DMA,
        ],
    )
    return f(nbr_flat, h2d, sb_flat)


def kernel(x, p1, W, gamma, beta):
    p1t = jnp.transpose(p1, (0, 2, 1))
    p1r = p1t.reshape(_B, 3, _SUB, _LAN)
    p2 = _run_fps(p1r)

    x2d = x.reshape(_B * _N, _CIN)
    wt = jnp.transpose(W, (1, 0))
    gb = jnp.stack([gamma, beta])
    h2d, sb = _run_mlp(x2d, wt, gb)

    nbr = _run_knn(p1t, p2)
    y2d = _run_pool(nbr.reshape(-1), h2d, sb.reshape(-1))
    return (y2d.reshape(_B, _M, _COUT), p2)

# --- scband reference (transcript-rebuilt; emitter-appended) ---
"""Pipeline reference for scband-transition-down-44332652430156 (READ-ONLY COPY).

The authoritative reference and input builder live on the scoring server;
editing this copy changes nothing except your own understanding.
"""

import jax, jax.numpy as jnp
import numpy as np

B, N, CIN, COUT, K, RATIO = 4, 8192, 64, 128, 16, 0.25
M = int(N * RATIO)


def setup_inputs(seed: int = 0) -> dict:
    key = jax.random.key(seed)
    k1, k2, k3 = jax.random.split(key, 3)
    x = jax.random.normal(k1, (B, N, CIN), dtype=jnp.float32)
    p1 = jax.random.uniform(k2, (B, N, 3), dtype=jnp.float32)
    # Conv1d(in, out, kernel_size=1, bias=False) weight -> (out, in)
    W = jax.random.normal(k3, (COUT, CIN), dtype=jnp.float32) * (1.0 / np.sqrt(CIN))
    # BatchNorm1d affine params (default init)
    gamma = jnp.ones((COUT,), dtype=jnp.float32)
    beta = jnp.zeros((COUT,), dtype=jnp.float32)
    return {"x": x, "p1": p1, "W": W, "gamma": gamma, "beta": beta}


def farthest_point_sample(p, m):
    Bp, Np, _ = p.shape
    dists0 = jnp.full((Bp, Np), 1e10, dtype=jnp.float32)
    idxs0 = jnp.zeros((Bp, m), dtype=jnp.int32)
    far0 = jnp.zeros((Bp,), dtype=jnp.int32)

    def body(i, state):
        dists, idxs, far = state
        idxs = idxs.at[:, i].set(far)
        centroid = jnp.take_along_axis(p, far[:, None, None].astype(jnp.int32), axis=1)  # (B,1,3)
        d = jnp.sum((p - centroid) ** 2, axis=-1)  # (B,N)
        dists = jnp.minimum(dists, d)
        far = jnp.argmax(dists, axis=-1).astype(jnp.int32)
        return (dists, idxs, far)

    _, idxs, _ = jax.lax.fori_loop(0, m, body, (dists0, idxs0, far0))
    return idxs


def knn(q, ref, k):
    # q: (B,M,3), ref: (B,N,3) -> indices (B,M,k) of k nearest ref points
    d = (jnp.sum(q ** 2, axis=-1, keepdims=True)
         - 2.0 * jnp.einsum('bmd,bnd->bmn', q, ref)
         + jnp.sum(ref ** 2, axis=-1)[:, None, :])
    _, idx = jax.lax.top_k(-d, k)
    return idx


def reference(x, p1, W, gamma, beta):
    # FPS downsampling: p2 = gather(p1, fps_idx)
    fps_idx = farthest_point_sample(p1, M)  # (B,M)
    p2 = jnp.take_along_axis(p1, fps_idx[:, :, None], axis=1)  # (B,M,3)
    # kNN of each sampled point among the original points
    neighbors = knn(p2, p1, K)  # (B,M,K)
    # shared MLP: 1x1 conv + BatchNorm1d (train-mode batch stats) + ReLU
    h = jnp.einsum('bnc,oc->bno', x, W)  # (B,N,COUT)
    mean = jnp.mean(h, axis=(0, 1))
    var = jnp.var(h, axis=(0, 1))
    h = (h - mean) / jnp.sqrt(var + 1e-5) * gamma + beta
    h = jax.nn.relu(h)
    # gather neighbor features (B,M,K,COUT) and max-pool over K
    feats = jax.vmap(lambda f, i: f[i])(h, neighbors)
    y = jnp.max(feats, axis=2)  # (B,M,COUT)
    return (y, p2)

if __name__ == "__main__":
    import jax
    _d = setup_inputs()
    print(jax.jit(kernel)(*tuple(_d.values())))

</pallas_src>

<mosaic_0001>
#map = affine_map<(d0, d1) -> (0)>
#map1 = affine_map<(d0, d1) -> (0, 0)>
module attributes {stable_mosaic.version = 14 : i64} {
  func.func @_pool_body(%arg0: i32, %arg1: i32, %arg2: memref<131072xi32, #tpu.memory_space<hbm>>, %arg3: memref<32768x128xf32, #tpu.memory_space<hbm>>, %arg4: memref<256xf32, #tpu.memory_space<hbm>>, %arg5: memref<8192x128xf32, #tpu.memory_space<hbm>>, %arg6: memref<4096xi32, #tpu.memory_space<vmem>>, %arg7: memref<128x128xf32, #tpu.memory_space<vmem>>, %arg8: memref<8x128xf32, #tpu.memory_space<vmem>>, %arg9: memref<256xf32, #tpu.memory_space<vmem>>, %arg10: memref<!tpu.dma_semaphore, #tpu.memory_space<semaphore_mem>>) attributes {dimension_semantics = [#tpu.dimension_semantics<core_parallel>, #tpu.dimension_semantics<subcore_parallel>], iteration_bounds = array<i64: 2, 16>, scalar_prefetch = 0 : i64, scratch_operands = 5 : i64, tpu.core_type = #tpu.core_type<sc_vector_subcore>, window_params = [{transform_indices = #map}, {transform_indices = #map1}, {transform_indices = #map}, {transform_indices = #map1}]} {
    %mul3A = arith.constant 2 : i32
    %mul3A_0 = arith.muli %arg1, %mul3A : i32
    %add3A = arith.addi %mul3A_0, %arg0 : i32
    %mul3A_1 = arith.constant 256 : i32
    %mul3A_2 = arith.muli %add3A, %mul3A_1 : i32
    %mul3A_3 = arith.constant 16 : i32
    %mul3A_4 = arith.muli %mul3A_2, %mul3A_3 : i32
    "tpu.region"() ({
      %run_scoped3A = tpu.sem_alloc : memref<!tpu.dma_semaphore, #tpu.memory_space<semaphore_mem>>
      %dma_start3A = tpu.memref_slice %arg2[%mul3A_4] : memref<131072xi32, #tpu.memory_space<hbm>> -> memref<4096xi32, #tpu.memory_space<hbm>>
      %dma_start3A_10 = tpu.memref_slice %arg2[%mul3A_4] : memref<131072xi32, #tpu.memory_space<hbm>> -> memref<4096xi32, #tpu.memory_space<hbm>>
      tpu.enqueue_dma source(%dma_start3A_10 : memref<4096xi32, #tpu.memory_space<hbm>>) target(%arg6 : memref<4096xi32, #tpu.memory_space<vmem>>) target_semaphore(%run_scoped3A : memref<!tpu.dma_semaphore, #tpu.memory_space<semaphore_mem>>)
      %dma_wait3A = tpu.memref_slice %arg2[%mul3A_4] : memref<131072xi32, #tpu.memory_space<hbm>> -> memref<4096xi32, #tpu.memory_space<hbm>>
      %dma_wait3A_11 = tpu.memref_slice %arg2[%mul3A_4] : memref<131072xi32, #tpu.memory_space<hbm>> -> memref<4096xi32, #tpu.memory_space<hbm>>
      tpu.wait_dma2 semaphore(%run_scoped3A : memref<!tpu.dma_semaphore, #tpu.memory_space<semaphore_mem>>) src(%dma_wait3A_11 : memref<4096xi32, #tpu.memory_space<hbm>>) dst(%arg6 : memref<4096xi32, #tpu.memory_space<vmem>>)
      tpu.yield
    }) : () -> ()
    "tpu.region"() ({
      %run_scoped3A = tpu.sem_alloc : memref<!tpu.dma_semaphore, #tpu.memory_space<semaphore_mem>>
      %dma_start3A = arith.constant 0 : i32
      %dma_start3A_10 = tpu.memref_slice %arg4[%dma_start3A] : memref<256xf32, #tpu.memory_space<hbm>> -> memref<256xf32, #tpu.memory_space<hbm>>
      %dma_start3A_11 = arith.constant 0 : i32
      %dma_start3A_12 = tpu.memref_slice %arg4[%dma_start3A_11] : memref<256xf32, #tpu.memory_space<hbm>> -> memref<256xf32, #tpu.memory_space<hbm>>
      tpu.enqueue_dma source(%dma_start3A_12 : memref<256xf32, #tpu.memory_space<hbm>>) target(%arg9 : memref<256xf32, #tpu.memory_space<vmem>>) target_semaphore(%run_scoped3A : memref<!tpu.dma_semaphore, #tpu.memory_space<semaphore_mem>>)
      %dma_wait3A = arith.constant 0 : i32
      %dma_wait3A_13 = tpu.memref_slice %arg4[%dma_wait3A] : memref<256xf32, #tpu.memory_space<hbm>> -> memref<256xf32, #tpu.memory_space<hbm>>
      %dma_wait3A_14 = arith.constant 0 : i32
      %dma_wait3A_15 = tpu.memref_slice %arg4[%dma_wait3A_14] : memref<256xf32, #tpu.memory_space<hbm>> -> memref<256xf32, #tpu.memory_space<hbm>>
      tpu.wait_dma2 semaphore(%run_scoped3A : memref<!tpu.dma_semaphore, #tpu.memory_space<semaphore_mem>>) src(%dma_wait3A_15 : memref<256xf32, #tpu.memory_space<hbm>>) dst(%arg9 : memref<256xf32, #tpu.memory_space<vmem>>)
      tpu.yield
    }) : () -> ()
    %scan3A = arith.constant 0 : i32
    %scan3A_5 = arith.constant 0 : i32
    %scan3A_6 = arith.constant 32 : i32
    %scan3A_7 = arith.addi %scan3A_5, %scan3A_6 : i32
    %scan3A_8 = arith.constant 1 : i32
    scf.for %scan3A_10 = %scan3A_5 to %scan3A_7 step %scan3A_8  : i32 {
      %mul3A_11 = arith.constant 8 : i32
      %mul3A_12 = arith.muli %scan3A_10, %mul3A_11 : i32
      %mul3A_13 = arith.constant 16 : i32
      %mul3A_14 = arith.muli %mul3A_12, %mul3A_13 : i32
      %dma_start3A = tpu.memref_slice %arg6[%mul3A_14] : memref<4096xi32, #tpu.memory_space<vmem>> -> memref<128xi32, #tpu.memory_space<vmem>>
      %dma_start3A_15 = arith.constant 0 : i32
      %dma_start3A_16 = arith.constant 0 : i32
      %dma_start3A_17 = tpu.memref_slice %arg3[%dma_start3A_15, %dma_start3A_16] : memref<32768x128xf32, #tpu.memory_space<hbm>> -> memref<32768x128xf32, #tpu.memory_space<hbm>>
      tpu.enqueue_indirect_dma source(%dma_start3A_17 : memref<32768x128xf32, #tpu.memory_space<hbm>>) target(%arg7 : memref<128x128xf32, #tpu.memory_space<vmem>>) offsets(%dma_start3A : memref<128xi32, #tpu.memory_space<vmem>>) semaphore(%arg10 : memref<!tpu.dma_semaphore, #tpu.memory_space<semaphore_mem>>)
      %dma_wait3A = tpu.memref_slice %arg6[%mul3A_14] : memref<4096xi32, #tpu.memory_space<vmem>> -> memref<128xi32, #tpu.memory_space<vmem>>
      %dma_wait3A_18 = arith.constant 0 : i32
      %dma_wait3A_19 = arith.constant 0 : i32
      %dma_wait3A_20 = tpu.memref_slice %arg3[%dma_wait3A_18, %dma_wait3A_19] : memref<32768x128xf32, #tpu.memory_space<hbm>> -> memref<32768x128xf32, #tpu.memory_space<hbm>>
      tpu.wait_indirect_dma semaphore(%arg10 : memref<!tpu.dma_semaphore, #tpu.memory_space<semaphore_mem>>) src(%dma_wait3A_20 : memref<32768x128xf32, #tpu.memory_space<hbm>>) dst(%arg7 : memref<128x128xf32, #tpu.memory_space<vmem>>)
      %scan3A_21 = arith.constant 0 : i32
      %scan3A_22 = arith.constant 0 : i32
      %scan3A_23 = arith.constant 8 : i32
      %scan3A_24 = arith.addi %scan3A_22, %scan3A_23 : i32
      %scan3A_25 = arith.constant 1 : i32
      scf.for %scan3A_30 = %scan3A_22 to %scan3A_24 step %scan3A_25  : i32 {
        %scan3A_31 = arith.constant 0 : i32
        %scan3A_32 = arith.constant 8 : i32
        %scan3A_33 = arith.addi %scan3A_31, %scan3A_32 : i32
        %scan3A_34 = arith.constant 1 : i32
        scf.for %scan3A_36 = %scan3A_31 to %scan3A_33 step %scan3A_34  : i32 {
          %mul3A_37 = arith.constant 16 : i32
          %mul3A_38 = arith.muli %scan3A_30, %mul3A_37 : i32
          %mul3A_39 = arith.constant 16 : i32
          %mul3A_40 = arith.muli %scan3A_36, %mul3A_39 : i32
          %get3A = arith.index_cast %mul3A_38 : i32 to index
          %get3A_41 = arith.index_cast %mul3A_40 : i32 to index
          %get3A_42 = tpu.vector_load %arg7[%get3A, %get3A_41] {strides = array<i32>} : memref<128x128xf32, #tpu.memory_space<vmem>>, vector<1x16xf32>,
          %get3A_43 = vector.shape_cast %get3A_42 : vector<1x16xf32> to vector<16xf32>
          %scan3A_44 = arith.constant 1 : i32
          %scan3A_45 = arith.constant 15 : i32
          %scan3A_46 = arith.addi %scan3A_44, %scan3A_45 : i32
          %scan3A_47 = arith.constant 1 : i32
          %scan3A_48 = scf.for %scan3A_72 = %scan3A_44 to %scan3A_46 step %scan3A_47 iter_args(%scan3A_73 = %get3A_43) -> (vector<16xf32>)  : i32 {
            %mul3A_74 = arith.constant 16 : i32
            %mul3A_75 = arith.muli %scan3A_30, %mul3A_74 : i32
            %add3A_76 = arith.addi %mul3A_75, %scan3A_72 : i32
            %mul3A_77 = arith.constant 16 : i32
            %mul3A_78 = arith.muli %scan3A_36, %mul3A_77 : i32
            %get3A_79 = arith.index_cast %add3A_76 : i32 to index
            %get3A_80 = arith.index_cast %mul3A_78 : i32 to index
            %get3A_81 = tpu.vector_load %arg7[%get3A_79, %get3A_80] {strides = array<i32>} : memref<128x128xf32, #tpu.memory_space<vmem>>, vector<1x16xf32>,
            %get3A_82 = vector.shape_cast %get3A_81 : vector<1x16xf32> to vector<16xf32>
            %max3A_83 = arith.maximumf %scan3A_73, %get3A_82 : vector<16xf32>
            scf.yield %max3A_83 : vector<16xf32>
          }
          %scan3A_49 = arith.constant 15 : i32
          %mul3A_50 = arith.constant 16 : i32
          %mul3A_51 = arith.muli %scan3A_36, %mul3A_50 : i32
          %get3A_52 = arith.index_cast %mul3A_51 : i32 to index
          %get3A_53 = tpu.vector_load %arg9[%get3A_52] {strides = array<i32>} : memref<256xf32, #tpu.memory_space<vmem>>, vector<16xf32>,
          %get3A_54 = vector.shape_cast %get3A_53 : vector<16xf32> to vector<16xf32>
          %mul3A_55 = arith.constant 16 : i32
          %mul3A_56 = arith.muli %scan3A_36, %mul3A_55 : i32
          %add3A_57 = arith.constant 128 : i32
          %add3A_58 = arith.addi %add3A_57, %mul3A_56 : i32
          %get3A_59 = arith.index_cast %add3A_58 : i32 to index
          %get3A_60 = tpu.vector_load %arg9[%get3A_59] {strides = array<i32>} : memref<256xf32, #tpu.memory_space<vmem>>, vector<16xf32>,
          %get3A_61 = vector.shape_cast %get3A_60 : vector<16xf32> to vector<16xf32>
          %mul3A_62 = arith.mulf %scan3A_48, %get3A_54 : vector<16xf32>
          %add3A_63 = arith.addf %mul3A_62, %get3A_61 : vector<16xf32>
          %max3A = arith.constant 0.000000e+00 : f32
          %max3A_64 = vector.broadcast %max3A : f32 to vector<16xf32>
          %max3A_65 = arith.maximumf %add3A_63, %max3A_64 : vector<16xf32>
          %mul3A_66 = arith.constant 16 : i32
          %mul3A_67 = arith.muli %scan3A_36, %mul3A_66 : i32
          %swap3A = arith.index_cast %scan3A_30 : i32 to index
          %swap3A_68 = arith.index_cast %mul3A_67 : i32 to index
          %swap3A_69 = tpu.vector_load %arg8[%swap3A, %swap3A_68] {strides = array<i32>} : memref<8x128xf32, #tpu.memory_space<vmem>>, vector<1x16xf32>,
          %swap3A_70 = vector.shape_cast %swap3A_69 : vector<1x16xf32> to vector<16xf32>
          %swap3A_71 = vector.shape_cast %max3A_65 : vector<16xf32> to vector<1x16xf32>
          tpu.vector_store %arg8[%swap3A, %swap3A_68], %swap3A_71 {strides = array<i32>} : memref<8x128xf32, #tpu.memory_space<vmem>>, vector<1x16xf32>,
        }
        %scan3A_35 = arith.constant 8 : i32
      }
      %scan3A_26 = arith.constant 8 : i32
      %mul3A_27 = arith.constant 8 : i32
      %mul3A_28 = arith.muli %scan3A_10, %mul3A_27 : i32
      %add3A_29 = arith.addi %mul3A_2, %mul3A_28 : i32
      "tpu.region"() ({
        %run_scoped3A = tpu.sem_alloc : memref<!tpu.dma_semaphore, #tpu.memory_space<semaphore_mem>>
        %dma_start3A_30 = arith.constant 0 : i32
        %dma_start3A_31 = tpu.memref_slice %arg5[%add3A_29, %dma_start3A_30] : memref<8192x128xf32, #tpu.memory_space<hbm>> -> memref<8x128xf32, #tpu.memory_space<hbm>>
        %dma_start3A_32 = arith.constant 0 : i32
        %dma_start3A_33 = tpu.memref_slice %arg5[%add3A_29, %dma_start3A_32] : memref<8192x128xf32, #tpu.memory_space<hbm>> -> memref<8x128xf32, #tpu.memory_space<hbm>>
        tpu.enqueue_dma source(%arg8 : memref<8x128xf32, #tpu.memory_space<vmem>>) target(%dma_start3A_33 : memref<8x128xf32, #tpu.memory_space<hbm>>) target_semaphore(%run_scoped3A : memref<!tpu.dma_semaphore, #tpu.memory_space<semaphore_mem>>)
        %dma_wait3A_34 = arith.constant 0 : i32
        %dma_wait3A_35 = tpu.memref_slice %arg5[%add3A_29, %dma_wait3A_34] : memref<8192x128xf32, #tpu.memory_space<hbm>> -> memref<8x128xf32, #tpu.memory_space<hbm>>
        %dma_wait3A_36 = arith.constant 0 : i32
        %dma_wait3A_37 = tpu.memref_slice %arg5[%add3A_29, %dma_wait3A_36] : memref<8192x128xf32, #tpu.memory_space<hbm>> -> memref<8x128xf32, #tpu.memory_space<hbm>>
        tpu.wait_dma2 semaphore(%run_scoped3A : memref<!tpu.dma_semaphore, #tpu.memory_space<semaphore_mem>>) src(%arg8 : memref<8x128xf32, #tpu.memory_space<vmem>>) dst(%dma_wait3A_37 : memref<8x128xf32, #tpu.memory_space<hbm>>)
        tpu.yield
      }) : () -> ()
    }
    %scan3A_9 = arith.constant 32 : i32
    return
  }
}

module attributes {stable_mosaic.version = 14 : i64} {
  func.func @_fps_body(%arg0: memref<4x3x8x1024xf32, #tpu.memory_space<vmem>>, %arg1: memref<2048x3xf32, #tpu.memory_space<vmem>>, %arg2: memref<2048x3xf32, #tpu.memory_space<vmem>>, %arg3: memref<2048x3xf32, #tpu.memory_space<vmem>>, %arg4: memref<2048x3xf32, #tpu.memory_space<vmem>>) attributes {dimension_semantics = [], scalar_prefetch = 0 : i64, scratch_operands = 0 : i64, tpu.core_type = #tpu.core_type<tc>} {
    %get3A = arith.constant 0 : index
    %get3A_0 = arith.constant 0 : index
    %get3A_1 = arith.constant 0 : index
    %get3A_2 = arith.constant 0 : index
    %get3A_3 = vector.load %arg0[%get3A, %get3A_0, %get3A_1, %get3A_2] : memref<4x3x8x1024xf32, #tpu.memory_space<vmem>>, vector<1x1x8x1024xf32>
    %get3A_4 = vector.shape_cast %get3A_3 : vector<1x1x8x1024xf32> to vector<8x1024xf32>
    %get3A_5 = arith.constant 1 : index
    %get3A_6 = arith.constant 0 : index
    %get3A_7 = arith.constant 0 : index
    %get3A_8 = arith.constant 0 : index
    %get3A_9 = vector.load %arg0[%get3A_5, %get3A_6, %get3A_7, %get3A_8] : memref<4x3x8x1024xf32, #tpu.memory_space<vmem>>, vector<1x1x8x1024xf32>
    %get3A_10 = vector.shape_cast %get3A_9 : vector<1x1x8x1024xf32> to vector<8x1024xf32>
    %get3A_11 = arith.constant 2 : index
    %get3A_12 = arith.constant 0 : index
    %get3A_13 = arith.constant 0 : index
    %get3A_14 = arith.constant 0 : index
    %get3A_15 = vector.load %arg0[%get3A_11, %get3A_12, %get3A_13, %get3A_14] : memref<4x3x8x1024xf32, #tpu.memory_space<vmem>>, vector<1x1x8x1024xf32>
    %get3A_16 = vector.shape_cast %get3A_15 : vector<1x1x8x1024xf32> to vector<8x1024xf32>
    %get3A_17 = arith.constant 3 : index
    %get3A_18 = arith.constant 0 : index
    %get3A_19 = arith.constant 0 : index
    %get3A_20 = arith.constant 0 : index
    %get3A_21 = vector.load %arg0[%get3A_17, %get3A_18, %get3A_19, %get3A_20] : memref<4x3x8x1024xf32, #tpu.memory_space<vmem>>, vector<1x1x8x1024xf32>
    %get3A_22 = vector.shape_cast %get3A_21 : vector<1x1x8x1024xf32> to vector<8x1024xf32>
    %get3A_23 = arith.constant 0 : index
    %get3A_24 = arith.constant 1 : index
    %get3A_25 = arith.constant 0 : index
    %get3A_26 = arith.constant 0 : index
    %get3A_27 = vector.load %arg0[%get3A_23, %get3A_24, %get3A_25, %get3A_26] : memref<4x3x8x1024xf32, #tpu.memory_space<vmem>>, vector<1x1x8x1024xf32>
    %get3A_28 = vector.shape_cast %get3A_27 : vector<1x1x8x1024xf32> to vector<8x1024xf32>
    %get3A_29 = arith.constant 1 : index
    %get3A_30 = arith.constant 1 : index
    %get3A_31 = arith.constant 0 : index
    %get3A_32 = arith.constant 0 : index
    %get3A_33 = vector.load %arg0[%get3A_29, %get3A_30, %get3A_31, %get3A_32] : memref<4x3x8x1024xf32, #tpu.memory_space<vmem>>, vector<1x1x8x1024xf32>
    %get3A_34 = vector.shape_cast %get3A_33 : vector<1x1x8x1024xf32> to vector<8x1024xf32>
    %get3A_35 = arith.constant 2 : index
    %get3A_36 = arith.constant 1 : index
    %get3A_37 = arith.constant 0 : index
    %get3A_38 = arith.constant 0 : index
    %get3A_39 = vector.load %arg0[%get3A_35, %get3A_36, %get3A_37, %get3A_38] : memref<4x3x8x1024xf32, #tpu.memory_space<vmem>>, vector<1x1x8x1024xf32>
    %get3A_40 = vector.shape_cast %get3A_39 : vector<1x1x8x1024xf32> to vector<8x1024xf32>
    %get3A_41 = arith.constant 3 : index
    %get3A_42 = arith.constant 1 : index
    %get3A_43 = arith.constant 0 : index
    %get3A_44 = arith.constant 0 : index
    %get3A_45 = vector.load %arg0[%get3A_41, %get3A_42, %get3A_43, %get3A_44] : memref<4x3x8x1024xf32, #tpu.memory_space<vmem>>, vector<1x1x8x1024xf32>
    %get3A_46 = vector.shape_cast %get3A_45 : vector<1x1x8x1024xf32> to vector<8x1024xf32>
    %get3A_47 = arith.constant 0 : index
    %get3A_48 = arith.constant 2 : index
    %get3A_49 = arith.constant 0 : index
    %get3A_50 = arith.constant 0 : index
    %get3A_51 = vector.load %arg0[%get3A_47, %get3A_48, %get3A_49, %get3A_50] : memref<4x3x8x1024xf32, #tpu.memory_space<vmem>>, vector<1x1x8x1024xf32>
    %get3A_52 = vector.shape_cast %get3A_51 : vector<1x1x8x1024xf32> to vector<8x1024xf32>
    %get3A_53 = arith.constant 1 : index
    %get3A_54 = arith.constant 2 : index
    %get3A_55 = arith.constant 0 : index
    %get3A_56 = arith.constant 0 : index
    %get3A_57 = vector.load %arg0[%get3A_53, %get3A_54, %get3A_55, %get3A_56] : memref<4x3x8x1024xf32, #tpu.memory_space<vmem>>, vector<1x1x8x1024xf32>
    %get3A_58 = vector.shape_cast %get3A_57 : vector<1x1x8x1024xf32> to vector<8x1024xf32>
    %get3A_59 = arith.constant 2 : index
    %get3A_60 = arith.constant 2 : index
    %get3A_61 = arith.constant 0 : index
    %get3A_62 = arith.constant 0 : index
    %get3A_63 = vector.load %arg0[%get3A_59, %get3A_60, %get3A_61, %get3A_62] : memref<4x3x8x1024xf32, #tpu.memory_space<vmem>>, vector<1x1x8x1024xf32>
    %get3A_64 = vector.shape_cast %get3A_63 : vector<1x1x8x1024xf32> to vector<8x1024xf32>
    %get3A_65 = arith.constant 3 : index
    %get3A_66 = arith.constant 2 : index
    %get3A_67 = arith.constant 0 : index
    %get3A_68 = arith.constant 0 : index
    %get3A_69 = vector.load %arg0[%get3A_65, %get3A_66, %get3A_67, %get3A_68] : memref<4x3x8x1024xf32, #tpu.memory_space<vmem>>, vector<1x1x8x1024xf32>
    %get3A_70 = vector.shape_cast %get3A_69 : vector<1x1x8x1024xf32> to vector<8x1024xf32>
    %iota3A = tpu.iota {dimensions = array<i32: 0>} : vector<8x1024xi32>
    %iota3A_71 = tpu.iota {dimensions = array<i32: 1>} : vector<8x1024xi32>
    %mul3A = arith.constant 1024 : i32
    %mul3A_72 = vector.broadcast %mul3A : i32 to vector<8x1024xi32>
    %mul3A_73 = arith.muli %iota3A, %mul3A_72 : vector<8x1024xi32>
    %add3A = arith.addi %mul3A_73, %iota3A_71 : vector<8x1024xi32>
    %broadcast_in_dim3A = arith.constant 1.000000e+10 : f32
    %broadcast_in_dim3A_74 = vector.broadcast %broadcast_in_dim3A : f32 to vector<8x1024xf32>
    %broadcast_in_dim3A_75 = arith.constant 1.000000e+10 : f32
    %broadcast_in_dim3A_76 = vector.broadcast %broadcast_in_dim3A_75 : f32 to vector<8x1024xf32>
    %broadcast_in_dim3A_77 = arith.constant 1.000000e+10 : f32
    %broadcast_in_dim3A_78 = vector.broadcast %broadcast_in_dim3A_77 : f32 to vector<8x1024xf32>
    %broadcast_in_dim3A_79 = arith.constant 1.000000e+10 : f32
    %broadcast_in_dim3A_80 = vector.broadcast %broadcast_in_dim3A_79 : f32 to vector<8x1024xf32>
    %slice3A = vector.extract_strided_slice %get3A_4 {offsets = [0, 0], sizes = [1, 1], strides = [1, 1]} : vector<8x1024xf32> to vector<1x1xf32>
    %slice3A_81 = vector.extract_strided_slice %get3A_28 {offsets = [0, 0], sizes = [1, 1], strides = [1, 1]} : vector<8x1024xf32> to vector<1x1xf32>
    %slice3A_82 = vector.extract_strided_slice %get3A_52 {offsets = [0, 0], sizes = [1, 1], strides = [1, 1]} : vector<8x1024xf32> to vector<1x1xf32>
    %slice3A_83 = vector.extract_strided_slice %get3A_10 {offsets = [0, 0], sizes = [1, 1], strides = [1, 1]} : vector<8x1024xf32> to vector<1x1xf32>
    %slice3A_84 = vector.extract_strided_slice %get3A_34 {offsets = [0, 0], sizes = [1, 1], strides = [1, 1]} : vector<8x1024xf32> to vector<1x1xf32>
    %slice3A_85 = vector.extract_strided_slice %get3A_58 {offsets = [0, 0], sizes = [1, 1], strides = [1, 1]} : vector<8x1024xf32> to vector<1x1xf32>
    %slice3A_86 = vector.extract_strided_slice %get3A_16 {offsets = [0, 0], sizes = [1, 1], strides = [1, 1]} : vector<8x1024xf32> to vector<1x1xf32>
    %slice3A_87 = vector.extract_strided_slice %get3A_40 {offsets = [0, 0], sizes = [1, 1], strides = [1, 1]} : vector<8x1024xf32> to vector<1x1xf32>
    %slice3A_88 = vector.extract_strided_slice %get3A_64 {offsets = [0, 0], sizes = [1, 1], strides = [1, 1]} : vector<8x1024xf32> to vector<1x1xf32>
    %slice3A_89 = vector.extract_strided_slice %get3A_22 {offsets = [0, 0], sizes = [1, 1], strides = [1, 1]} : vector<8x1024xf32> to vector<1x1xf32>
    %slice3A_90 = vector.extract_strided_slice %get3A_46 {offsets = [0, 0], sizes = [1, 1], strides = [1, 1]} : vector<8x1024xf32> to vector<1x1xf32>
    %slice3A_91 = vector.extract_strided_slice %get3A_70 {offsets = [0, 0], sizes = [1, 1], strides = [1, 1]} : vector<8x1024xf32> to vector<1x1xf32>
    %scan3A = arith.constant 0 : i32
    %scan3A_92 = arith.constant 2048 : i32
    %scan3A_93 = arith.addi %scan3A, %scan3A_92 : i32
    %scan3A_94 = arith.constant 1 : i32
    %scan3A_95:16 = scf.for %scan3A_97 = %scan3A to %scan3A_93 step %scan3A_94 iter_args(%scan3A_98 = %broadcast_in_dim3A_74, %scan3A_99 = %broadcast_in_dim3A_76, %scan3A_100 = %broadcast_in_dim3A_78, %scan3A_101 = %broadcast_in_dim3A_80, %scan3A_102 = %slice3A, %scan3A_103 = %slice3A_81, %scan3A_104 = %slice3A_82, %scan3A_105 = %slice3A_83, %scan3A_106 = %slice3A_84, %scan3A_107 = %slice3A_85, %scan3A_108 = %slice3A_86, %scan3A_109 = %slice3A_87, %scan3A_110 = %slice3A_88, %scan3A_111 = %slice3A_89, %scan3A_112 = %slice3A_90, %scan3A_113 = %slice3A_91) -> (vector<8x1024xf32>, vector<8x1024xf32>, vector<8x1024xf32>, vector<8x1024xf32>, vector<1x1xf32>, vector<1x1xf32>, vector<1x1xf32>, vector<1x1xf32>, vector<1x1xf32>, vector<1x1xf32>, vector<1x1xf32>, vector<1x1xf32>, vector<1x1xf32>, vector<1x1xf32>, vector<1x1xf32>, vector<1x1xf32>)  : i32 {
      %concatenate3A = tpu.concatenate %scan3A_102, %scan3A_103, %scan3A_104 in 1 : vector<1x1xf32>, vector<1x1xf32>, vector<1x1xf32> -> vector<1x3xf32>
      %swap3A = arith.index_cast %scan3A_97 : i32 to index
      %swap3A_114 = arith.constant 0 : index
      %swap3A_115 = vector.load %arg1[%swap3A, %swap3A_114] : memref<2048x3xf32, #tpu.memory_space<vmem>>, vector<1x3xf32>
      tpu.vector_store %arg1[%swap3A, %swap3A_114], %concatenate3A {strides = array<i32>} : memref<2048x3xf32, #tpu.memory_space<vmem>>, vector<1x3xf32>,
      %sub3A = vector.broadcast %scan3A_102 : vector<1x1xf32> to vector<8x1024xf32>
      %sub3A_116 = arith.subf %get3A_4, %sub3A : vector<8x1024xf32>
      %sub3A_117 = vector.broadcast %scan3A_103 : vector<1x1xf32> to vector<8x1024xf32>
      %sub3A_118 = arith.subf %get3A_28, %sub3A_117 : vector<8x1024xf32>
      %sub3A_119 = vector.broadcast %scan3A_104 : vector<1x1xf32> to vector<8x1024xf32>
      %sub3A_120 = arith.subf %get3A_52, %sub3A_119 : vector<8x1024xf32>
      %mul3A_121 = arith.mulf %sub3A_116, %sub3A_116 : vector<8x1024xf32>
      %mul3A_122 = arith.mulf %sub3A_118, %sub3A_118 : vector<8x1024xf32>
      %add3A_123 = arith.addf %mul3A_121, %mul3A_122 : vector<8x1024xf32>
      %mul3A_124 = arith.mulf %sub3A_120, %sub3A_120 : vector<8x1024xf32>
      %add3A_125 = arith.addf %add3A_123, %mul3A_124 : vector<8x1024xf32>
      %min3A = arith.minimumf %scan3A_98, %add3A_125 : vector<8x1024xf32>
      %reshape3A = vector.shape_cast %min3A : vector<8x1024xf32> to vector<8x8x128xf32>
      %reshape3A_126 = vector.shape_cast %get3A_4 : vector<8x1024xf32> to vector<8x8x128xf32>
      %reshape3A_127 = vector.shape_cast %get3A_28 : vector<8x1024xf32> to vector<8x8x128xf32>
      %reshape3A_128 = vector.shape_cast %get3A_52 : vector<8x1024xf32> to vector<8x8x128xf32>
      %reshape3A_129 = vector.shape_cast %add3A : vector<8x1024xi32> to vector<8x8x128xi32>
      %slice3A_130 = vector.extract_strided_slice %reshape3A {offsets = [0, 0, 0], sizes = [8, 4, 128], strides = [1, 1, 1]} : vector<8x8x128xf32> to vector<8x4x128xf32>
      %slice3A_131 = vector.extract_strided_slice %reshape3A_126 {offsets = [0, 0, 0], sizes = [8, 4, 128], strides = [1, 1, 1]} : vector<8x8x128xf32> to vector<8x4x128xf32>
      %slice3A_132 = vector.extract_strided_slice %reshape3A_127 {offsets = [0, 0, 0], sizes = [8, 4, 128], strides = [1, 1, 1]} : vector<8x8x128xf32> to vector<8x4x128xf32>
      %slice3A_133 = vector.extract_strided_slice %reshape3A_128 {offsets = [0, 0, 0], sizes = [8, 4, 128], strides = [1, 1, 1]} : vector<8x8x128xf32> to vector<8x4x128xf32>
      %slice3A_134 = vector.extract_strided_slice %reshape3A_129 {offsets = [0, 0, 0], sizes = [8, 4, 128], strides = [1, 1, 1]} : vector<8x8x128xi32> to vector<8x4x128xi32>
      %slice3A_135 = vector.extract_strided_slice %reshape3A {offsets = [0, 4, 0], sizes = [8, 4, 128], strides = [1, 1, 1]} : vector<8x8x128xf32> to vector<8x4x128xf32>
      %slice3A_136 = vector.extract_strided_slice %reshape3A_126 {offsets = [0, 4, 0], sizes = [8, 4, 128], strides = [1, 1, 1]} : vector<8x8x128xf32> to vector<8x4x128xf32>
      %slice3A_137 = vector.extract_strided_slice %reshape3A_127 {offsets = [0, 4, 0], sizes = [8, 4, 128], strides = [1, 1, 1]} : vector<8x8x128xf32> to vector<8x4x128xf32>
      %slice3A_138 = vector.extract_strided_slice %reshape3A_128 {offsets = [0, 4, 0], sizes = [8, 4, 128], strides = [1, 1, 1]} : vector<8x8x128xf32> to vector<8x4x128xf32>
      %slice3A_139 = vector.extract_strided_slice %reshape3A_129 {offsets = [0, 4, 0], sizes = [8, 4, 128], strides = [1, 1, 1]} : vector<8x8x128xi32> to vector<8x4x128xi32>
      %gt3A = arith.cmpf ogt, %slice3A_135, %slice3A_130 : vector<8x4x128xf32>
      %eq3A = arith.cmpf oeq, %slice3A_135, %slice3A_130 : vector<8x4x128xf32>
      %lt3A = arith.cmpi slt, %slice3A_139, %slice3A_134 : vector<8x4x128xi32>
      %and3A = arith.andi %eq3A, %lt3A : vector<8x4x128xi1>
      %or3A = arith.ori %gt3A, %and3A : vector<8x4x128xi1>
      %select_n3A = arith.select %or3A, %slice3A_135, %slice3A_130 : vector<8x4x128xi1>, vector<8x4x128xf32>
      %select_n3A_140 = arith.select %or3A, %slice3A_136, %slice3A_131 : vector<8x4x128xi1>, vector<8x4x128xf32>
      %select_n3A_141 = arith.select %or3A, %slice3A_137, %slice3A_132 : vector<8x4x128xi1>, vector<8x4x128xf32>
      %select_n3A_142 = arith.select %or3A, %slice3A_138, %slice3A_133 : vector<8x4x128xi1>, vector<8x4x128xf32>
      %select_n3A_143 = arith.select %or3A, %slice3A_139, %slice3A_134 : vector<8x4x128xi1>, vector<8x4x128xi32>
      %slice3A_144 = vector.extract_strided_slice %select_n3A {offsets = [0, 0, 0], sizes = [8, 2, 128], strides = [1, 1, 1]} : vector<8x4x128xf32> to vector<8x2x128xf32>
      %slice3A_145 = vector.extract_strided_slice %select_n3A_140 {offsets = [0, 0, 0], sizes = [8, 2, 128], strides = [1, 1, 1]} : vector<8x4x128xf32> to vector<8x2x128xf32>
      %slice3A_146 = vector.extract_strided_slice %select_n3A_141 {offsets = [0, 0, 0], sizes = [8, 2, 128], strides = [1, 1, 1]} : vector<8x4x128xf32> to vector<8x2x128xf32>
      %slice3A_147 = vector.extract_strided_slice %select_n3A_142 {offsets = [0, 0, 0], sizes = [8, 2, 128], strides = [1, 1, 1]} : vector<8x4x128xf32> to vector<8x2x128xf32>
      %slice3A_148 = vector.extract_strided_slice %select_n3A_143 {offsets = [0, 0, 0], sizes = [8, 2, 128], strides = [1, 1, 1]} : vector<8x4x128xi32> to vector<8x2x128xi32>
      %slice3A_149 = vector.extract_strided_slice %select_n3A {offsets = [0, 2, 0], sizes = [8, 2, 128], strides = [1, 1, 1]} : vector<8x4x128xf32> to vector<8x2x128xf32>
      %slice3A_150 = vector.extract_strided_slice %select_n3A_140 {offsets = [0, 2, 0], sizes = [8, 2, 128], strides = [1, 1, 1]} : vector<8x4x128xf32> to vector<8x2x128xf32>
      %slice3A_151 = vector.extract_strided_slice %select_n3A_141 {offsets = [0, 2, 0], sizes = [8, 2, 128], strides = [1, 1, 1]} : vector<8x4x128xf32> to vector<8x2x128xf32>
      %slice3A_152 = vector.extract_strided_slice %select_n3A_142 {offsets = [0, 2, 0], sizes = [8, 2, 128], strides = [1, 1, 1]} : vector<8x4x128xf32> to vector<8x2x128xf32>
      %slice3A_153 = vector.extract_strided_slice %select_n3A_143 {offsets = [0, 2, 0], sizes = [8, 2, 128], strides = [1, 1, 1]} : vector<8x4x128xi32> to vector<8x2x128xi32>
      %gt3A_154 = arith.cmpf ogt, %slice3A_149, %slice3A_144 : vector<8x2x128xf32>
      %eq3A_155 = arith.cmpf oeq, %slice3A_149, %slice3A_144 : vector<8x2x128xf32>
      %lt3A_156 = arith.cmpi slt, %slice3A_153, %slice3A_148 : vector<8x2x128xi32>
      %and3A_157 = arith.andi %eq3A_155, %lt3A_156 : vector<8x2x128xi1>
      %or3A_158 = arith.ori %gt3A_154, %and3A_157 : vector<8x2x128xi1>
      %select_n3A_159 = arith.select %or3A_158, %slice3A_149, %slice3A_144 : vector<8x2x128xi1>, vector<8x2x128xf32>
      %select_n3A_160 = arith.select %or3A_158, %slice3A_150, %slice3A_145 : vector<8x2x128xi1>, vector<8x2x128xf32>
      %select_n3A_161 = arith.select %or3A_158, %slice3A_151, %slice3A_146 : vector<8x2x128xi1>, vector<8x2x128xf32>
      %select_n3A_162 = arith.select %or3A_158, %slice3A_152, %slice3A_147 : vector<8x2x128xi1>, vector<8x2x128xf32>
      %select_n3A_163 = arith.select %or3A_158, %slice3A_153, %slice3A_148 : vector<8x2x128xi1>, vector<8x2x128xi32>
      %slice3A_164 = vector.extract_strided_slice %select_n3A_159 {offsets = [0, 0, 0], sizes = [8, 1, 128], strides = [1, 1, 1]} : vector<8x2x128xf32> to vector<8x1x128xf32>
      %slice3A_165 = vector.extract_strided_slice %select_n3A_160 {offsets = [0, 0, 0], sizes = [8, 1, 128], strides = [1, 1, 1]} : vector<8x2x128xf32> to vector<8x1x128xf32>
      %slice3A_166 = vector.extract_strided_slice %select_n3A_161 {offsets = [0, 0, 0], sizes = [8, 1, 128], strides = [1, 1, 1]} : vector<8x2x128xf32> to vector<8x1x128xf32>
      %slice3A_167 = vector.extract_strided_slice %select_n3A_162 {offsets = [0, 0, 0], sizes = [8, 1, 128], strides = [1, 1, 1]} : vector<8x2x128xf32> to vector<8x1x128xf32>
      %slice3A_168 = vector.extract_strided_slice %select_n3A_163 {offsets = [0, 0, 0], sizes = [8, 1, 128], strides = [1, 1, 1]} : vector<8x2x128xi32> to vector<8x1x128xi32>
      %slice3A_169 = vector.extract_strided_slice %select_n3A_159 {offsets = [0, 1, 0], sizes = [8, 1, 128], strides = [1, 1, 1]} : vector<8x2x128xf32> to vector<8x1x128xf32>
      %slice3A_170 = vector.extract_strided_slice %select_n3A_160 {offsets = [0, 1, 0], sizes = [8, 1, 128], strides = [1, 1, 1]} : vector<8x2x128xf32> to vector<8x1x128xf32>
      %slice3A_171 = vector.extract_strided_slice %select_n3A_161 {offsets = [0, 1, 0], sizes = [8, 1, 128], strides = [1, 1, 1]} : vector<8x2x128xf32> to vector<8x1x128xf32>
      %slice3A_172 = vector.extract_strided_slice %select_n3A_162 {offsets = [0, 1, 0], sizes = [8, 1, 128], strides = [1, 1, 1]} : vector<8x2x128xf32> to vector<8x1x128xf32>
      %slice3A_173 = vector.extract_strided_slice %select_n3A_163 {offsets = [0, 1, 0], sizes = [8, 1, 128], strides = [1, 1, 1]} : vector<8x2x128xi32> to vector<8x1x128xi32>
      %gt3A_174 = arith.cmpf ogt, %slice3A_169, %slice3A_164 : vector<8x1x128xf32>
      %eq3A_175 = arith.cmpf oeq, %slice3A_169, %slice3A_164 : vector<8x1x128xf32>
      %lt3A_176 = arith.cmpi slt, %slice3A_173, %slice3A_168 : vector<8x1x128xi32>
      %and3A_177 = arith.andi %eq3A_175, %lt3A_176 : vector<8x1x128xi1>
      %or3A_178 = arith.ori %gt3A_174, %and3A_177 : vector<8x1x128xi1>
      %select_n3A_179 = arith.select %or3A_178, %slice3A_169, %slice3A_164 : vector<8x1x128xi1>, vector<8x1x128xf32>
      %select_n3A_180 = arith.select %or3A_178, %slice3A_170, %slice3A_165 : vector<8x1x128xi1>, vector<8x1x128xf32>
      %select_n3A_181 = arith.select %or3A_178, %slice3A_171, %slice3A_166 : vector<8x1x128xi1>, vector<8x1x128xf32>
      %select_n3A_182 = arith.select %or3A_178, %slice3A_172, %slice3A_167 : vector<8x1x128xi1>, vector<8x1x128xf32>
      %select_n3A_183 = arith.select %or3A_178, %slice3A_173, %slice3A_168 : vector<8x1x128xi1>, vector<8x1x128xi32>
      %reshape3A_184 = vector.shape_cast %select_n3A_179 : vector<8x1x128xf32> to vector<8x128xf32>
      %reshape3A_185 = vector.shape_cast %select_n3A_180 : vector<8x1x128xf32> to vector<8x128xf32>
      %reshape3A_186 = vector.shape_cast %select_n3A_181 : vector<8x1x128xf32> to vector<8x128xf32>
      %reshape3A_187 = vector.shape_cast %select_n3A_182 : vector<8x1x128xf32> to vector<8x128xf32>
      %reshape3A_188 = vector.shape_cast %select_n3A_183 : vector<8x1x128xi32> to vector<8x128xi32>
      %roll3A = arith.constant 64 : i32
      %roll3A_189 = tpu.dynamic_rotate %reshape3A_184 by %roll3A dim 1 : vector<8x128xf32>, i32 -> vector<8x128xf32>
      %roll3A_190 = arith.constant 64 : i32
      %roll3A_191 = tpu.dynamic_rotate %reshape3A_185 by %roll3A_190 dim 1 : vector<8x128xf32>, i32 -> vector<8x128xf32>
      %roll3A_192 = arith.constant 64 : i32
      %roll3A_193 = tpu.dynamic_rotate %reshape3A_186 by %roll3A_192 dim 1 : vector<8x128xf32>, i32 -> vector<8x128xf32>
      %roll3A_194 = arith.constant 64 : i32
      %roll3A_195 = tpu.dynamic_rotate %reshape3A_187 by %roll3A_194 dim 1 : vector<8x128xf32>, i32 -> vector<8x128xf32>
      %roll3A_196 = arith.constant 64 : i32
      %roll3A_197 = tpu.dynamic_rotate %reshape3A_188 by %roll3A_196 dim 1 : vector<8x128xi32>, i32 -> vector<8x128xi32>
      %gt3A_198 = arith.cmpf ogt, %roll3A_189, %reshape3A_184 : vector<8x128xf32>
      %eq3A_199 = arith.cmpf oeq, %roll3A_189, %reshape3A_184 : vector<8x128xf32>
      %lt3A_200 = arith.cmpi slt, %roll3A_197, %reshape3A_188 : vector<8x128xi32>
      %and3A_201 = arith.andi %eq3A_199, %lt3A_200 : vector<8x128xi1>
      %or3A_202 = arith.ori %gt3A_198, %and3A_201 : vector<8x128xi1>
      %select_n3A_203 = arith.select %or3A_202, %roll3A_189, %reshape3A_184 : vector<8x128xi1>, vector<8x128xf32>
      %select_n3A_204 = arith.select %or3A_202, %roll3A_191, %reshape3A_185 : vector<8x128xi1>, vector<8x128xf32>
      %select_n3A_205 = arith.select %or3A_202, %roll3A_193, %reshape3A_186 : vector<8x128xi1>, vector<8x128xf32>
      %select_n3A_206 = arith.select %or3A_202, %roll3A_195, %reshape3A_187 : vector<8x128xi1>, vector<8x128xf32>
      %select_n3A_207 = arith.select %or3A_202, %roll3A_197, %reshape3A_188 : vector<8x128xi1>, vector<8x128xi32>
      %roll3A_208 = arith.constant 32 : i32
      %roll3A_209 = tpu.dynamic_rotate %select_n3A_203 by %roll3A_208 dim 1 : vector<8x128xf32>, i32 -> vector<8x128xf32>
      %roll3A_210 = arith.constant 32 : i32
      %roll3A_211 = tpu.dynamic_rotate %select_n3A_204 by %roll3A_210 dim 1 : vector<8x128xf32>, i32 -> vector<8x128xf32>
      %roll3A_212 = arith.constant 32 : i32
      %roll3A_213 = tpu.dynamic_rotate %select_n3A_205 by %roll3A_212 dim 1 : vector<8x128xf32>, i32 -> vector<8x128xf32>
      %roll3A_214 = arith.constant 32 : i32
      %roll3A_215 = tpu.dynamic_rotate %select_n3A_206 by %roll3A_214 dim 1 : vector<8x128xf32>, i32 -> vector<8x128xf32>
      %roll3A_216 = arith.constant 32 : i32
      %roll3A_217 = tpu.dynamic_rotate %select_n3A_207 by %roll3A_216 dim 1 : vector<8x128xi32>, i32 -> vector<8x128xi32>
      %gt3A_218 = arith.cmpf ogt, %roll3A_209, %select_n3A_203 : vector<8x128xf32>
      %eq3A_219 = arith.cmpf oeq, %roll3A_209, %select_n3A_203 : vector<8x128xf32>
      %lt3A_220 = arith.cmpi slt, %roll3A_217, %select_n3A_207 : vector<8x128xi32>
      %and3A_221 = arith.andi %eq3A_219, %lt3A_220 : vector<8x128xi1>
      %or3A_222 = arith.ori %gt3A_218, %and3A_221 : vector<8x128xi1>
      %select_n3A_223 = arith.select %or3A_222, %roll3A_209, %select_n3A_203 : vector<8x128xi1>, vector<8x128xf32>
      %select_n3A_224 = arith.select %or3A_222, %roll3A_211, %select_n3A_204 : vector<8x128xi1>, vector<8x128xf32>
      %select_n3A_225 = arith.select %or3A_222, %roll3A_213, %select_n3A_205 : vector<8x128xi1>, vector<8x128xf32>
      %select_n3A_226 = arith.select %or3A_222, %roll3A_215, %select_n3A_206 : vector<8x128xi1>, vector<8x128xf32>
      %select_n3A_227 = arith.select %or3A_222, %roll3A_217, %select_n3A_207 : vector<8x128xi1>, vector<8x128xi32>
      %roll3A_228 = arith.constant 16 : i32
      %roll3A_229 = tpu.dynamic_rotate %select_n3A_223 by %roll3A_228 dim 1 : vector<8x128xf32>, i32 -> vector<8x128xf32>
      %roll3A_230 = arith.constant 16 : i32
      %roll3A_231 = tpu.dynamic_rotate %select_n3A_224 by %roll3A_230 dim 1 : vector<8x128xf32>, i32 -> vector<8x128xf32>
      %roll3A_232 = arith.constant 16 : i32
      %roll3A_233 = tpu.dynamic_rotate %select_n3A_225 by %roll3A_232 dim 1 : vector<8x128xf32>, i32 -> vector<8x128xf32>
      %roll3A_234 = arith.constant 16 : i32
      %roll3A_235 = tpu.dynamic_rotate %select_n3A_226 by %roll3A_234 dim 1 : vector<8x128xf32>, i32 -> vector<8x128xf32>
      %roll3A_236 = arith.constant 16 : i32
      %roll3A_237 = tpu.dynamic_rotate %select_n3A_227 by %roll3A_236 dim 1 : vector<8x128xi32>, i32 -> vector<8x128xi32>
      %gt3A_238 = arith.cmpf ogt, %roll3A_229, %select_n3A_223 : vector<8x128xf32>
      %eq3A_239 = arith.cmpf oeq, %roll3A_229, %select_n3A_223 : vector<8x128xf32>
      %lt3A_240 = arith.cmpi slt, %roll3A_237, %select_n3A_227 : vector<8x128xi32>
      %and3A_241 = arith.andi %eq3A_239, %lt3A_240 : vector<8x128xi1>
      %or3A_242 = arith.ori %gt3A_238, %and3A_241 : vector<8x128xi1>
      %select_n3A_243 = arith.select %or3A_242, %roll3A_229, %select_n3A_223 : vector<8x128xi1>, vector<8x128xf32>
      %select_n3A_244 = arith.select %or3A_242, %roll3A_231, %select_n3A_224 : vector<8x128xi1>, vector<8x128xf32>
      %select_n3A_245 = arith.select %or3A_242, %roll3A_233, %select_n3A_225 : vector<8x128xi1>, vector<8x128xf32>
      %select_n3A_246 = arith.select %or3A_242, %roll3A_235, %select_n3A_226 : vector<8x128xi1>, vector<8x128xf32>
      %select_n3A_247 = arith.select %or3A_242, %roll3A_237, %select_n3A_227 : vector<8x128xi1>, vector<8x128xi32>
      %roll3A_248 = arith.constant 8 : i32
      %roll3A_249 = tpu.dynamic_rotate %select_n3A_243 by %roll3A_248 dim 1 : vector<8x128xf32>, i32 -> vector<8x128xf32>
      %roll3A_250 = arith.constant 8 : i32
      %roll3A_251 = tpu.dynamic_rotate %select_n3A_244 by %roll3A_250 dim 1 : vector<8x128xf32>, i32 -> vector<8x128xf32>
      %roll3A_252 = arith.constant 8 : i32
      %roll3A_253 = tpu.dynamic_rotate %select_n3A_245 by %roll3A_252 dim 1 : vector<8x128xf32>, i32 -> vector<8x128xf32>
      %roll3A_254 = arith.constant 8 : i32
      %roll3A_255 = tpu.dynamic_rotate %select_n3A_246 by %roll3A_254 dim 1 : vector<8x128xf32>, i32 -> vector<8x128xf32>
      %roll3A_256 = arith.constant 8 : i32
      %roll3A_257 = tpu.dynamic_rotate %select_n3A_247 by %roll3A_256 dim 1 : vector<8x128xi32>, i32 -> vector<8x128xi32>
      %gt3A_258 = arith.cmpf ogt, %roll3A_249, %select_n3A_243 : vector<8x128xf32>
      %eq3A_259 = arith.cmpf oeq, %roll3A_249, %select_n3A_243 : vector<8x128xf32>
      %lt3A_260 = arith.cmpi slt, %roll3A_257, %select_n3A_247 : vector<8x128xi32>
      %and3A_261 = arith.andi %eq3A_259, %lt3A_260 : vector<8x128xi1>
      %or3A_262 = arith.ori %gt3A_258, %and3A_261 : vector<8x128xi1>
      %select_n3A_263 = arith.select %or3A_262, %roll3A_249, %select_n3A_243 : vector<8x128xi1>, vector<8x128xf32>
      %select_n3A_264 = arith.select %or3A_262, %roll3A_251, %select_n3A_244 : vector<8x128xi1>, vector<8x128xf32>
      %select_n3A_265 = arith.select %or3A_262, %roll3A_253, %select_n3A_245 : vector<8x128xi1>, vector<8x128xf32>
      %select_n3A_266 = arith.select %or3A_262, %roll3A_255, %select_n3A_246 : vector<8x128xi1>, vector<8x128xf32>
      %select_n3A_267 = arith.select %or3A_262, %roll3A_257, %select_n3A_247 : vector<8x128xi1>, vector<8x128xi32>
      %roll3A_268 = arith.constant 4 : i32
      %roll3A_269 = tpu.dynamic_rotate %select_n3A_263 by %roll3A_268 dim 1 : vector<8x128xf32>, i32 -> vector<8x128xf32>
      %roll3A_270 = arith.constant 4 : i32
      %roll3A_271 = tpu.dynamic_rotate %select_n3A_264 by %roll3A_270 dim 1 : vector<8x128xf32>, i32 -> vector<8x128xf32>
      %roll3A_272 = arith.constant 4 : i32
      %roll3A_273 = tpu.dynamic_rotate %select_n3A_265 by %roll3A_272 dim 1 : vector<8x128xf32>, i32 -> vector<8x128xf32>
      %roll3A_274 = arith.constant 4 : i32
      %roll3A_275 = tpu.dynamic_rotate %select_n3A_266 by %roll3A_274 dim 1 : vector<8x128xf32>, i32 -> vector<8x128xf32>
      %roll3A_276 = arith.constant 4 : i32
      %roll3A_277 = tpu.dynamic_rotate %select_n3A_267 by %roll3A_276 dim 1 : vector<8x128xi32>, i32 -> vector<8x128xi32>
      %gt3A_278 = arith.cmpf ogt, %roll3A_269, %select_n3A_263 : vector<8x128xf32>
      %eq3A_279 = arith.cmpf oeq, %roll3A_269, %select_n3A_263 : vector<8x128xf32>
      %lt3A_280 = arith.cmpi slt, %roll3A_277, %select_n3A_267 : vector<8x128xi32>
      %and3A_281 = arith.andi %eq3A_279, %lt3A_280 : vector<8x128xi1>
      %or3A_282 = arith.ori %gt3A_278, %and3A_281 : vector<8x128xi1>
      %select_n3A_283 = arith.select %or3A_282, %roll3A_269, %select_n3A_263 : vector<8x128xi1>, vector<8x128xf32>
      %select_n3A_284 = arith.select %or3A_282, %roll3A_271, %select_n3A_264 : vector<8x128xi1>, vector<8x128xf32>
      %select_n3A_285 = arith.select %or3A_282, %roll3A_273, %select_n3A_265 : vector<8x128xi1>, vector<8x128xf32>
      %select_n3A_286 = arith.select %or3A_282, %roll3A_275, %select_n3A_266 : vector<8x128xi1>, vector<8x128xf32>
      %select_n3A_287 = arith.select %or3A_282, %roll3A_277, %select_n3A_267 : vector<8x128xi1>, vector<8x128xi32>
      %roll3A_288 = arith.constant 2 : i32
      %roll3A_289 = tpu.dynamic_rotate %select_n3A_283 by %roll3A_288 dim 1 : vector<8x128xf32>, i32 -> vector<8x128xf32>
      %roll3A_290 = arith.constant 2 : i32
      %roll3A_291 = tpu.dynamic_rotate %select_n3A_284 by %roll3A_290 dim 1 : vector<8x128xf32>, i32 -> vector<8x128xf32>
      %roll3A_292 = arith.constant 2 : i32
      %roll3A_293 = tpu.dynamic_rotate %select_n3A_285 by %roll3A_292 dim 1 : vector<8x128xf32>, i32 -> vector<8x128xf32>
      %roll3A_294 = arith.constant 2 : i32
      %roll3A_295 = tpu.dynamic_rotate %select_n3A_286 by %roll3A_294 dim 1 : vector<8x128xf32>, i32 -> vector<8x128xf32>
      %roll3A_296 = arith.constant 2 : i32
      %roll3A_297 = tpu.dynamic_rotate %select_n3A_287 by %roll3A_296 dim 1 : vector<8x128xi32>, i32 -> vector<8x128xi32>
      %gt3A_298 = arith.cmpf ogt, %roll3A_289, %select_n3A_283 : vector<8x128xf32>
      %eq3A_299 = arith.cmpf oeq, %roll3A_289, %select_n3A_283 : vector<8x128xf32>
      %lt3A_300 = arith.cmpi slt, %roll3A_297, %select_n3A_287 : vector<8x128xi32>
      %and3A_301 = arith.andi %eq3A_299, %lt3A_300 : vector<8x128xi1>
      %or3A_302 = arith.ori %gt3A_298, %and3A_301 : vector<8x128xi1>
      %select_n3A_303 = arith.select %or3A_302, %roll3A_289, %select_n3A_283 : vector<8x128xi1>, vector<8x128xf32>
      %select_n3A_304 = arith.select %or3A_302, %roll3A_291, %select_n3A_284 : vector<8x128xi1>, vector<8x128xf32>
      %select_n3A_305 = arith.select %or3A_302, %roll3A_293, %select_n3A_285 : vector<8x128xi1>, vector<8x128xf32>
      %select_n3A_306 = arith.select %or3A_302, %roll3A_295, %select_n3A_286 : vector<8x128xi1>, vector<8x128xf32>
      %select_n3A_307 = arith.select %or3A_302, %roll3A_297, %select_n3A_287 : vector<8x128xi1>, vector<8x128xi32>
      %roll3A_308 = arith.constant 1 : i32
      %roll3A_309 = tpu.dynamic_rotate %select_n3A_303 by %roll3A_308 dim 1 : vector<8x128xf32>, i32 -> vector<8x128xf32>
      %roll3A_310 = arith.constant 1 : i32
      %roll3A_311 = tpu.dynamic_rotate %select_n3A_304 by %roll3A_310 dim 1 : vector<8x128xf32>, i32 -> vector<8x128xf32>
      %roll3A_312 = arith.constant 1 : i32
      %roll3A_313 = tpu.dynamic_rotate %select_n3A_305 by %roll3A_312 dim 1 : vector<8x128xf32>, i32 -> vector<8x128xf32>
      %roll3A_314 = arith.constant 1 : i32
      %roll3A_315 = tpu.dynamic_rotate %select_n3A_306 by %roll3A_314 dim 1 : vector<8x128xf32>, i32 -> vector<8x128xf32>
      %roll3A_316 = arith.constant 1 : i32
      %roll3A_317 = tpu.dynamic_rotate %select_n3A_307 by %roll3A_316 dim 1 : vector<8x128xi32>, i32 -> vector<8x128xi32>
      %gt3A_318 = arith.cmpf ogt, %roll3A_309, %select_n3A_303 : vector<8x128xf32>
      %eq3A_319 = arith.cmpf oeq, %roll3A_309, %select_n3A_303 : vector<8x128xf32>
      %lt3A_320 = arith.cmpi slt, %roll3A_317, %select_n3A_307 : vector<8x128xi32>
      %and3A_321 = arith.andi %eq3A_319, %lt3A_320 : vector<8x128xi1>
      %or3A_322 = arith.ori %gt3A_318, %and3A_321 : vector<8x128xi1>
      %select_n3A_323 = arith.select %or3A_322, %roll3A_309, %select_n3A_303 : vector<8x128xi1>, vector<8x128xf32>
      %select_n3A_324 = arith.select %or3A_322, %roll3A_311, %select_n3A_304 : vector<8x128xi1>, vector<8x128xf32>
      %select_n3A_325 = arith.select %or3A_322, %roll3A_313, %select_n3A_305 : vector<8x128xi1>, vector<8x128xf32>
      %select_n3A_326 = arith.select %or3A_322, %roll3A_315, %select_n3A_306 : vector<8x128xi1>, vector<8x128xf32>
      %select_n3A_327 = arith.select %or3A_322, %roll3A_317, %select_n3A_307 : vector<8x128xi1>, vector<8x128xi32>
      %roll3A_328 = arith.constant 4 : i32
      %roll3A_329 = tpu.dynamic_rotate %select_n3A_323 by %roll3A_328 dim 0 : vector<8x128xf32>, i32 -> vector<8x128xf32>
      %roll3A_330 = arith.constant 4 : i32
      %roll3A_331 = tpu.dynamic_rotate %select_n3A_324 by %roll3A_330 dim 0 : vector<8x128xf32>, i32 -> vector<8x128xf32>
      %roll3A_332 = arith.constant 4 : i32
      %roll3A_333 = tpu.dynamic_rotate %select_n3A_325 by %roll3A_332 dim 0 : vector<8x128xf32>, i32 -> vector<8x128xf32>
      %roll3A_334 = arith.constant 4 : i32
      %roll3A_335 = tpu.dynamic_rotate %select_n3A_326 by %roll3A_334 dim 0 : vector<8x128xf32>, i32 -> vector<8x128xf32>
      %roll3A_336 = arith.constant 4 : i32
      %roll3A_337 = tpu.dynamic_rotate %select_n3A_327 by %roll3A_336 dim 0 : vector<8x128xi32>, i32 -> vector<8x128xi32>
      %gt3A_338 = arith.cmpf ogt, %roll3A_329, %select_n3A_323 : vector<8x128xf32>
      %eq3A_339 = arith.cmpf oeq, %roll3A_329, %select_n3A_323 : vector<8x128xf32>
      %lt3A_340 = arith.cmpi slt, %roll3A_337, %select_n3A_327 : vector<8x128xi32>
      %and3A_341 = arith.andi %eq3A_339, %lt3A_340 : vector<8x128xi1>
      %or3A_342 = arith.ori %gt3A_338, %and3A_341 : vector<8x128xi1>
      %select_n3A_343 = arith.select %or3A_342, %roll3A_329, %select_n3A_323 : vector<8x128xi1>, vector<8x128xf32>
      %select_n3A_344 = arith.select %or3A_342, %roll3A_331, %select_n3A_324 : vector<8x128xi1>, vector<8x128xf32>
      %select_n3A_345 = arith.select %or3A_342, %roll3A_333, %select_n3A_325 : vector<8x128xi1>, vector<8x128xf32>
      %select_n3A_346 = arith.select %or3A_342, %roll3A_335, %select_n3A_326 : vector<8x128xi1>, vector<8x128xf32>
      %select_n3A_347 = arith.select %or3A_342, %roll3A_337, %select_n3A_327 : vector<8x128xi1>, vector<8x128xi32>
      %roll3A_348 = arith.constant 2 : i32
      %roll3A_349 = tpu.dynamic_rotate %select_n3A_343 by %roll3A_348 dim 0 : vector<8x128xf32>, i32 -> vector<8x128xf32>
      %roll3A_350 = arith.constant 2 : i32
      %roll3A_351 = tpu.dynamic_rotate %select_n3A_344 by %roll3A_350 dim 0 : vector<8x128xf32>, i32 -> vector<8x128xf32>
      %roll3A_352 = arith.constant 2 : i32
      %roll3A_353 = tpu.dynamic_rotate %select_n3A_345 by %roll3A_352 dim 0 : vector<8x128xf32>, i32 -> vector<8x128xf32>
      %roll3A_354 = arith.constant 2 : i32
      %roll3A_355 = tpu.dynamic_rotate %select_n3A_346 by %roll3A_354 dim 0 : vector<8x128xf32>, i32 -> vector<8x128xf32>
      %roll3A_356 = arith.constant 2 : i32
      %roll3A_357 = tpu.dynamic_rotate %select_n3A_347 by %roll3A_356 dim 0 : vector<8x128xi32>, i32 -> vector<8x128xi32>
      %gt3A_358 = arith.cmpf ogt, %roll3A_349, %select_n3A_343 : vector<8x128xf32>
      %eq3A_359 = arith.cmpf oeq, %roll3A_349, %select_n3A_343 : vector<8x128xf32>
      %lt3A_360 = arith.cmpi slt, %roll3A_357, %select_n3A_347 : vector<8x128xi32>
      %and3A_361 = arith.andi %eq3A_359, %lt3A_360 : vector<8x128xi1>
      %or3A_362 = arith.ori %gt3A_358, %and3A_361 : vector<8x128xi1>
      %select_n3A_363 = arith.select %or3A_362, %roll3A_349, %select_n3A_343 : vector<8x128xi1>, vector<8x128xf32>
      %select_n3A_364 = arith.select %or3A_362, %roll3A_351, %select_n3A_344 : vector<8x128xi1>, vector<8x128xf32>
      %select_n3A_365 = arith.select %or3A_362, %roll3A_353, %select_n3A_345 : vector<8x128xi1>, vector<8x128xf32>
      %select_n3A_366 = arith.select %or3A_362, %roll3A_355, %select_n3A_346 : vector<8x128xi1>, vector<8x128xf32>
      %select_n3A_367 = arith.select %or3A_362, %roll3A_357, %select_n3A_347 : vector<8x128xi1>, vector<8x128xi32>
      %roll3A_368 = arith.constant 1 : i32
      %roll3A_369 = tpu.dynamic_rotate %select_n3A_363 by %roll3A_368 dim 0 : vector<8x128xf32>, i32 -> vector<8x128xf32>
      %roll3A_370 = arith.constant 1 : i32
      %roll3A_371 = tpu.dynamic_rotate %select_n3A_364 by %roll3A_370 dim 0 : vector<8x128xf32>, i32 -> vector<8x128xf32>
      %roll3A_372 = arith.constant 1 : i32
      %roll3A_373 = tpu.dynamic_rotate %select_n3A_365 by %roll3A_372 dim 0 : vector<8x128xf32>, i32 -> vector<8x128xf32>
      %roll3A_374 = arith.constant 1 : i32
      %roll3A_375 = tpu.dynamic_rotate %select_n3A_366 by %roll3A_374 dim 0 : vector<8x128xf32>, i32 -> vector<8x128xf32>
      %roll3A_376 = arith.constant 1 : i32
      %roll3A_377 = tpu.dynamic_rotate %select_n3A_367 by %roll3A_376 dim 0 : vector<8x128xi32>, i32 -> vector<8x128xi32>
      %gt3A_378 = arith.cmpf ogt, %roll3A_369, %select_n3A_363 : vector<8x128xf32>
      %eq3A_379 = arith.cmpf oeq, %roll3A_369, %select_n3A_363 : vector<8x128xf32>
      %lt3A_380 = arith.cmpi slt, %roll3A_377, %select_n3A_367 : vector<8x128xi32>
      %and3A_381 = arith.andi %eq3A_379, %lt3A_380 : vector<8x128xi1>
      %or3A_382 = arith.ori %gt3A_378, %and3A_381 : vector<8x128xi1>
      %select_n3A_383 = arith.select %or3A_382, %roll3A_371, %select_n3A_364 : vector<8x128xi1>, vector<8x128xf32>
      %select_n3A_384 = arith.select %or3A_382, %roll3A_373, %select_n3A_365 : vector<8x128xi1>, vector<8x128xf32>
      %select_n3A_385 = arith.select %or3A_382, %roll3A_375, %select_n3A_366 : vector<8x128xi1>, vector<8x128xf32>
      %slice3A_386 = vector.extract_strided_slice %select_n3A_383 {offsets = [0, 0], sizes = [1, 1], strides = [1, 1]} : vector<8x128xf32> to vector<1x1xf32>
      %slice3A_387 = vector.extract_strided_slice %select_n3A_384 {offsets = [0, 0], sizes = [1, 1], strides = [1, 1]} : vector<8x128xf32> to vector<1x1xf32>
      %slice3A_388 = vector.extract_strided_slice %select_n3A_385 {offsets = [0, 0], sizes = [1, 1], strides = [1, 1]} : vector<8x128xf32> to vector<1x1xf32>
      %concatenate3A_389 = tpu.concatenate %scan3A_105, %scan3A_106, %scan3A_107 in 1 : vector<1x1xf32>, vector<1x1xf32>, vector<1x1xf32> -> vector<1x3xf32>
      %swap3A_390 = arith.index_cast %scan3A_97 : i32 to index
      %swap3A_391 = arith.constant 0 : index
      %swap3A_392 = vector.load %arg2[%swap3A_390, %swap3A_391] : memref<2048x3xf32, #tpu.memory_space<vmem>>, vector<1x3xf32>
      tpu.vector_store %arg2[%swap3A_390, %swap3A_391], %concatenate3A_389 {strides = array<i32>} : memref<2048x3xf32, #tpu.memory_space<vmem>>, vector<1x3xf32>,
      %sub3A_393 = vector.broadcast %scan3A_105 : vector<1x1xf32> to vector<8x1024xf32>
      %sub3A_394 = arith.subf %get3A_10, %sub3A_393 : vector<8x1024xf32>
      %sub3A_395 = vector.broadcast %scan3A_106 : vector<1x1xf32> to vector<8x1024xf32>
      %sub3A_396 = arith.subf %get3A_34, %sub3A_395 : vector<8x1024xf32>
      %sub3A_397 = vector.broadcast %scan3A_107 : vector<1x1xf32> to vector<8x1024xf32>
      %sub3A_398 = arith.subf %get3A_58, %sub3A_397 : vector<8x1024xf32>
      %mul3A_399 = arith.mulf %sub3A_394, %sub3A_394 : vector<8x1024xf32>
      %mul3A_400 = arith.mulf %sub3A_396, %sub3A_396 : vector<8x1024xf32>
      %add3A_401 = arith.addf %mul3A_399, %mul3A_400 : vector<8x1024xf32>
      %mul3A_402 = arith.mulf %sub3A_398, %sub3A_398 : vector<8x1024xf32>
      %add3A_403 = arith.addf %add3A_401, %mul3A_402 : vector<8x1024xf32>
      %min3A_404 = arith.minimumf %scan3A_99, %add3A_403 : vector<8x1024xf32>
      %reshape3A_405 = vector.shape_cast %min3A_404 : vector<8x1024xf32> to vector<8x8x128xf32>
      %reshape3A_406 = vector.shape_cast %get3A_10 : vector<8x1024xf32> to vector<8x8x128xf32>
      %reshape3A_407 = vector.shape_cast %get3A_34 : vector<8x1024xf32> to vector<8x8x128xf32>
      %reshape3A_408 = vector.shape_cast %get3A_58 : vector<8x1024xf32> to vector<8x8x128xf32>
      %reshape3A_409 = vector.shape_cast %add3A : vector<8x1024xi32> to vector<8x8x128xi32>
      %slice3A_410 = vector.extract_strided_slice %reshape3A_405 {offsets = [0, 0, 0], sizes = [8, 4, 128], strides = [1, 1, 1]} : vector<8x8x128xf32> to vector<8x4x128xf32>
      %slice3A_411 = vector.extract_strided_slice %reshape3A_406 {offsets = [0, 0, 0], sizes = [8, 4, 128], strides = [1, 1, 1]} : vector<8x8x128xf32> to vector<8x4x128xf32>
      %slice3A_412 = vector.extract_strided_slice %reshape3A_407 {offsets = [0, 0, 0], sizes = [8, 4, 128], strides = [1, 1, 1]} : vector<8x8x128xf32> to vector<8x4x128xf32>
      %slice3A_413 = vector.extract_strided_slice %reshape3A_408 {offsets = [0, 0, 0], sizes = [8, 4, 128], strides = [1, 1, 1]} : vector<8x8x128xf32> to vector<8x4x128xf32>
      %slice3A_414 = vector.extract_strided_slice %reshape3A_409 {offsets = [0, 0, 0], sizes = [8, 4, 128], strides = [1, 1, 1]} : vector<8x8x128xi32> to vector<8x4x128xi32>
      %slice3A_415 = vector.extract_strided_slice %reshape3A_405 {offsets = [0, 4, 0], sizes = [8, 4, 128], strides = [1, 1, 1]} : vector<8x8x128xf32> to vector<8x4x128xf32>
      %slice3A_416 = vector.extract_strided_slice %reshape3A_406 {offsets = [0, 4, 0], sizes = [8, 4, 128], strides = [1, 1, 1]} : vector<8x8x128xf32> to vector<8x4x128xf32>
      %slice3A_417 = vector.extract_strided_slice %reshape3A_407 {offsets = [0, 4, 0], sizes = [8, 4, 128], strides = [1, 1, 1]} : vector<8x8x128xf32> to vector<8x4x128xf32>
      %slice3A_418 = vector.extract_strided_slice %reshape3A_408 {offsets = [0, 4, 0], sizes = [8, 4, 128], strides = [1, 1, 1]} : vector<8x8x128xf32> to vector<8x4x128xf32>
      %slice3A_419 = vector.extract_strided_slice %reshape3A_409 {offsets = [0, 4, 0], sizes = [8, 4, 128], strides = [1, 1, 1]} : vector<8x8x128xi32> to vector<8x4x128xi32>
      %gt3A_420 = arith.cmpf ogt, %slice3A_415, %slice3A_410 : vector<8x4x128xf32>
      %eq3A_421 = arith.cmpf oeq, %slice3A_415, %slice3A_410 : vector<8x4x128xf32>
      %lt3A_422 = arith.cmpi slt, %slice3A_419, %slice3A_414 : vector<8x4x128xi32>
      %and3A_423 = arith.andi %eq3A_421, %lt3A_422 : vector<8x4x128xi1>
      %or3A_424 = arith.ori %gt3A_420, %and3A_423 : vector<8x4x128xi1>
      %select_n3A_425 = arith.select %or3A_424, %slice3A_415, %slice3A_410 : vector<8x4x128xi1>, vector<8x4x128xf32>
      %select_n3A_426 = arith.select %or3A_424, %slice3A_416, %slice3A_411 : vector<8x4x128xi1>, vector<8x4x128xf32>
      %select_n3A_427 = arith.select %or3A_424, %slice3A_417, %slice3A_412 : vector<8x4x128xi1>, vector<8x4x128xf32>
      %select_n3A_428 = arith.select %or3A_424, %slice3A_418, %slice3A_413 : vector<8x4x128xi1>, vector<8x4x128xf32>
      %select_n3A_429 = arith.select %or3A_424, %slice3A_419, %slice3A_414 : vector<8x4x128xi1>, vector<8x4x128xi32>
      %slice3A_430 = vector.extract_strided_slice %select_n3A_425 {offsets = [0, 0, 0], sizes = [8, 2, 128], strides = [1, 1, 1]} : vector<8x4x128xf32> to vector<8x2x128xf32>
      %slice3A_431 = vector.extract_strided_slice %select_n3A_426 {offsets = [0, 0, 0], sizes = [8, 2, 128], strides = [1, 1, 1]} : vector<8x4x128xf32> to vector<8x2x128xf32>
      %slice3A_432 = vector.extract_strided_slice %select_n3A_427 {offsets = [0, 0, 0], sizes = [8, 2, 128], strides = [1, 1, 1]} : vector<8x4x128xf32> to vector<8x2x128xf32>
      %slice3A_433 = vector.extract_strided_slice %select_n3A_428 {offsets = [0, 0, 0], sizes = [8, 2, 128], strides = [1, 1, 1]} : vector<8x4x128xf32> to vector<8x2x128xf32>
      %slice3A_434 = vector.extract_strided_slice %select_n3A_429 {offsets = [0, 0, 0], sizes = [8, 2, 128], strides = [1, 1, 1]} : vector<8x4x128xi32> to vector<8x2x128xi32>
      %slice3A_435 = vector.extract_strided_slice %select_n3A_425 {offsets = [0, 2, 0], sizes = [8, 2, 128], strides = [1, 1, 1]} : vector<8x4x128xf32> to vector<8x2x128xf32>
      %slice3A_436 = vector.extract_strided_slice %select_n3A_426 {offsets = [0, 2, 0], sizes = [8, 2, 128], strides = [1, 1, 1]} : vector<8x4x128xf32> to vector<8x2x128xf32>
      %slice3A_437 = vector.extract_strided_slice %select_n3A_427 {offsets = [0, 2, 0], sizes = [8, 2, 128], strides = [1, 1, 1]} : vector<8x4x128xf32> to vector<8x2x128xf32>
      %slice3A_438 = vector.extract_strided_slice %select_n3A_428 {offsets = [0, 2, 0], sizes = [8, 2, 128], strides = [1, 1, 1]} : vector<8x4x128xf32> to vector<8x2x128xf32>
      %slice3A_439 = vector.extract_strided_slice %select_n3A_429 {offsets = [0, 2, 0], sizes = [8, 2, 128], strides = [1, 1, 1]} : vector<8x4x128xi32> to vector<8x2x128xi32>
      %gt3A_440 = arith.cmpf ogt, %slice3A_435, %slice3A_430 : vector<8x2x128xf32>
      %eq3A_441 = arith.cmpf oeq, %slice3A_435, %slice3A_430 : vector<8x2x128xf32>
      %lt3A_442 = arith.cmpi slt, %slice3A_439, %slice3A_434 : vector<8x2x128xi32>
      %and3A_443 = arith.andi %eq3A_441, %lt3A_442 : vector<8x2x128xi1>
      %or3A_444 = arith.ori %gt3A_440, %and3A_443 : vector<8x2x128xi1>
      %select_n3A_445 = arith.select %or3A_444, %slice3A_435, %slice3A_430 : vector<8x2x128xi1>, vector<8x2x128xf32>
      %select_n3A_446 = arith.select %or3A_444, %slice3A_436, %slice3A_431 : vector<8x2x128xi1>, vector<8x2x128xf32>
      %select_n3A_447 = arith.select %or3A_444, %slice3A_437, %slice3A_432 : vector<8x2x128xi1>, vector<8x2x128xf32>
      %select_n3A_448 = arith.select %or3A_444, %slice3A_438, %slice3A_433 : vector<8x2x128xi1>, vector<8x2x128xf32>
      %select_n3A_449 = arith.select %or3A_444, %slice3A_439, %slice3A_434 : vector<8x2x128xi1>, vector<8x2x128xi32>
      %slice3A_450 = vector.extract_strided_slice %select_n3A_445 {offsets = [0, 0, 0], sizes = [8, 1, 128], strides = [1, 1, 1]} : vector<8x2x128xf32> to vector<8x1x128xf32>
      %slice3A_451 = vector.extract_strided_slice %select_n3A_446 {offsets = [0, 0, 0], sizes = [8, 1, 128], strides = [1, 1, 1]} : vector<8x2x128xf32> to vector<8x1x128xf32>
      %slice3A_452 = vector.extract_strided_slice %select_n3A_447 {offsets = [0, 0, 0], sizes = [8, 1, 128], strides = [1, 1, 1]} : vector<8x2x128xf32> to vector<8x1x128xf32>
      %slice3A_453 = vector.extract_strided_slice %select_n3A_448 {offsets = [0, 0, 0], sizes = [8, 1, 128], strides = [1, 1, 1]} : vector<8x2x128xf32> to vector<8x1x128xf32>
      %slice3A_454 = vector.extract_strided_slice %select_n3A_449 {offsets = [0, 0, 0], sizes = [8, 1, 128], strides = [1, 1, 1]} : vector<8x2x128xi32> to vector<8x1x128xi32>
      %slice3A_455 = vector.extract_strided_slice %select_n3A_445 {offsets = [0, 1, 0], sizes = [8, 1, 128], strides = [1, 1, 1]} : vector<8x2x128xf32> to vector<8x1x128xf32>
      %slice3A_456 = vector.extract_strided_slice %select_n3A_446 {offsets = [0, 1, 0], sizes = [8, 1, 128], strides = [1, 1, 1]} : vector<8x2x128xf32> to vector<8x1x128xf32>
      %slice3A_457 = vector.extract_strided_slice %select_n3A_447 {offsets = [0, 1, 0], sizes = [8, 1, 128], strides = [1, 1, 1]} : vector<8x2x128xf32> to vector<8x1x128xf32>
      %slice3A_458 = vector.extract_strided_slice %select_n3A_448 {offsets = [0, 1, 0], sizes = [8, 1, 128], strides = [1, 1, 1]} : vector<8x2x128xf32> to vector<8x1x128xf32>
      %slice3A_459 = vector.extract_strided_slice %select_n3A_449 {offsets = [0, 1, 0], sizes = [8, 1, 128], strides = [1, 1, 1]} : vector<8x2x128xi32> to vector<8x1x128xi32>
      %gt3A_460 = arith.cmpf ogt, %slice3A_455, %slice3A_450 : vector<8x1x128xf32>
      %eq3A_461 = arith.cmpf oeq, %slice3A_455, %slice3A_450 : vector<8x1x128xf32>
      %lt3A_462 = arith.cmpi slt, %slice3A_459, %slice3A_454 : vector<8x1x128xi32>
      %and3A_463 = arith.andi %eq3A_461, %lt3A_462 : vector<8x1x128xi1>
      %or3A_464 = arith.ori %gt3A_460, %and3A_463 : vector<8x1x128xi1>
      %select_n3A_465 = arith.select %or3A_464, %slice3A_455, %slice3A_450 : vector<8x1x128xi1>, vector<8x1x128xf32>
      %select_n3A_466 = arith.select %or3A_464, %slice3A_456, %slice3A_451 : vector<8x1x128xi1>, vector<8x1x128xf32>
      %select_n3A_467 = arith.select %or3A_464, %slice3A_457, %slice3A_452 : vector<8x1x128xi1>, vector<8x1x128xf32>
      %select_n3A_468 = arith.select %or3A_464, %slice3A_458, %slice3A_453 : vector<8x1x128xi1>, vector<8x1x128xf32>
      %select_n3A_469 = arith.select %or3A_464, %slice3A_459, %slice3A_454 : vector<8x1x128xi1>, vector<8x1x128xi32>
      %reshape3A_470 = vector.shape_cast %select_n3A_465 : vector<8x1x128xf32> to vector<8x128xf32>
      %reshape3A_471 = vector.shape_cast %select_n3A_466 : vector<8x1x128xf32> to vector<8x128xf32>
      %reshape3A_472 = vector.shape_cast %select_n3A_467 : vector<8x1x128xf32> to vector<8x128xf32>
      %reshape3A_473 = vector.shape_cast %select_n3A_468 : vector<8x1x128xf32> to vector<8x128xf32>
      %reshape3A_474 = vector.shape_cast %select_n3A_469 : vector<8x1x128xi32> to vector<8x128xi32>
      %roll3A_475 = arith.constant 64 : i32
      %roll3A_476 = tpu.dynamic_rotate %reshape3A_470 by %roll3A_475 dim 1 : vector<8x128xf32>, i32 -> vector<8x128xf32>
      %roll3A_477 = arith.constant 64 : i32
      %roll3A_478 = tpu.dynamic_rotate %reshape3A_471 by %roll3A_477 dim 1 : vector<8x128xf32>, i32 -> vector<8x128xf32>
      %roll3A_479 = arith.constant 64 : i32
      %roll3A_480 = tpu.dynamic_rotate %reshape3A_472 by %roll3A_479 dim 1 : vector<8x128xf32>, i32 -> vector<8x128xf32>
      %roll3A_481 = arith.constant 64 : i32
      %roll3A_482 = tpu.dynamic_rotate %reshape3A_473 by %roll3A_481 dim 1 : vector<8x128xf32>, i32 -> vector<8x128xf32>
      %roll3A_483 = arith.constant 64 : i32
      %roll3A_484 = tpu.dynamic_rotate %reshape3A_474 by %roll3A_483 dim 1 : vector<8x128xi32>, i32 -> vector<8x128xi32>
      %gt3A_485 = arith.cmpf ogt, %roll3A_476, %reshape3A_470 : vector<8x128xf32>
      %eq3A_486 = arith.cmpf oeq, %roll3A_476, %reshape3A_470 : vector<8x128xf32>
      %lt3A_487 = arith.cmpi slt, %roll3A_484, %reshape3A_474 : vector<8x128xi32>
      %and3A_488 = arith.andi %eq3A_486, %lt3A_487 : vector<8x128xi1>
      %or3A_489 = arith.ori %gt3A_485, %and3A_488 : vector<8x128xi1>
      %select_n3A_490 = arith.select %or3A_489, %roll3A_476, %reshape3A_470 : vector<8x128xi1>, vector<8x128xf32>
      %select_n3A_491 = arith.select %or3A_489, %roll3A_478, %reshape3A_471 : vector<8x128xi1>, vector<8x128xf32>
      %select_n3A_492 = arith.select %or3A_489, %roll3A_480, %reshape3A_472 : vector<8x128xi1>, vector<8x128xf32>
      %select_n3A_493 = arith.select %or3A_489, %roll3A_482, %reshape3A_473 : vector<8x128xi1>, vector<8x128xf32>
      %select_n3A_494 = arith.select %or3A_489, %roll3A_484, %reshape3A_474 : vector<8x128xi1>, vector<8x128xi32>
      %roll3A_495 = arith.constant 32 : i32
      %roll3A_496 = tpu.dynamic_rotate %select_n3A_490 by %roll3A_495 dim 1 : vector<8x128xf32>, i32 -> vector<8x128xf32>
      %roll3A_497 = arith.constant 32 : i32
      %roll3A_498 = tpu.dynamic_rotate %select_n3A_491 by %roll3A_497 dim 1 : vector<8x128xf32>, i32 -> vector<8x128xf32>
      %roll3A_499 = arith.constant 32 : i32
      %roll3A_500 = tpu.dynamic_rotate %select_n3A_492 by %roll3A_499 dim 1 : vector<8x128xf32>, i32 -> vector<8x128xf32>
      %roll3A_501 = arith.constant 32 : i32
      %roll3A_502 = tpu.dynamic_rotate %select_n3A_493 by %roll3A_501 dim 1 : vector<8x128xf32>, i32 -> vector<8x128xf32>
      %roll3A_503 = arith.constant 32 : i32
      %roll3A_504 = tpu.dynamic_rotate %select_n3A_494 by %roll3A_503 dim 1 : vector<8x128xi32>, i32 -> vector<8x128xi32>
      %gt3A_505 = arith.cmpf ogt, %roll3A_496, %select_n3A_490 : vector<8x128xf32>
      %eq3A_506 = arith.cmpf oeq, %roll3A_496, %select_n3A_490 : vector<8x128xf32>
      %lt3A_507 = arith.cmpi slt, %roll3A_504, %select_n3A_494 : vector<8x128xi32>
      %and3A_508 = arith.andi %eq3A_506, %lt3A_507 : vector<8x128xi1>
      %or3A_509 = arith.ori %gt3A_505, %and3A_508 : vector<8x128xi1>
      %select_n3A_510 = arith.select %or3A_509, %roll3A_496, %select_n3A_490 : vector<8x128xi1>, vector<8x128xf32>
      %select_n3A_511 = arith.select %or3A_509, %roll3A_498, %select_n3A_491 : vector<8x128xi1>, vector<8x128xf32>
      %select_n3A_512 = arith.select %or3A_509, %roll3A_500, %select_n3A_492 : vector<8x128xi1>, vector<8x128xf32>
      %select_n3A_513 = arith.select %or3A_509, %roll3A_502, %select_n3A_493 : vector<8x128xi1>, vector<8x128xf32>
      %select_n3A_514 = arith.select %or3A_509, %roll3A_504, %select_n3A_494 : vector<8x128xi1>, vector<8x128xi32>
      %roll3A_515 = arith.constant 16 : i32
      %roll3A_516 = tpu.dynamic_rotate %select_n3A_510 by %roll3A_515 dim 1 : vector<8x128xf32>, i32 -> vector<8x128xf32>
      %roll3A_517 = arith.constant 16 : i32
      %roll3A_518 = tpu.dynamic_rotate %select_n3A_511 by %roll3A_517 dim 1 : vector<8x128xf32>, i32 -> vector<8x128xf32>
      %roll3A_519 = arith.constant 16 : i32
      %roll3A_520 = tpu.dynamic_rotate %select_n3A_512 by %roll3A_519 dim 1 : vector<8x128xf32>, i32 -> vector<8x128xf32>
      %roll3A_521 = arith.constant 16 : i32
      %roll3A_522 = tpu.dynamic_rotate %select_n3A_513 by %roll3A_521 dim 1 : vector<8x128xf32>, i32 -> vector<8x128xf32>
      %roll3A_523 = arith.constant 16 : i32
      %roll3A_524 = tpu.dynamic_rotate %select_n3A_514 by %roll3A_523 dim 1 : vector<8x128xi32>, i32 -> vector<8x128xi32>
      %gt3A_525 = arith.cmpf ogt, %roll3A_516, %select_n3A_510 : vector<8x128xf32>
      %eq3A_526 = arith.cmpf oeq, %roll3A_516, %select_n3A_510 : vector<8x128xf32>
      %lt3A_527 = arith.cmpi slt, %roll3A_524, %select_n3A_514 : vector<8x128xi32>
      %and3A_528 = arith.andi %eq3A_526, %lt3A_527 : vector<8x128xi1>
      %or3A_529 = arith.ori %gt3A_525, %and3A_528 : vector<8x128xi1>
      %select_n3A_530 = arith.select %or3A_529, %roll3A_516, %select_n3A_510 : vector<8x128xi1>, vector<8x128xf32>
      %select_n3A_531 = arith.select %or3A_529, %roll3A_518, %select_n3A_511 : vector<8x128xi1>, vector<8x128xf32>
      %select_n3A_532 = arith.select %or3A_529, %roll3A_520, %select_n3A_512 : vector<8x128xi1>, vector<8x128xf32>
      %select_n3A_533 = arith.select %or3A_529, %roll3A_522, %select_n3A_513 : vector<8x128xi1>, vector<8x128xf32>
      %select_n3A_534 = arith.select %or3A_529, %roll3A_524, %select_n3A_514 : vector<8x128xi1>, vector<8x128xi32>
      %roll3A_535 = arith.constant 8 : i32
      %roll3A_536 = tpu.dynamic_rotate %select_n3A_530 by %roll3A_535 dim 1 : vector<8x128xf32>, i32 -> vector<8x128xf32>
      %roll3A_537 = arith.constant 8 : i32
      %roll3A_538 = tpu.dynamic_rotate %select_n3A_531 by %roll3A_537 dim 1 : vector<8x128xf32>, i32 -> vector<8x128xf32>
      %roll3A_539 = arith.constant 8 : i32
      %roll3A_540 = tpu.dynamic_rotate %select_n3A_532 by %roll3A_539 dim 1 : vector<8x128xf32>, i32 -> vector<8x128xf32>
      %roll3A_541 = arith.constant 8 : i32
      %roll3A_542 = tpu.dynamic_rotate %select_n3A_533 by %roll3A_541 dim 1 : vector<8x128xf32>, i32 -> vector<8x128xf32>
      %roll3A_543 = arith.constant 8 : i32
      %roll3A_544 = tpu.dynamic_rotate %select_n3A_534 by %roll3A_543 dim 1 : vector<8x128xi32>, i32 -> vector<8x128xi32>
      %gt3A_545 = arith.cmpf ogt, %roll3A_536, %select_n3A_530 : vector<8x128xf32>
      %eq3A_546 = arith.cmpf oeq, %roll3A_536, %select_n3A_530 : vector<8x128xf32>
      %lt3A_547 = arith.cmpi slt, %roll3A_544, %select_n3A_534 : vector<8x128xi32>
      %and3A_548 = arith.andi %eq3A_546, %lt3A_547 : vector<8x128xi1>
      %or3A_549 = arith.ori %gt3A_545, %and3A_548 : vector<8x128xi1>
      %select_n3A_550 = arith.select %or3A_549, %roll3A_536, %select_n3A_530 : vector<8x128xi1>, vector<8x128xf32>
      %select_n3A_551 = arith.select %or3A_549, %roll3A_538, %select_n3A_531 : vector<8x128xi1>, vector<8x128xf32>
      %select_n3A_552 = arith.select %or3A_549, %roll3A_540, %select_n3A_532 : vector<8x128xi1>, vector<8x128xf32>
      %select_n3A_553 = arith.select %or3A_549, %roll3A_542, %select_n3A_533 : vector<8x128xi1>, vector<8x128xf32>
      %select_n3A_554 = arith.select %or3A_549, %roll3A_544, %select_n3A_534 : vector<8x128xi1>, vector<8x128xi32>
      %roll3A_555 = arith.constant 4 : i32
      %roll3A_556 = tpu.dynamic_rotate %select_n3A_550 by %roll3A_555 dim 1 : vector<8x128xf32>, i32 -> vector<8x128xf32>
      %roll3A_557 = arith.constant 4 : i32
      %roll3A_558 = tpu.dynamic_rotate %select_n3A_551 by %roll3A_557 dim 1 : vector<8x128xf32>, i32 -> vector<8x128xf32>
      %roll3A_559 = arith.constant 4 : i32
      %roll3A_560 = tpu.dynamic_rotate %select_n3A_552 by %roll3A_559 dim 1 : vector<8x128xf32>, i32 -> vector<8x128xf32>
      %roll3A_561 = arith.constant 4 : i32
      %roll3A_562 = tpu.dynamic_rotate %select_n3A_553 by %roll3A_561 dim 1 : vector<8x128xf32>, i32 -> vector<8x128xf32>
      %roll3A_563 = arith.constant 4 : i32
      %roll3A_564 = tpu.dynamic_rotate %select_n3A_554 by %roll3A_563 dim 1 : vector<8x128xi32>, i32 -> vector<8x128xi32>
      %gt3A_565 = arith.cmpf ogt, %roll3A_556, %select_n3A_550 : vector<8x128xf32>
      %eq3A_566 = arith.cmpf oeq, %roll3A_556, %select_n3A_550 : vector<8x128xf32>
      %lt3A_567 = arith.cmpi slt, %roll3A_564, %select_n3A_554 : vector<8x128xi32>
      %and3A_568 = arith.andi %eq3A_566, %lt3A_567 : vector<8x128xi1>
      %or3A_569 = arith.ori %gt3A_565, %and3A_568 : vector<8x128xi1>
      %select_n3A_570 = arith.select %or3A_569, %roll3A_556, %select_n3A_550 : vector<8x128xi1>, vector<8x128xf32>
      %select_n3A_571 = arith.select %or3A_569, %roll3A_558, %select_n3A_551 : vector<8x128xi1>, vector<8x128xf32>
      %select_n3A_572 = arith.select %or3A_569, %roll3A_560, %select_n3A_552 : vector<8x128xi1>, vector<8x128xf32>
      %select_n3A_573 = arith.select %or3A_569, %roll3A_562, %select_n3A_553 : vector<8x128xi1>, vector<8x128xf32>
      %select_n3A_574 = arith.select %or3A_569, %roll3A_564, %select_n3A_554 : vector<8x128xi1>, vector<8x128xi32>
      %roll3A_575 = arith.constant 2 : i32
      %roll3A_576 = tpu.dynamic_rotate %select_n3A_570 by %roll3A_575 dim 1 : vector<8x128xf32>, i32 -> vector<8x128xf32>
      %roll3A_577 = arith.constant 2 : i32
      %roll3A_578 = tpu.dynamic_rotate %select_n3A_571 by %roll3A_577 dim 1 : vector<8x128xf32>, i32 -> vector<8x128xf32>
      %roll3A_579 = arith.constant 2 : i32
      %roll3A_580 = tpu.dynamic_rotate %select_n3A_572 by %roll3A_579 dim 1 : vector<8x128xf32>, i32 -> vector<8x128xf32>
      %roll3A_581 = arith.constant 2 : i32
      %roll3A_582 = tpu.dynamic_rotate %select_n3A_573 by %roll3A_581 dim 1 : vector<8x128xf32>, i32 -> vector<8x128xf32>
      %roll3A_583 = arith.constant 2 : i32
      %roll3A_584 = tpu.dynamic_rotate %select_n3A_574 by %roll3A_583 dim 1 : vector<8x128xi32>, i32 -> vector<8x128xi32>
      %gt3A_585 = arith.cmpf ogt, %roll3A_576, %select_n3A_570 : vector<8x128xf32>
      %eq3A_586 = arith.cmpf oeq, %roll3A_576, %select_n3A_570 : vector<8x128xf32>
      %lt3A_587 = arith.cmpi slt, %roll3A_584, %select_n3A_574 : vector<8x128xi32>
      %and3A_588 = arith.andi %eq3A_586, %lt3A_587 : vector<8x128xi1>
      %or3A_589 = arith.ori %gt3A_585, %and3A_588 : vector<8x128xi1>
      %select_n3A_590 = arith.select %or3A_589, %roll3A_576, %select_n3A_570 : vector<8x128xi1>, vector<8x128xf32>
      %select_n3A_591 = arith.select %or3A_589, %roll3A_578, %select_n3A_571 : vector<8x128xi1>, vector<8x128xf32>
      %select_n3A_592 = arith.select %or3A_589, %roll3A_580, %select_n3A_572 : vector<8x128xi1>, vector<8x128xf32>
      %select_n3A_593 = arith.select %or3A_589, %roll3A_582, %select_n3A_573 : vector<8x128xi1>, vector<8x128xf32>
      %select_n3A_594 = arith.select %or3A_589, %roll3A_584, %select_n3A_574 : vector<8x128xi1>, vector<8x128xi32>
      %roll3A_595 = arith.constant 1 : i32
      %roll3A_596 = tpu.dynamic_rotate %select_n3A_590 by %roll3A_595 dim 1 : vector<8x128xf32>, i32 -> vector<8x128xf32>
      %roll3A_597 = arith.constant 1 : i32
      %roll3A_598 = tpu.dynamic_rotate %select_n3A_591 by %roll3A_597 dim 1 : vector<8x128xf32>, i32 -> vector<8x128xf32>
      %roll3A_599 = arith.constant 1 : i32
      %roll3A_600 = tpu.dynamic_rotate %select_n3A_592 by %roll3A_599 dim 1 : vector<8x128xf32>, i32 -> vector<8x128xf32>
      %roll3A_601 = arith.constant 1 : i32
      %roll3A_602 = tpu.dynamic_rotate %select_n3A_593 by %roll3A_601 dim 1 : vector<8x128xf32>, i32 -> vector<8x128xf32>
      %roll3A_603 = arith.constant 1 : i32
      %roll3A_604 = tpu.dynamic_rotate %select_n3A_594 by %roll3A_603 dim 1 : vector<8x128xi32>, i32 -> vector<8x128xi32>
      %gt3A_605 = arith.cmpf ogt, %roll3A_596, %select_n3A_590 : vector<8x128xf32>
      %eq3A_606 = arith.cmpf oeq, %roll3A_596, %select_n3A_590 : vector<8x128xf32>
      %lt3A_607 = arith.cmpi slt, %roll3A_604, %select_n3A_594 : vector<8x128xi32>
      %and3A_608 = arith.andi %eq3A_606, %lt3A_607 : vector<8x128xi1>
      %or3A_609 = arith.ori %gt3A_605, %and3A_608 : vector<8x128xi1>
      %select_n3A_610 = arith.select %or3A_609, %roll3A_596, %select_n3A_590 : vector<8x128xi1>, vector<8x128xf32>
      %select_n3A_611 = arith.select %or3A_609, %roll3A_598, %select_n3A_591 : vector<8x128xi1>, vector<8x128xf32>
      %select_n3A_612 = arith.select %or3A_609, %roll3A_600, %select_n3A_592 : vector<8x128xi1>, vector<8x128xf32>
      %select_n3A_613 = arith.select %or3A_609, %roll3A_602, %select_n3A_593 : vector<8x128xi1>, vector<8x128xf32>
      %select_n3A_614 = arith.select %or3A_609, %roll3A_604, %select_n3A_594 : vector<8x128xi1>, vector<8x128xi32>
      %roll3A_615 = arith.constant 4 : i32
      %roll3A_616 = tpu.dynamic_rotate %select_n3A_610 by %roll3A_615 dim 0 : vector<8x128xf32>, i32 -> vector<8x128xf32>
      %roll3A_617 = arith.constant 4 : i32
      %roll3A_618 = tpu.dynamic_rotate %select_n3A_611 by %roll3A_617 dim 0 : vector<8x128xf32>, i32 -> vector<8x128xf32>
      %roll3A_619 = arith.constant 4 : i32
      %roll3A_620 = tpu.dynamic_rotate %select_n3A_612 by %roll3A_619 dim 0 : vector<8x128xf32>, i32 -> vector<8x128xf32>
      %roll3A_621 = arith.constant 4 : i32
      %roll3A_622 = tpu.dynamic_rotate %select_n3A_613 by %roll3A_621 dim 0 : vector<8x128xf32>, i32 -> vector<8x128xf32>
      %roll3A_623 = arith.constant 4 : i32
      %roll3A_624 = tpu.dynamic_rotate %select_n3A_614 by %roll3A_623 dim 0 : vector<8x128xi32>, i32 -> vector<8x128xi32>
      %gt3A_625 = arith.cmpf ogt, %roll3A_616, %select_n3A_610 : vector<8x128xf32>
      %eq3A_626 = arith.cmpf oeq, %roll3A_616, %select_n3A_610 : vector<8x128xf32>
      %lt3A_627 = arith.cmpi slt, %roll3A_624, %select_n3A_614 : vector<8x128xi32>
      %and3A_628 = arith.andi %eq3A_626, %lt3A_627 : vector<8x128xi1>
      %or3A_629 = arith.ori %gt3A_625, %and3A_628 : vector<8x128xi1>
      %select_n3A_630 = arith.select %or3A_629, %roll3A_616, %select_n3A_610 : vector<8x128xi1>, vector<8x128xf32>
      %select_n3A_631 = arith.select %or3A_629, %roll3A_618, %select_n3A_611 : vector<8x128xi1>, vector<8x128xf32>
      %select_n3A_632 = arith.select %or3A_629, %roll3A_620, %select_n3A_612 : vector<8x128xi1>, vector<8x128xf32>
      %select_n3A_633 = arith.select %or3A_629, %roll3A_622, %select_n3A_613 : vector<8x128xi1>, vector<8x128xf32>
      %select_n3A_634 = arith.select %or3A_629, %roll3A_624, %select_n3A_614 : vector<8x128xi1>, vector<8x128xi32>
      %roll3A_635 = arith.constant 2 : i32
      %roll3A_636 = tpu.dynamic_rotate %select_n3A_630 by %roll3A_635 dim 0 : vector<8x128xf32>, i32 -> vector<8x128xf32>
      %roll3A_637 = arith.constant 2 : i32
      %roll3A_638 = tpu.dynamic_rotate %select_n3A_631 by %roll3A_637 dim 0 : vector<8x128xf32>, i32 -> vector<8x128xf32>
      %roll3A_639 = arith.constant 2 : i32
      %roll3A_640 = tpu.dynamic_rotate %select_n3A_632 by %roll3A_639 dim 0 : vector<8x128xf32>, i32 -> vector<8x128xf32>
      %roll3A_641 = arith.constant 2 : i32
      %roll3A_642 = tpu.dynamic_rotate %select_n3A_633 by %roll3A_641 dim 0 : vector<8x128xf32>, i32 -> vector<8x128xf32>
      %roll3A_643 = arith.constant 2 : i32
      %roll3A_644 = tpu.dynamic_rotate %select_n3A_634 by %roll3A_643 dim 0 : vector<8x128xi32>, i32 -> vector<8x128xi32>
      %gt3A_645 = arith.cmpf ogt, %roll3A_636, %select_n3A_630 : vector<8x128xf32>
      %eq3A_646 = arith.cmpf oeq, %roll3A_636, %select_n3A_630 : vector<8x128xf32>
      %lt3A_647 = arith.cmpi slt, %roll3A_644, %select_n3A_634 : vector<8x128xi32>
      %and3A_648 = arith.andi %eq3A_646, %lt3A_647 : vector<8x128xi1>
      %or3A_649 = arith.ori %gt3A_645, %and3A_648 : vector<8x128xi1>
      %select_n3A_650 = arith.select %or3A_649, %roll3A_636, %select_n3A_630 : vector<8x128xi1>, vector<8x128xf32>
      %select_n3A_651 = arith.select %or3A_649, %roll3A_638, %select_n3A_631 : vector<8x128xi1>, vector<8x128xf32>
      %select_n3A_652 = arith.select %or3A_649, %roll3A_640, %select_n3A_632 : vector<8x128xi1>, vector<8x128xf32>
      %select_n3A_653 = arith.select %or3A_649, %roll3A_642, %select_n3A_633 : vector<8x128xi1>, vector<8x128xf32>
      %select_n3A_654 = arith.select %or3A_649, %roll3A_644, %select_n3A_634 : vector<8x128xi1>, vector<8x128xi32>
      %roll3A_655 = arith.constant 1 : i32
      %roll3A_656 = tpu.dynamic_rotate %select_n3A_650 by %roll3A_655 dim 0 : vector<8x128xf32>, i32 -> vector<8x128xf32>
      %roll3A_657 = arith.constant 1 : i32
      %roll3A_658 = tpu.dynamic_rotate %select_n3A_651 by %roll3A_657 dim 0 : vector<8x128xf32>, i32 -> vector<8x128xf32>
      %roll3A_659 = arith.constant 1 : i32
      %roll3A_660 = tpu.dynamic_rotate %select_n3A_652 by %roll3A_659 dim 0 : vector<8x128xf32>, i32 -> vector<8x128xf32>
      %roll3A_661 = arith.constant 1 : i32
      %roll3A_662 = tpu.dynamic_rotate %select_n3A_653 by %roll3A_661 dim 0 : vector<8x128xf32>, i32 -> vector<8x128xf32>
      %roll3A_663 = arith.constant 1 : i32
      %roll3A_664 = tpu.dynamic_rotate %select_n3A_654 by %roll3A_663 dim 0 : vector<8x128xi32>, i32 -> vector<8x128xi32>
      %gt3A_665 = arith.cmpf ogt, %roll3A_656, %select_n3A_650 : vector<8x128xf32>
      %eq3A_666 = arith.cmpf oeq, %roll3A_656, %select_n3A_650 : vector<8x128xf32>
      %lt3A_667 = arith.cmpi slt, %roll3A_664, %select_n3A_654 : vector<8x128xi32>
      %and3A_668 = arith.andi %eq3A_666, %lt3A_667 : vector<8x128xi1>
      %or3A_669 = arith.ori %gt3A_665, %and3A_668 : vector<8x128xi1>
      %select_n3A_670 = arith.select %or3A_669, %roll3A_658, %select_n3A_651 : vector<8x128xi1>, vector<8x128xf32>
      %select_n3A_671 = arith.select %or3A_669, %roll3A_660, %select_n3A_652 : vector<8x128xi1>, vector<8x128xf32>
      %select_n3A_672 = arith.select %or3A_669, %roll3A_662, %select_n3A_653 : vector<8x128xi1>, vector<8x128xf32>
      %slice3A_673 = vector.extract_strided_slice %select_n3A_670 {offsets = [0, 0], sizes = [1, 1], strides = [1, 1]} : vector<8x128xf32> to vector<1x1xf32>
      %slice3A_674 = vector.extract_strided_slice %select_n3A_671 {offsets = [0, 0], sizes = [1, 1], strides = [1, 1]} : vector<8x128xf32> to vector<1x1xf32>
      %slice3A_675 = vector.extract_strided_slice %select_n3A_672 {offsets = [0, 0], sizes = [1, 1], strides = [1, 1]} : vector<8x128xf32> to vector<1x1xf32>
      %concatenate3A_676 = tpu.concatenate %scan3A_108, %scan3A_109, %scan3A_110 in 1 : vector<1x1xf32>, vector<1x1xf32>, vector<1x1xf32> -> vector<1x3xf32>
      %swap3A_677 = arith.index_cast %scan3A_97 : i32 to index
      %swap3A_678 = arith.constant 0 : index
      %swap3A_679 = vector.load %arg3[%swap3A_677, %swap3A_678] : memref<2048x3xf32, #tpu.memory_space<vmem>>, vector<1x3xf32>
      tpu.vector_store %arg3[%swap3A_677, %swap3A_678], %concatenate3A_676 {strides = array<i32>} : memref<2048x3xf32, #tpu.memory_space<vmem>>, vector<1x3xf32>,
      %sub3A_680 = vector.broadcast %scan3A_108 : vector<1x1xf32> to vector<8x1024xf32>
      %sub3A_681 = arith.subf %get3A_16, %sub3A_680 : vector<8x1024xf32>
      %sub3A_682 = vector.broadcast %scan3A_109 : vector<1x1xf32> to vector<8x1024xf32>
      %sub3A_683 = arith.subf %get3A_40, %sub3A_682 : vector<8x1024xf32>
      %sub3A_684 = vector.broadcast %scan3A_110 : vector<1x1xf32> to vector<8x1024xf32>
      %sub3A_685 = arith.subf %get3A_64, %sub3A_684 : vector<8x1024xf32>
      %mul3A_686 = arith.mulf %sub3A_681, %sub3A_681 : vector<8x1024xf32>
      %mul3A_687 = arith.mulf %sub3A_683, %sub3A_683 : vector<8x1024xf32>
      %add3A_688 = arith.addf %mul3A_686, %mul3A_687 : vector<8x1024xf32>
      %mul3A_689 = arith.mulf %sub3A_685, %sub3A_685 : vector<8x1024xf32>
      %add3A_690 = arith.addf %add3A_688, %mul3A_689 : vector<8x1024xf32>
      %min3A_691 = arith.minimumf %scan3A_100, %add3A_690 : vector<8x1024xf32>
      %reshape3A_692 = vector.shape_cast %min3A_691 : vector<8x1024xf32> to vector<8x8x128xf32>
      %reshape3A_693 = vector.shape_cast %get3A_16 : vector<8x1024xf32> to vector<8x8x128xf32>
      %reshape3A_694 = vector.shape_cast %get3A_40 : vector<8x1024xf32> to vector<8x8x128xf32>
      %reshape3A_695 = vector.shape_cast %get3A_64 : vector<8x1024xf32> to vector<8x8x128xf32>
      %reshape3A_696 = vector.shape_cast %add3A : vector<8x1024xi32> to vector<8x8x128xi32>
      %slice3A_697 = vector.extract_strided_slice %reshape3A_692 {offsets = [0, 0, 0], sizes = [8, 4, 128], strides = [1, 1, 1]} : vector<8x8x128xf32> to vector<8x4x128xf32>
      %slice3A_698 = vector.extract_strided_slice %reshape3A_693 {offsets = [0, 0, 0], sizes = [8, 4, 128], strides = [1, 1, 1]} : vector<8x8x128xf32> to vector<8x4x128xf32>
      %slice3A_699 = vector.extract_strided_slice %reshape3A_694 {offsets = [0, 0, 0], sizes = [8, 4, 128], strides = [1, 1, 1]} : vector<8x8x128xf32> to vector<8x4x128xf32>
      %slice3A_700 = vector.extract_strided_slice %reshape3A_695 {offsets = [0, 0, 0], sizes = [8, 4, 128], strides = [1, 1, 1]} : vector<8x8x128xf32> to vector<8x4x128xf32>
      %slice3A_701 = vector.extract_strided_slice %reshape3A_696 {offsets = [0, 0, 0], sizes = [8, 4, 128], strides = [1, 1, 1]} : vector<8x8x128xi32> to vector<8x4x128xi32>
      %slice3A_702 = vector.extract_strided_slice %reshape3A_692 {offsets = [0, 4, 0], sizes = [8, 4, 128], strides = [1, 1, 1]} : vector<8x8x128xf32> to vector<8x4x128xf32>
      %slice3A_703 = vector.extract_strided_slice %reshape3A_693 {offsets = [0, 4, 0], sizes = [8, 4, 128], strides = [1, 1, 1]} : vector<8x8x128xf32> to vector<8x4x128xf32>
      %slice3A_704 = vector.extract_strided_slice %reshape3A_694 {offsets = [0, 4, 0], sizes = [8, 4, 128], strides = [1, 1, 1]} : vector<8x8x128xf32> to vector<8x4x128xf32>
      %slice3A_705 = vector.extract_strided_slice %reshape3A_695 {offsets = [0, 4, 0], sizes = [8, 4, 128], strides = [1, 1, 1]} : vector<8x8x128xf32> to vector<8x4x128xf32>
      %slice3A_706 = vector.extract_strided_slice %reshape3A_696 {offsets = [0, 4, 0], sizes = [8, 4, 128], strides = [1, 1, 1]} : vector<8x8x128xi32> to vector<8x4x128xi32>
      %gt3A_707 = arith.cmpf ogt, %slice3A_702, %slice3A_697 : vector<8x4x128xf32>
      %eq3A_708 = arith.cmpf oeq, %slice3A_702, %slice3A_697 : vector<8x4x128xf32>
      %lt3A_709 = arith.cmpi slt, %slice3A_706, %slice3A_701 : vector<8x4x128xi32>
      %and3A_710 = arith.andi %eq3A_708, %lt3A_709 : vector<8x4x128xi1>
      %or3A_711 = arith.ori %gt3A_707, %and3A_710 : vector<8x4x128xi1>
      %select_n3A_712 = arith.select %or3A_711, %slice3A_702, %slice3A_697 : vector<8x4x128xi1>, vector<8x4x128xf32>
      %select_n3A_713 = arith.select %or3A_711, %slice3A_703, %slice3A_698 : vector<8x4x128xi1>, vector<8x4x128xf32>
      %select_n3A_714 = arith.select %or3A_711, %slice3A_704, %slice3A_699 : vector<8x4x128xi1>, vector<8x4x128xf32>
      %select_n3A_715 = arith.select %or3A_711, %slice3A_705, %slice3A_700 : vector<8x4x128xi1>, vector<8x4x128xf32>
      %select_n3A_716 = arith.select %or3A_711, %slice3A_706, %slice3A_701 : vector<8x4x128xi1>, vector<8x4x128xi32>
      %slice3A_717 = vector.extract_strided_slice %select_n3A_712 {offsets = [0, 0, 0], sizes = [8, 2, 128], strides = [1, 1, 1]} : vector<8x4x128xf32> to vector<8x2x128xf32>
      %slice3A_718 = vector.extract_strided_slice %select_n3A_713 {offsets = [0, 0, 0], sizes = [8, 2, 128], strides = [1, 1, 1]} : vector<8x4x128xf32> to vector<8x2x128xf32>
      %slice3A_719 = vector.extract_strided_slice %select_n3A_714 {offsets = [0, 0, 0], sizes = [8, 2, 128], strides = [1, 1, 1]} : vector<8x4x128xf32> to vector<8x2x128xf32>
      %slice3A_720 = vector.extract_strided_slice %select_n3A_715 {offsets = [0, 0, 0], sizes = [8, 2, 128], strides = [1, 1, 1]} : vector<8x4x128xf32> to vector<8x2x128xf32>
      %slice3A_721 = vector.extract_strided_slice %select_n3A_716 {offsets = [0, 0, 0], sizes = [8, 2, 128], strides = [1, 1, 1]} : vector<8x4x128xi32> to vector<8x2x128xi32>
      %slice3A_722 = vector.extract_strided_slice %select_n3A_712 {offsets = [0, 2, 0], sizes = [8, 2, 128], strides = [1, 1, 1]} : vector<8x4x128xf32> to vector<8x2x128xf32>
      %slice3A_723 = vector.extract_strided_slice %select_n3A_713 {offsets = [0, 2, 0], sizes = [8, 2, 128], strides = [1, 1, 1]} : vector<8x4x128xf32> to vector<8x2x128xf32>
      %slice3A_724 = vector.extract_strided_slice %select_n3A_714 {offsets = [0, 2, 0], sizes = [8, 2, 128], strides = [1, 1, 1]} : vector<8x4x128xf32> to vector<8x2x128xf32>
      %slice3A_725 = vector.extract_strided_slice %select_n3A_715 {offsets = [0, 2, 0], sizes = [8, 2, 128], strides = [1, 1, 1]} : vector<8x4x128xf32> to vector<8x2x128xf32>
      %slice3A_726 = vector.extract_strided_slice %select_n3A_716 {offsets = [0, 2, 0], sizes = [8, 2, 128], strides = [1, 1, 1]} : vector<8x4x128xi32> to vector<8x2x128xi32>
      %gt3A_727 = arith.cmpf ogt, %slice3A_722, %slice3A_717 : vector<8x2x128xf32>
      %eq3A_728 = arith.cmpf oeq, %slice3A_722, %slice3A_717 : vector<8x2x128xf32>
      %lt3A_729 = arith.cmpi slt, %slice3A_726, %slice3A_721 : vector<8x2x128xi32>
      %and3A_730 = arith.andi %eq3A_728, %lt3A_729 : vector<8x2x128xi1>
      %or3A_731 = arith.ori %gt3A_727, %and3A_730 : vector<8x2x128xi1>
      %select_n3A_732 = arith.select %or3A_731, %slice3A_722, %slice3A_717 : vector<8x2x128xi1>, vector<8x2x128xf32>
      %select_n3A_733 = arith.select %or3A_731, %slice3A_723, %slice3A_718 : vector<8x2x128xi1>, vector<8x2x128xf32>
      %select_n3A_734 = arith.select %or3A_731, %slice3A_724, %slice3A_719 : vector<8x2x128xi1>, vector<8x2x128xf32>
      %select_n3A_735 = arith.select %or3A_731, %slice3A_725, %slice3A_720 : vector<8x2x128xi1>, vector<8x2x128xf32>
      %select_n3A_736 = arith.select %or3A_731, %slice3A_726, %slice3A_721 : vector<8x2x128xi1>, vector<8x2x128xi32>
      %slice3A_737 = vector.extract_strided_slice %select_n3A_732 {offsets = [0, 0, 0], sizes = [8, 1, 128], strides = [1, 1, 1]} : vector<8x2x128xf32> to vector<8x1x128xf32>
      %slice3A_738 = vector.extract_strided_slice %select_n3A_733 {offsets = [0, 0, 0], sizes = [8, 1, 128], strides = [1, 1, 1]} : vector<8x2x128xf32> to vector<8x1x128xf32>
      %slice3A_739 = vector.extract_strided_slice %select_n3A_734 {offsets = [0, 0, 0], sizes = [8, 1, 128], strides = [1, 1, 1]} : vector<8x2x128xf32> to vector<8x1x128xf32>
      %slice3A_740 = vector.extract_strided_slice %select_n3A_735 {offsets = [0, 0, 0], sizes = [8, 1, 128], strides = [1, 1, 1]} : vector<8x2x128xf32> to vector<8x1x128xf32>
      %slice3A_741 = vector.extract_strided_slice %select_n3A_736 {offsets = [0, 0, 0], sizes = [8, 1, 128], strides = [1, 1, 1]} : vector<8x2x128xi32> to vector<8x1x128xi32>
      %slice3A_742 = vector.extract_strided_slice %select_n3A_732 {offsets = [0, 1, 0], sizes = [8, 1, 128], strides = [1, 1, 1]} : vector<8x2x128xf32> to vector<8x1x128xf32>
      %slice3A_743 = vector.extract_strided_slice %select_n3A_733 {offsets = [0, 1, 0], sizes = [8, 1, 128], strides = [1, 1, 1]} : vector<8x2x128xf32> to vector<8x1x128xf32>
      %slice3A_744 = vector.extract_strided_slice %select_n3A_734 {offsets = [0, 1, 0], sizes = [8, 1, 128], strides = [1, 1, 1]} : vector<8x2x128xf32> to vector<8x1x128xf32>
      %slice3A_745 = vector.extract_strided_slice %select_n3A_735 {offsets = [0, 1, 0], sizes = [8, 1, 128], strides = [1, 1, 1]} : vector<8x2x128xf32> to vector<8x1x128xf32>
      %slice3A_746 = vector.extract_strided_slice %select_n3A_736 {offsets = [0, 1, 0], sizes = [8, 1, 128], strides = [1, 1, 1]} : vector<8x2x128xi32> to vector<8x1x128xi32>
      %gt3A_747 = arith.cmpf ogt, %slice3A_742, %slice3A_737 : vector<8x1x128xf32>
      %eq3A_748 = arith.cmpf oeq, %slice3A_742, %slice3A_737 : vector<8x1x128xf32>
      %lt3A_749 = arith.cmpi slt, %slice3A_746, %slice3A_741 : vector<8x1x128xi32>
      %and3A_750 = arith.andi %eq3A_748, %lt3A_749 : vector<8x1x128xi1>
      %or3A_751 = arith.ori %gt3A_747, %and3A_750 : vector<8x1x128xi1>
      %select_n3A_752 = arith.select %or3A_751, %slice3A_742, %slice3A_737 : vector<8x1x128xi1>, vector<8x1x128xf32>
      %select_n3A_753 = arith.select %or3A_751, %slice3A_743, %slice3A_738 : vector<8x1x128xi1>, vector<8x1x128xf32>
      %select_n3A_754 = arith.select %or3A_751, %slice3A_744, %slice3A_739 : vector<8x1x128xi1>, vector<8x1x128xf32>
      %select_n3A_755 = arith.select %or3A_751, %slice3A_745, %slice3A_740 : vector<8x1x128xi1>, vector<8x1x128xf32>
      %select_n3A_756 = arith.select %or3A_751, %slice3A_746, %slice3A_741 : vector<8x1x128xi1>, vector<8x1x128xi32>
      %reshape3A_757 = vector.shape_cast %select_n3A_752 : vector<8x1x128xf32> to vector<8x128xf32>
      %reshape3A_758 = vector.shape_cast %select_n3A_753 : vector<8x1x128xf32> to vector<8x128xf32>
      %reshape3A_759 = vector.shape_cast %select_n3A_754 : vector<8x1x128xf32> to vector<8x128xf32>
      %reshape3A_760 = vector.shape_cast %select_n3A_755 : vector<8x1x128xf32> to vector<8x128xf32>
      %reshape3A_761 = vector.shape_cast %select_n3A_756 : vector<8x1x128xi32> to vector<8x128xi32>
      %roll3A_762 = arith.constant 64 : i32
      %roll3A_763 = tpu.dynamic_rotate %reshape3A_757 by %roll3A_762 dim 1 : vector<8x128xf32>, i32 -> vector<8x128xf32>
      %roll3A_764 = arith.constant 64 : i32
      %roll3A_765 = tpu.dynamic_rotate %reshape3A_758 by %roll3A_764 dim 1 : vector<8x128xf32>, i32 -> vector<8x128xf32>
      %roll3A_766 = arith.constant 64 : i32
      %roll3A_767 = tpu.dynamic_rotate %reshape3A_759 by %roll3A_766 dim 1 : vector<8x128xf32>, i32 -> vector<8x128xf32>
      %roll3A_768 = arith.constant 64 : i32
      %roll3A_769 = tpu.dynamic_rotate %reshape3A_760 by %roll3A_768 dim 1 : vector<8x128xf32>, i32 -> vector<8x128xf32>
      %roll3A_770 = arith.constant 64 : i32
      %roll3A_771 = tpu.dynamic_rotate %reshape3A_761 by %roll3A_770 dim 1 : vector<8x128xi32>, i32 -> vector<8x128xi32>
      %gt3A_772 = arith.cmpf ogt, %roll3A_763, %reshape3A_757 : vector<8x128xf32>
      %eq3A_773 = arith.cmpf oeq, %roll3A_763, %reshape3A_757 : vector<8x128xf32>
      %lt3A_774 = arith.cmpi slt, %roll3A_771, %reshape3A_761 : vector<8x128xi32>
      %and3A_775 = arith.andi %eq3A_773, %lt3A_774 : vector<8x128xi1>
      %or3A_776 = arith.ori %gt3A_772, %and3A_775 : vector<8x128xi1>
      %select_n3A_777 = arith.select %or3A_776, %roll3A_763, %reshape3A_757 : vector<8x128xi1>, vector<8x128xf32>
      %select_n3A_778 = arith.select %or3A_776, %roll3A_765, %reshape3A_758 : vector<8x128xi1>, vector<8x128xf32>
      %select_n3A_779 = arith.select %or3A_776, %roll3A_767, %reshape3A_759 : vector<8x128xi1>, vector<8x128xf32>
      %select_n3A_780 = arith.select %or3A_776, %roll3A_769, %reshape3A_760 : vector<8x128xi1>, vector<8x128xf32>
      %select_n3A_781 = arith.select %or3A_776, %roll3A_771, %reshape3A_761 : vector<8x128xi1>, vector<8x128xi32>
      %roll3A_782 = arith.constant 32 : i32
      %roll3A_783 = tpu.dynamic_rotate %select_n3A_777 by %roll3A_782 dim 1 : vector<8x128xf32>, i32 -> vector<8x128xf32>
      %roll3A_784 = arith.constant 32 : i32
      %roll3A_785 = tpu.dynamic_rotate %select_n3A_778 by %roll3A_784 dim 1 : vector<8x128xf32>, i32 -> vector<8x128xf32>
      %roll3A_786 = arith.constant 32 : i32
      %roll3A_787 = tpu.dynamic_rotate %select_n3A_779 by %roll3A_786 dim 1 : vector<8x128xf32>, i32 -> vector<8x128xf32>
      %roll3A_788 = arith.constant 32 : i32
      %roll3A_789 = tpu.dynamic_rotate %select_n3A_780 by %roll3A_788 dim 1 : vector<8x128xf32>, i32 -> vector<8x128xf32>
      %roll3A_790 = arith.constant 32 : i32
      %roll3A_791 = tpu.dynamic_rotate %select_n3A_781 by %roll3A_790 dim 1 : vector<8x128xi32>, i32 -> vector<8x128xi32>
      %gt3A_792 = arith.cmpf ogt, %roll3A_783, %select_n3A_777 : vector<8x128xf32>
      %eq3A_793 = arith.cmpf oeq, %roll3A_783, %select_n3A_777 : vector<8x128xf32>
      %lt3A_794 = arith.cmpi slt, %roll3A_791, %select_n3A_781 : vector<8x128xi32>
      %and3A_795 = arith.andi %eq3A_793, %lt3A_794 : vector<8x128xi1>
      %or3A_796 = arith.ori %gt3A_792, %and3A_795 : vector<8x128xi1>
      %select_n3A_797 = arith.select %or3A_796, %roll3A_783, %select_n3A_777 : vector<8x128xi1>, vector<8x128xf32>
      %select_n3A_798 = arith.select %or3A_796, %roll3A_785, %select_n3A_778 : vector<8x128xi1>, vector<8x128xf32>
      %select_n3A_799 = arith.select %or3A_796, %roll3A_787, %select_n3A_779 : vector<8x128xi1>, vector<8x128xf32>
      %select_n3A_800 = arith.select %or3A_796, %roll3A_789, %select_n3A_780 : vector<8x128xi1>, vector<8x128xf32>
      %select_n3A_801 = arith.select %or3A_796, %roll3A_791, %select_n3A_781 : vector<8x128xi1>, vector<8x128xi32>
      %roll3A_802 = arith.constant 16 : i32
      %roll3A_803 = tpu.dynamic_rotate %select_n3A_797 by %roll3A_802 dim 1 : vector<8x128xf32>, i32 -> vector<8x128xf32>
      %roll3A_804 = arith.constant 16 : i32
      %roll3A_805 = tpu.dynamic_rotate %select_n3A_798 by %roll3A_804 dim 1 : vector<8x128xf32>, i32 -> vector<8x128xf32>
      %roll3A_806 = arith.constant 16 : i32
      %roll3A_807 = tpu.dynamic_rotate %select_n3A_799 by %roll3A_806 dim 1 : vector<8x128xf32>, i32 -> vector<8x128xf32>
      %roll3A_808 = arith.constant 16 : i32
      %roll3A_809 = tpu.dynamic_rotate %select_n3A_800 by %roll3A_808 dim 1 : vector<8x128xf32>, i32 -> vector<8x128xf32>
      %roll3A_810 = arith.constant 16 : i32
      %roll3A_811 = tpu.dynamic_rotate %select_n3A_801 by %roll3A_810 dim 1 : vector<8x128xi32>, i32 -> vector<8x128xi32>
      %gt3A_812 = arith.cmpf ogt, %roll3A_803, %select_n3A_797 : vector<8x128xf32>
      %eq3A_813 = arith.cmpf oeq, %roll3A_803, %select_n3A_797 : vector<8x128xf32>
      %lt3A_814 = arith.cmpi slt, %roll3A_811, %select_n3A_801 : vector<8x128xi32>
      %and3A_815 = arith.andi %eq3A_813, %lt3A_814 : vector<8x128xi1>
      %or3A_816 = arith.ori %gt3A_812, %and3A_815 : vector<8x128xi1>
      %select_n3A_817 = arith.select %or3A_816, %roll3A_803, %select_n3A_797 : vector<8x128xi1>, vector<8x128xf32>
      %select_n3A_818 = arith.select %or3A_816, %roll3A_805, %select_n3A_798 : vector<8x128xi1>, vector<8x128xf32>
      %select_n3A_819 = arith.select %or3A_816, %roll3A_807, %select_n3A_799 : vector<8x128xi1>, vector<8x128xf32>
      %select_n3A_820 = arith.select %or3A_816, %roll3A_809, %select_n3A_800 : vector<8x128xi1>, vector<8x128xf32>
      %select_n3A_821 = arith.select %or3A_816, %roll3A_811, %select_n3A_801 : vector<8x128xi1>, vector<8x128xi32>
      %roll3A_822 = arith.constant 8 : i32
      %roll3A_823 = tpu.dynamic_rotate %select_n3A_817 by %roll3A_822 dim 1 : vector<8x128xf32>, i32 -> vector<8x128xf32>
      %roll3A_824 = arith.constant 8 : i32
      %roll3A_825 = tpu.dynamic_rotate %select_n3A_818 by %roll3A_824 dim 1 : vector<8x128xf32>, i32 -> vector<8x128xf32>
      %roll3A_826 = arith.constant 8 : i32
      %roll3A_827 = tpu.dynamic_rotate %select_n3A_819 by %roll3A_826 dim 1 : vector<8x128xf32>, i32 -> vector<8x128xf32>
      %roll3A_828 = arith.constant 8 : i32
      %roll3A_829 = tpu.dynamic_rotate %select_n3A_820 by %roll3A_828 dim 1 : vector<8x128xf32>, i32 -> vector<8x128xf32>
      %roll3A_830 = arith.constant 8 : i32
      %roll3A_831 = tpu.dynamic_rotate %select_n3A_821 by %roll3A_830 dim 1 : vector<8x128xi32>, i32 -> vector<8x128xi32>
      %gt3A_832 = arith.cmpf ogt, %roll3A_823, %select_n3A_817 : vector<8x128xf32>
      %eq3A_833 = arith.cmpf oeq, %roll3A_823, %select_n3A_817 : vector<8x128xf32>
      %lt3A_834 = arith.cmpi slt, %roll3A_831, %select_n3A_821 : vector<8x128xi32>
      %and3A_835 = arith.andi %eq3A_833, %lt3A_834 : vector<8x128xi1>
      %or3A_836 = arith.ori %gt3A_832, %and3A_835 : vector<8x128xi1>
      %select_n3A_837 = arith.select %or3A_836, %roll3A_823, %select_n3A_817 : vector<8x128xi1>, vector<8x128xf32>
      %select_n3A_838 = arith.select %or3A_836, %roll3A_825, %select_n3A_818 : vector<8x128xi1>, vector<8x128xf32>
      %select_n3A_839 = arith.select %or3A_836, %roll3A_827, %select_n3A_819 : vector<8x128xi1>, vector<8x128xf32>
      %select_n3A_840 = arith.select %or3A_836, %roll3A_829, %select_n3A_820 : vector<8x128xi1>, vector<8x128xf32>
      %select_n3A_841 = arith.select %or3A_836, %roll3A_831, %select_n3A_821 : vector<8x128xi1>, vector<8x128xi32>
      %roll3A_842 = arith.constant 4 : i32
      %roll3A_843 = tpu.dynamic_rotate %select_n3A_837 by %roll3A_842 dim 1 : vector<8x128xf32>, i32 -> vector<8x128xf32>
      %roll3A_844 = arith.constant 4 : i32
      %roll3A_845 = tpu.dynamic_rotate %select_n3A_838 by %roll3A_844 dim 1 : vector<8x128xf32>, i32 -> vector<8x128xf32>
      %roll3A_846 = arith.constant 4 : i32
      %roll3A_847 = tpu.dynamic_rotate %select_n3A_839 by %roll3A_846 dim 1 : vector<8x128xf32>, i32 -> vector<8x128xf32>
      %roll3A_848 = arith.constant 4 : i32
      %roll3A_849 = tpu.dynamic_rotate %select_n3A_840 by %roll3A_848 dim 1 : vector<8x128xf32>, i32 -> vector<8x128xf32>
      %roll3A_850 = arith.constant 4 : i32
      %roll3A_851 = tpu.dynamic_rotate %select_n3A_841 by %roll3A_850 dim 1 : vector<8x128xi32>, i32 -> vector<8x128xi32>
      %gt3A_852 = arith.cmpf ogt, %roll3A_843, %select_n3A_837 : vector<8x128xf32>
      %eq3A_853 = arith.cmpf oeq, %roll3A_843, %select_n3A_837 : vector<8x128xf32>
      %lt3A_854 = arith.cmpi slt, %roll3A_851, %select_n3A_841 : vector<8x128xi32>
      %and3A_855 = arith.andi %eq3A_853, %lt3A_854 : vector<8x128xi1>
      %or3A_856 = arith.ori %gt3A_852, %and3A_855 : vector<8x128xi1>
      %select_n3A_857 = arith.select %or3A_856, %roll3A_843, %select_n3A_837 : vector<8x128xi1>, vector<8x128xf32>
      %select_n3A_858 = arith.select %or3A_856, %roll3A_845, %select_n3A_838 : vector<8x128xi1>, vector<8x128xf32>
      %select_n3A_859 = arith.select %or3A_856, %roll3A_847, %select_n3A_839 : vector<8x128xi1>, vector<8x128xf32>
      %select_n3A_860 = arith.select %or3A_856, %roll3A_849, %select_n3A_840 : vector<8x128xi1>, vector<8x128xf32>
      %select_n3A_861 = arith.select %or3A_856, %roll3A_851, %select_n3A_841 : vector<8x128xi1>, vector<8x128xi32>
      %roll3A_862 = arith.constant 2 : i32
      %roll3A_863 = tpu.dynamic_rotate %select_n3A_857 by %roll3A_862 dim 1 : vector<8x128xf32>, i32 -> vector<8x128xf32>
      %roll3A_864 = arith.constant 2 : i32
      %roll3A_865 = tpu.dynamic_rotate %select_n3A_858 by %roll3A_864 dim 1 : vector<8x128xf32>, i32 -> vector<8x128xf32>
      %roll3A_866 = arith.constant 2 : i32
      %roll3A_867 = tpu.dynamic_rotate %select_n3A_859 by %roll3A_866 dim 1 : vector<8x128xf32>, i32 -> vector<8x128xf32>
      %roll3A_868 = arith.constant 2 : i32
      %roll3A_869 = tpu.dynamic_rotate %select_n3A_860 by %roll3A_868 dim 1 : vector<8x128xf32>, i32 -> vector<8x128xf32>
      %roll3A_870 = arith.constant 2 : i32
      %roll3A_871 = tpu.dynamic_rotate %select_n3A_861 by %roll3A_870 dim 1 : vector<8x128xi32>, i32 -> vector<8x128xi32>
      %gt3A_872 = arith.cmpf ogt, %roll3A_863, %select_n3A_857 : vector<8x128xf32>
      %eq3A_873 = arith.cmpf oeq, %roll3A_863, %select_n3A_857 : vector<8x128xf32>
      %lt3A_874 = arith.cmpi slt, %roll3A_871, %select_n3A_861 : vector<8x128xi32>
      %and3A_875 = arith.andi %eq3A_873, %lt3A_874 : vector<8x128xi1>
      %or3A_876 = arith.ori %gt3A_872, %and3A_875 : vector<8x128xi1>
      %select_n3A_877 = arith.select %or3A_876, %roll3A_863, %select_n3A_857 : vector<8x128xi1>, vector<8x128xf32>
      %select_n3A_878 = arith.select %or3A_876, %roll3A_865, %select_n3A_858 : vector<8x128xi1>, vector<8x128xf32>
      %select_n3A_879 = arith.select %or3A_876, %roll3A_867, %select_n3A_859 : vector<8x128xi1>, vector<8x128xf32>
      %select_n3A_880 = arith.select %or3A_876, %roll3A_869, %select_n3A_860 : vector<8x128xi1>, vector<8x128xf32>
      %select_n3A_881 = arith.select %or3A_876, %roll3A_871, %select_n3A_861 : vector<8x128xi1>, vector<8x128xi32>
      %roll3A_882 = arith.constant 1 : i32
      %roll3A_883 = tpu.dynamic_rotate %select_n3A_877 by %roll3A_882 dim 1 : vector<8x128xf32>, i32 -> vector<8x128xf32>
      %roll3A_884 = arith.constant 1 : i32
      %roll3A_885 = tpu.dynamic_rotate %select_n3A_878 by %roll3A_884 dim 1 : vector<8x128xf32>, i32 -> vector<8x128xf32>
      %roll3A_886 = arith.constant 1 : i32
      %roll3A_887 = tpu.dynamic_rotate %select_n3A_879 by %roll3A_886 dim 1 : vector<8x128xf32>, i32 -> vector<8x128xf32>
      %roll3A_888 = arith.constant 1 : i32
      %roll3A_889 = tpu.dynamic_rotate %select_n3A_880 by %roll3A_888 dim 1 : vector<8x128xf32>, i32 -> vector<8x128xf32>
      %roll3A_890 = arith.constant 1 : i32
      %roll3A_891 = tpu.dynamic_rotate %select_n3A_881 by %roll3A_890 dim 1 : vector<8x128xi32>, i32 -> vector<8x128xi32>
      %gt3A_892 = arith.cmpf ogt, %roll3A_883, %select_n3A_877 : vector<8x128xf32>
      %eq3A_893 = arith.cmpf oeq, %roll3A_883, %select_n3A_877 : vector<8x128xf32>
      %lt3A_894 = arith.cmpi slt, %roll3A_891, %select_n3A_881 : vector<8x128xi32>
      %and3A_895 = arith.andi %eq3A_893, %lt3A_894 : vector<8x128xi1>
      %or3A_896 = arith.ori %gt3A_892, %and3A_895 : vector<8x128xi1>
      %select_n3A_897 = arith.select %or3A_896, %roll3A_883, %select_n3A_877 : vector<8x128xi1>, vector<8x128xf32>
      %select_n3A_898 = arith.select %or3A_896, %roll3A_885, %select_n3A_878 : vector<8x128xi1>, vector<8x128xf32>
      %select_n3A_899 = arith.select %or3A_896, %roll3A_887, %select_n3A_879 : vector<8x128xi1>, vector<8x128xf32>
      %select_n3A_900 = arith.select %or3A_896, %roll3A_889, %select_n3A_880 : vector<8x128xi1>, vector<8x128xf32>
      %select_n3A_901 = arith.select %or3A_896, %roll3A_891, %select_n3A_881 : vector<8x128xi1>, vector<8x128xi32>
      %roll3A_902 = arith.constant 4 : i32
      %roll3A_903 = tpu.dynamic_rotate %select_n3A_897 by %roll3A_902 dim 0 : vector<8x128xf32>, i32 -> vector<8x128xf32>
      %roll3A_904 = arith.constant 4 : i32
      %roll3A_905 = tpu.dynamic_rotate %select_n3A_898 by %roll3A_904 dim 0 : vector<8x128xf32>, i32 -> vector<8x128xf32>
      %roll3A_906 = arith.constant 4 : i32
      %roll3A_907 = tpu.dynamic_rotate %select_n3A_899 by %roll3A_906 dim 0 : vector<8x128xf32>, i32 -> vector<8x128xf32>
      %roll3A_908 = arith.constant 4 : i32
      %roll3A_909 = tpu.dynamic_rotate %select_n3A_900 by %roll3A_908 dim 0 : vector<8x128xf32>, i32 -> vector<8x128xf32>
      %roll3A_910 = arith.constant 4 : i32
      %roll3A_911 = tpu.dynamic_rotate %select_n3A_901 by %roll3A_910 dim 0 : vector<8x128xi32>, i32 -> vector<8x128xi32>
      %gt3A_912 = arith.cmpf ogt, %roll3A_903, %select_n3A_897 : vector<8x128xf32>
      %eq3A_913 = arith.cmpf oeq, %roll3A_903, %select_n3A_897 : vector<8x128xf32>
      %lt3A_914 = arith.cmpi slt, %roll3A_911, %select_n3A_901 : vector<8x128xi32>
      %and3A_915 = arith.andi %eq3A_913, %lt3A_914 : vector<8x128xi1>
      %or3A_916 = arith.ori %gt3A_912, %and3A_915 : vector<8x128xi1>
      %select_n3A_917 = arith.select %or3A_916, %roll3A_903, %select_n3A_897 : vector<8x128xi1>, vector<8x128xf32>
      %select_n3A_918 = arith.select %or3A_916, %roll3A_905, %select_n3A_898 : vector<8x128xi1>, vector<8x128xf32>
      %select_n3A_919 = arith.select %or3A_916, %roll3A_907, %select_n3A_899 : vector<8x128xi1>, vector<8x128xf32>
      %select_n3A_920 = arith.select %or3A_916, %roll3A_909, %select_n3A_900 : vector<8x128xi1>, vector<8x128xf32>
      %select_n3A_921 = arith.select %or3A_916, %roll3A_911, %select_n3A_901 : vector<8x128xi1>, vector<8x128xi32>
      %roll3A_922 = arith.constant 2 : i32
      %roll3A_923 = tpu.dynamic_rotate %select_n3A_917 by %roll3A_922 dim 0 : vector<8x128xf32>, i32 -> vector<8x128xf32>
      %roll3A_924 = arith.constant 2 : i32
      %roll3A_925 = tpu.dynamic_rotate %select_n3A_918 by %roll3A_924 dim 0 : vector<8x128xf32>, i32 -> vector<8x128xf32>
      %roll3A_926 = arith.constant 2 : i32
      %roll3A_927 = tpu.dynamic_rotate %select_n3A_919 by %roll3A_926 dim 0 : vector<8x128xf32>, i32 -> vector<8x128xf32>
      %roll3A_928 = arith.constant 2 : i32
      %roll3A_929 = tpu.dynamic_rotate %select_n3A_920 by %roll3A_928 dim 0 : vector<8x128xf32>, i32 -> vector<8x128xf32>
      %roll3A_930 = arith.constant 2 : i32
      %roll3A_931 = tpu.dynamic_rotate %select_n3A_921 by %roll3A_930 dim 0 : vector<8x128xi32>, i32 -> vector<8x128xi32>
      %gt3A_932 = arith.cmpf ogt, %roll3A_923, %select_n3A_917 : vector<8x128xf32>
      %eq3A_933 = arith.cmpf oeq, %roll3A_923, %select_n3A_917 : vector<8x128xf32>
      %lt3A_934 = arith.cmpi slt, %roll3A_931, %select_n3A_921 : vector<8x128xi32>
      %and3A_935 = arith.andi %eq3A_933, %lt3A_934 : vector<8x128xi1>
      %or3A_936 = arith.ori %gt3A_932, %and3A_935 : vector<8x128xi1>
      %select_n3A_937 = arith.select %or3A_936, %roll3A_923, %select_n3A_917 : vector<8x128xi1>, vector<8x128xf32>
      %select_n3A_938 = arith.select %or3A_936, %roll3A_925, %select_n3A_918 : vector<8x128xi1>, vector<8x128xf32>
      %select_n3A_939 = arith.select %or3A_936, %roll3A_927, %select_n3A_919 : vector<8x128xi1>, vector<8x128xf32>
      %select_n3A_940 = arith.select %or3A_936, %roll3A_929, %select_n3A_920 : vector<8x128xi1>, vector<8x128xf32>
      %select_n3A_941 = arith.select %or3A_936, %roll3A_931, %select_n3A_921 : vector<8x128xi1>, vector<8x128xi32>
      %roll3A_942 = arith.constant 1 : i32
      %roll3A_943 = tpu.dynamic_rotate %select_n3A_937 by %roll3A_942 dim 0 : vector<8x128xf32>, i32 -> vector<8x128xf32>
      %roll3A_944 = arith.constant 1 : i32
      %roll3A_945 = tpu.dynamic_rotate %select_n3A_938 by %roll3A_944 dim 0 : vector<8x128xf32>, i32 -> vector<8x128xf32>
      %roll3A_946 = arith.constant 1 : i32
      %roll3A_947 = tpu.dynamic_rotate %select_n3A_939 by %roll3A_946 dim 0 : vector<8x128xf32>, i32 -> vector<8x128xf32>
      %roll3A_948 = arith.constant 1 : i32
      %roll3A_949 = tpu.dynamic_rotate %select_n3A_940 by %roll3A_948 dim 0 : vector<8x128xf32>, i32 -> vector<8x128xf32>
      %roll3A_950 = arith.constant 1 : i32
      %roll3A_951 = tpu.dynamic_rotate %select_n3A_941 by %roll3A_950 dim 0 : vector<8x128xi32>, i32 -> vector<8x128xi32>
      %gt3A_952 = arith.cmpf ogt, %roll3A_943, %select_n3A_937 : vector<8x128xf32>
      %eq3A_953 = arith.cmpf oeq, %roll3A_943, %select_n3A_937 : vector<8x128xf32>
      %lt3A_954 = arith.cmpi slt, %roll3A_951, %select_n3A_941 : vector<8x128xi32>
      %and3A_955 = arith.andi %eq3A_953, %lt3A_954 : vector<8x128xi1>
      %or3A_956 = arith.ori %gt3A_952, %and3A_955 : vector<8x128xi1>
      %select_n3A_957 = arith.select %or3A_956, %roll3A_945, %select_n3A_938 : vector<8x128xi1>, vector<8x128xf32>
      %select_n3A_958 = arith.select %or3A_956, %roll3A_947, %select_n3A_939 : vector<8x128xi1>, vector<8x128xf32>
      %select_n3A_959 = arith.select %or3A_956, %roll3A_949, %select_n3A_940 : vector<8x128xi1>, vector<8x128xf32>
      %slice3A_960 = vector.extract_strided_slice %select_n3A_957 {offsets = [0, 0], sizes = [1, 1], strides = [1, 1]} : vector<8x128xf32> to vector<1x1xf32>
      %slice3A_961 = vector.extract_strided_slice %select_n3A_958 {offsets = [0, 0], sizes = [1, 1], strides = [1, 1]} : vector<8x128xf32> to vector<1x1xf32>
      %slice3A_962 = vector.extract_strided_slice %select_n3A_959 {offsets = [0, 0], sizes = [1, 1], strides = [1, 1]} : vector<8x128xf32> to vector<1x1xf32>
      %concatenate3A_963 = tpu.concatenate %scan3A_111, %scan3A_112, %scan3A_113 in 1 : vector<1x1xf32>, vector<1x1xf32>, vector<1x1xf32> -> vector<1x3xf32>
      %swap3A_964 = arith.index_cast %scan3A_97 : i32 to index
      %swap3A_965 = arith.constant 0 : index
      %swap3A_966 = vector.load %arg4[%swap3A_964, %swap3A_965] : memref<2048x3xf32, #tpu.memory_space<vmem>>, vector<1x3xf32>
      tpu.vector_store %arg4[%swap3A_964, %swap3A_965], %concatenate3A_963 {strides = array<i32>} : memref<2048x3xf32, #tpu.memory_space<vmem>>, vector<1x3xf32>,
      %sub3A_967 = vector.broadcast %scan3A_111 : vector<1x1xf32> to vector<8x1024xf32>
      %sub3A_968 = arith.subf %get3A_22, %sub3A_967 : vector<8x1024xf32>
      %sub3A_969 = vector.broadcast %scan3A_112 : vector<1x1xf32> to vector<8x1024xf32>
      %sub3A_970 = arith.subf %get3A_46, %sub3A_969 : vector<8x1024xf32>
      %sub3A_971 = vector.broadcast %scan3A_113 : vector<1x1xf32> to vector<8x1024xf32>
      %sub3A_972 = arith.subf %get3A_70, %sub3A_971 : vector<8x1024xf32>
      %mul3A_973 = arith.mulf %sub3A_968, %sub3A_968 : vector<8x1024xf32>
      %mul3A_974 = arith.mulf %sub3A_970, %sub3A_970 : vector<8x1024xf32>
      %add3A_975 = arith.addf %mul3A_973, %mul3A_974 : vector<8x1024xf32>
      %mul3A_976 = arith.mulf %sub3A_972, %sub3A_972 : vector<8x1024xf32>
      %add3A_977 = arith.addf %add3A_975, %mul3A_976 : vector<8x1024xf32>
      %min3A_978 = arith.minimumf %scan3A_101, %add3A_977 : vector<8x1024xf32>
      %reshape3A_979 = vector.shape_cast %min3A_978 : vector<8x1024xf32> to vector<8x8x128xf32>
      %reshape3A_980 = vector.shape_cast %get3A_22 : vector<8x1024xf32> to vector<8x8x128xf32>
      %reshape3A_981 = vector.shape_cast %get3A_46 : vector<8x1024xf32> to vector<8x8x128xf32>
      %reshape3A_982 = vector.shape_cast %get3A_70 : vector<8x1024xf32> to vector<8x8x128xf32>
      %reshape3A_983 = vector.shape_cast %add3A : vector<8x1024xi32> to vector<8x8x128xi32>
      %slice3A_984 = vector.extract_strided_slice %reshape3A_979 {offsets = [0, 0, 0], sizes = [8, 4, 128], strides = [1, 1, 1]} : vector<8x8x128xf32> to vector<8x4x128xf32>
      %slice3A_985 = vector.extract_strided_slice %reshape3A_980 {offsets = [0, 0, 0], sizes = [8, 4, 128], strides = [1, 1, 1]} : vector<8x8x128xf32> to vector<8x4x128xf32>
      %slice3A_986 = vector.extract_strided_slice %reshape3A_981 {offsets = [0, 0, 0], sizes = [8, 4, 128], strides = [1, 1, 1]} : vector<8x8x128xf32> to vector<8x4x128xf32>
      %slice3A_987 = vector.extract_strided_slice %reshape3A_982 {offsets = [0, 0, 0], sizes = [8, 4, 128], strides = [1, 1, 1]} : vector<8x8x128xf32> to vector<8x4x128xf32>
      %slice3A_988 = vector.extract_strided_slice %reshape3A_983 {offsets = [0, 0, 0], sizes = [8, 4, 128], strides = [1, 1, 1]} : vector<8x8x128xi32> to vector<8x4x128xi32>
      %slice3A_989 = vector.extract_strided_slice %reshape3A_979 {offsets = [0, 4, 0], sizes = [8, 4, 128], strides = [1, 1, 1]} : vector<8x8x128xf32> to vector<8x4x128xf32>
      %slice3A_990 = vector.extract_strided_slice %reshape3A_980 {offsets = [0, 4, 0], sizes = [8, 4, 128], strides = [1, 1, 1]} : vector<8x8x128xf32> to vector<8x4x128xf32>
      %slice3A_991 = vector.extract_strided_slice %reshape3A_981 {offsets = [0, 4, 0], sizes = [8, 4, 128], strides = [1, 1, 1]} : vector<8x8x128xf32> to vector<8x4x128xf32>
      %slice3A_992 = vector.extract_strided_slice %reshape3A_982 {offsets = [0, 4, 0], sizes = [8, 4, 128], strides = [1, 1, 1]} : vector<8x8x128xf32> to vector<8x4x128xf32>
      %slice3A_993 = vector.extract_strided_slice %reshape3A_983 {offsets = [0, 4, 0], sizes = [8, 4, 128], strides = [1, 1, 1]} : vector<8x8x128xi32> to vector<8x4x128xi32>
      %gt3A_994 = arith.cmpf ogt, %slice3A_989, %slice3A_984 : vector<8x4x128xf32>
      %eq3A_995 = arith.cmpf oeq, %slice3A_989, %slice3A_984 : vector<8x4x128xf32>
      %lt3A_996 = arith.cmpi slt, %slice3A_993, %slice3A_988 : vector<8x4x128xi32>
      %and3A_997 = arith.andi %eq3A_995, %lt3A_996 : vector<8x4x128xi1>
      %or3A_998 = arith.ori %gt3A_994, %and3A_997 : vector<8x4x128xi1>
      %select_n3A_999 = arith.select %or3A_998, %slice3A_989, %slice3A_984 : vector<8x4x128xi1>, vector<8x4x128xf32>
      %select_n3A_1000 = arith.select %or3A_998, %slice3A_990, %slice3A_985 : vector<8x4x128xi1>, vector<8x4x128xf32>
      %select_n3A_1001 = arith.select %or3A_998, %slice3A_991, %slice3A_986 : vector<8x4x128xi1>, vector<8x4x128xf32>
      %select_n3A_1002 = arith.select %or3A_998, %slice3A_992, %slice3A_987 : vector<8x4x128xi1>, vector<8x4x128xf32>
      %select_n3A_1003 = arith.select %or3A_998, %slice3A_993, %slice3A_988 : vector<8x4x128xi1>, vector<8x4x128xi32>
      %slice3A_1004 = vector.extract_strided_slice %select_n3A_999 {offsets = [0, 0, 0], sizes = [8, 2, 128], strides = [1, 1, 1]} : vector<8x4x128xf32> to vector<8x2x128xf32>
      %slice3A_1005 = vector.extract_strided_slice %select_n3A_1000 {offsets = [0, 0, 0], sizes = [8, 2, 128], strides = [1, 1, 1]} : vector<8x4x128xf32> to vector<8x2x128xf32>
      %slice3A_1006 = vector.extract_strided_slice %select_n3A_1001 {offsets = [0, 0, 0], sizes = [8, 2, 128], strides = [1, 1, 1]} : vector<8x4x128xf32> to vector<8x2x128xf32>
      %slice3A_1007 = vector.extract_strided_slice %select_n3A_1002 {offsets = [0, 0, 0], sizes = [8, 2, 128], strides = [1, 1, 1]} : vector<8x4x128xf32> to vector<8x2x128xf32>
      %slice3A_1008 = vector.extract_strided_slice %select_n3A_1003 {offsets = [0, 0, 0], sizes = [8, 2, 128], strides = [1, 1, 1]} : vector<8x4x128xi32> to vector<8x2x128xi32>
      %slice3A_1009 = vector.extract_strided_slice %select_n3A_999 {offsets = [0, 2, 0], sizes = [8, 2, 128], strides = [1, 1, 1]} : vector<8x4x128xf32> to vector<8x2x128xf32>
      %slice3A_1010 = vector.extract_strided_slice %select_n3A_1000 {offsets = [0, 2, 0], sizes = [8, 2, 128], strides = [1, 1, 1]} : vector<8x4x128xf32> to vector<8x2x128xf32>
      %slice3A_1011 = vector.extract_strided_slice %select_n3A_1001 {offsets = [0, 2, 0], sizes = [8, 2, 128], strides = [1, 1, 1]} : vector<8x4x128xf32> to vector<8x2x128xf32>
      %slice3A_1012 = vector.extract_strided_slice %select_n3A_1002 {offsets = [0, 2, 0], sizes = [8, 2, 128], strides = [1, 1, 1]} : vector<8x4x128xf32> to vector<8x2x128xf32>
      %slice3A_1013 = vector.extract_strided_slice %select_n3A_1003 {offsets = [0, 2, 0], sizes = [8, 2, 128], strides = [1, 1, 1]} : vector<8x4x128xi32> to vector<8x2x128xi32>
      %gt3A_1014 = arith.cmpf ogt, %slice3A_1009, %slice3A_1004 : vector<8x2x128xf32>
      %eq3A_1015 = arith.cmpf oeq, %slice3A_1009, %slice3A_1004 : vector<8x2x128xf32>
      %lt3A_1016 = arith.cmpi slt, %slice3A_1013, %slice3A_1008 : vector<8x2x128xi32>
      %and3A_1017 = arith.andi %eq3A_1015, %lt3A_1016 : vector<8x2x128xi1>
      %or3A_1018 = arith.ori %gt3A_1014, %and3A_1017 : vector<8x2x128xi1>
      %select_n3A_1019 = arith.select %or3A_1018, %slice3A_1009, %slice3A_1004 : vector<8x2x128xi1>, vector<8x2x128xf32>
      %select_n3A_1020 = arith.select %or3A_1018, %slice3A_1010, %slice3A_1005 : vector<8x2x128xi1>, vector<8x2x128xf32>
      %select_n3A_1021 = arith.select %or3A_1018, %slice3A_1011, %slice3A_1006 : vector<8x2x128xi1>, vector<8x2x128xf32>
      %select_n3A_1022 = arith.select %or3A_1018, %slice3A_1012, %slice3A_1007 : vector<8x2x128xi1>, vector<8x2x128xf32>
      %select_n3A_1023 = arith.select %or3A_1018, %slice3A_1013, %slice3A_1008 : vector<8x2x128xi1>, vector<8x2x128xi32>
      %slice3A_1024 = vector.extract_strided_slice %select_n3A_1019 {offsets = [0, 0, 0], sizes = [8, 1, 128], strides = [1, 1, 1]} : vector<8x2x128xf32> to vector<8x1x128xf32>
      %slice3A_1025 = vector.extract_strided_slice %select_n3A_1020 {offsets = [0, 0, 0], sizes = [8, 1, 128], strides = [1, 1, 1]} : vector<8x2x128xf32> to vector<8x1x128xf32>
      %slice3A_1026 = vector.extract_strided_slice %select_n3A_1021 {offsets = [0, 0, 0], sizes = [8, 1, 128], strides = [1, 1, 1]} : vector<8x2x128xf32> to vector<8x1x128xf32>
      %slice3A_1027 = vector.extract_strided_slice %select_n3A_1022 {offsets = [0, 0, 0], sizes = [8, 1, 128], strides = [1, 1, 1]} : vector<8x2x128xf32> to vector<8x1x128xf32>
      %slice3A_1028 = vector.extract_strided_slice %select_n3A_1023 {offsets = [0, 0, 0], sizes = [8, 1, 128], strides = [1, 1, 1]} : vector<8x2x128xi32> to vector<8x1x128xi32>
      %slice3A_1029 = vector.extract_strided_slice %select_n3A_1019 {offsets = [0, 1, 0], sizes = [8, 1, 128], strides = [1, 1, 1]} : vector<8x2x128xf32> to vector<8x1x128xf32>
      %slice3A_1030 = vector.extract_strided_slice %select_n3A_1020 {offsets = [0, 1, 0], sizes = [8, 1, 128], strides = [1, 1, 1]} : vector<8x2x128xf32> to vector<8x1x128xf32>
      %slice3A_1031 = vector.extract_strided_slice %select_n3A_1021 {offsets = [0, 1, 0], sizes = [8, 1, 128], strides = [1, 1, 1]} : vector<8x2x128xf32> to vector<8x1x128xf32>
      %slice3A_1032 = vector.extract_strided_slice %select_n3A_1022 {offsets = [0, 1, 0], sizes = [8, 1, 128], strides = [1, 1, 1]} : vector<8x2x128xf32> to vector<8x1x128xf32>
      %slice3A_1033 = vector.extract_strided_slice %select_n3A_1023 {offsets = [0, 1, 0], sizes = [8, 1, 128], strides = [1, 1, 1]} : vector<8x2x128xi32> to vector<8x1x128xi32>
      %gt3A_1034 = arith.cmpf ogt, %slice3A_1029, %slice3A_1024 : vector<8x1x128xf32>
      %eq3A_1035 = arith.cmpf oeq, %slice3A_1029, %slice3A_1024 : vector<8x1x128xf32>
      %lt3A_1036 = arith.cmpi slt, %slice3A_1033, %slice3A_1028 : vector<8x1x128xi32>
      %and3A_1037 = arith.andi %eq3A_1035, %lt3A_1036 : vector<8x1x128xi1>
      %or3A_1038 = arith.ori %gt3A_1034, %and3A_1037 : vector<8x1x128xi1>
      %select_n3A_1039 = arith.select %or3A_1038, %slice3A_1029, %slice3A_1024 : vector<8x1x128xi1>, vector<8x1x128xf32>
      %select_n3A_1040 = arith.select %or3A_1038, %slice3A_1030, %slice3A_1025 : vector<8x1x128xi1>, vector<8x1x128xf32>
      %select_n3A_1041 = arith.select %or3A_1038, %slice3A_1031, %slice3A_1026 : vector<8x1x128xi1>, vector<8x1x128xf32>
      %select_n3A_1042 = arith.select %or3A_1038, %slice3A_1032, %slice3A_1027 : vector<8x1x128xi1>, vector<8x1x128xf32>
      %select_n3A_1043 = arith.select %or3A_1038, %slice3A_1033, %slice3A_1028 : vector<8x1x128xi1>, vector<8x1x128xi32>
      %reshape3A_1044 = vector.shape_cast %select_n3A_1039 : vector<8x1x128xf32> to vector<8x128xf32>
      %reshape3A_1045 = vector.shape_cast %select_n3A_1040 : vector<8x1x128xf32> to vector<8x128xf32>
      %reshape3A_1046 = vector.shape_cast %select_n3A_1041 : vector<8x1x128xf32> to vector<8x128xf32>
      %reshape3A_1047 = vector.shape_cast %select_n3A_1042 : vector<8x1x128xf32> to vector<8x128xf32>
      %reshape3A_1048 = vector.shape_cast %select_n3A_1043 : vector<8x1x128xi32> to vector<8x128xi32>
      %roll3A_1049 = arith.constant 64 : i32
      %roll3A_1050 = tpu.dynamic_rotate %reshape3A_1044 by %roll3A_1049 dim 1 : vector<8x128xf32>, i32 -> vector<8x128xf32>
      %roll3A_1051 = arith.constant 64 : i32
      %roll3A_1052 = tpu.dynamic_rotate %reshape3A_1045 by %roll3A_1051 dim 1 : vector<8x128xf32>, i32 -> vector<8x128xf32>
      %roll3A_1053 = arith.constant 64 : i32
      %roll3A_1054 = tpu.dynamic_rotate %reshape3A_1046 by %roll3A_1053 dim 1 : vector<8x128xf32>, i32 -> vector<8x128xf32>
      %roll3A_1055 = arith.constant 64 : i32
      %roll3A_1056 = tpu.dynamic_rotate %reshape3A_1047 by %roll3A_1055 dim 1 : vector<8x128xf32>, i32 -> vector<8x128xf32>
      %roll3A_1057 = arith.constant 64 : i32
      %roll3A_1058 = tpu.dynamic_rotate %reshape3A_1048 by %roll3A_1057 dim 1 : vector<8x128xi32>, i32 -> vector<8x128xi32>
      %gt3A_1059 = arith.cmpf ogt, %roll3A_1050, %reshape3A_1044 : vector<8x128xf32>
      %eq3A_1060 = arith.cmpf oeq, %roll3A_1050, %reshape3A_1044 : vector<8x128xf32>
      %lt3A_1061 = arith.cmpi slt, %roll3A_1058, %reshape3A_1048 : vector<8x128xi32>
      %and3A_1062 = arith.andi %eq3A_1060, %lt3A_1061 : vector<8x128xi1>
      %or3A_1063 = arith.ori %gt3A_1059, %and3A_1062 : vector<8x128xi1>
      %select_n3A_1064 = arith.select %or3A_1063, %roll3A_1050, %reshape3A_1044 : vector<8x128xi1>, vector<8x128xf32>
      %select_n3A_1065 = arith.select %or3A_1063, %roll3A_1052, %reshape3A_1045 : vector<8x128xi1>, vector<8x128xf32>
      %select_n3A_1066 = arith.select %or3A_1063, %roll3A_1054, %reshape3A_1046 : vector<8x128xi1>, vector<8x128xf32>
      %select_n3A_1067 = arith.select %or3A_1063, %roll3A_1056, %reshape3A_1047 : vector<8x128xi1>, vector<8x128xf32>
      %select_n3A_1068 = arith.select %or3A_1063, %roll3A_1058, %reshape3A_1048 : vector<8x128xi1>, vector<8x128xi32>
      %roll3A_1069 = arith.constant 32 : i32
      %roll3A_1070 = tpu.dynamic_rotate %select_n3A_1064 by %roll3A_1069 dim 1 : vector<8x128xf32>, i32 -> vector<8x128xf32>
      %roll3A_1071 = arith.constant 32 : i32
      %roll3A_1072 = tpu.dynamic_rotate %select_n3A_1065 by %roll3A_1071 dim 1 : vector<8x128xf32>, i32 -> vector<8x128xf32>
      %roll3A_1073 = arith.constant 32 : i32
      %roll3A_1074 = tpu.dynamic_rotate %select_n3A_1066 by %roll3A_1073 dim 1 : vector<8x128xf32>, i32 -> vector<8x128xf32>
      %roll3A_1075 = arith.constant 32 : i32
      %roll3A_1076 = tpu.dynamic_rotate %select_n3A_1067 by %roll3A_1075 dim 1 : vector<8x128xf32>, i32 -> vector<8x128xf32>
      %roll3A_1077 = arith.constant 32 : i32
      %roll3A_1078 = tpu.dynamic_rotate %select_n3A_1068 by %roll3A_1077 dim 1 : vector<8x128xi32>, i32 -> vector<8x128xi32>
      %gt3A_1079 = arith.cmpf ogt, %roll3A_1070, %select_n3A_1064 : vector<8x128xf32>
      %eq3A_1080 = arith.cmpf oeq, %roll3A_1070, %select_n3A_1064 : vector<8x128xf32>
      %lt3A_1081 = arith.cmpi slt, %roll3A_1078, %select_n3A_1068 : vector<8x128xi32>
      %and3A_1082 = arith.andi %eq3A_1080, %lt3A_1081 : vector<8x128xi1>
      %or3A_1083 = arith.ori %gt3A_1079, %and3A_1082 : vector<8x128xi1>
      %select_n3A_1084 = arith.select %or3A_1083, %roll3A_1070, %select_n3A_1064 : vector<8x128xi1>, vector<8x128xf32>
      %select_n3A_1085 = arith.select %or3A_1083, %roll3A_1072, %select_n3A_1065 : vector<8x128xi1>, vector<8x128xf32>
      %select_n3A_1086 = arith.select %or3A_1083, %roll3A_1074, %select_n3A_1066 : vector<8x128xi1>, vector<8x128xf32>
      %select_n3A_1087 = arith.select %or3A_1083, %roll3A_1076, %select_n3A_1067 : vector<8x128xi1>, vector<8x128xf32>
      %select_n3A_1088 = arith.select %or3A_1083, %roll3A_1078, %select_n3A_1068 : vector<8x128xi1>, vector<8x128xi32>
      %roll3A_1089 = arith.constant 16 : i32
      %roll3A_1090 = tpu.dynamic_rotate %select_n3A_1084 by %roll3A_1089 dim 1 : vector<8x128xf32>, i32 -> vector<8x128xf32>
      %roll3A_1091 = arith.constant 16 : i32
      %roll3A_1092 = tpu.dynamic_rotate %select_n3A_1085 by %roll3A_1091 dim 1 : vector<8x128xf32>, i32 -> vector<8x128xf32>
      %roll3A_1093 = arith.constant 16 : i32
      %roll3A_1094 = tpu.dynamic_rotate %select_n3A_1086 by %roll3A_1093 dim 1 : vector<8x128xf32>, i32 -> vector<8x128xf32>
      %roll3A_1095 = arith.constant 16 : i32
      %roll3A_1096 = tpu.dynamic_rotate %select_n3A_1087 by %roll3A_1095 dim 1 : vector<8x128xf32>, i32 -> vector<8x128xf32>
      %roll3A_1097 = arith.constant 16 : i32
      %roll3A_1098 = tpu.dynamic_rotate %select_n3A_1088 by %roll3A_1097 dim 1 : vector<8x128xi32>, i32 -> vector<8x128xi32>
      %gt3A_1099 = arith.cmpf ogt, %roll3A_1090, %select_n3A_1084 : vector<8x128xf32>
      %eq3A_1100 = arith.cmpf oeq, %roll3A_1090, %select_n3A_1084 : vector<8x128xf32>
      %lt3A_1101 = arith.cmpi slt, %roll3A_1098, %select_n3A_1088 : vector<8x128xi32>
      %and3A_1102 = arith.andi %eq3A_1100, %lt3A_1101 : vector<8x128xi1>
      %or3A_1103 = arith.ori %gt3A_1099, %and3A_1102 : vector<8x128xi1>
      %select_n3A_1104 = arith.select %or3A_1103, %roll3A_1090, %select_n3A_1084 : vector<8x128xi1>, vector<8x128xf32>
      %select_n3A_1105 = arith.select %or3A_1103, %roll3A_1092, %select_n3A_1085 : vector<8x128xi1>, vector<8x128xf32>
      %select_n3A_1106 = arith.select %or3A_1103, %roll3A_1094, %select_n3A_1086 : vector<8x128xi1>, vector<8x128xf32>
      %select_n3A_1107 = arith.select %or3A_1103, %roll3A_1096, %select_n3A_1087 : vector<8x128xi1>, vector<8x128xf32>
      %select_n3A_1108 = arith.select %or3A_1103, %roll3A_1098, %select_n3A_1088 : vector<8x128xi1>, vector<8x128xi32>
      %roll3A_1109 = arith.constant 8 : i32
      %roll3A_1110 = tpu.dynamic_rotate %select_n3A_1104 by %roll3A_1109 dim 1 : vector<8x128xf32>, i32 -> vector<8x128xf32>
      %roll3A_1111 = arith.constant 8 : i32
      %roll3A_1112 = tpu.dynamic_rotate %select_n3A_1105 by %roll3A_1111 dim 1 : vector<8x128xf32>, i32 -> vector<8x128xf32>
      %roll3A_1113 = arith.constant 8 : i32
      %roll3A_1114 = tpu.dynamic_rotate %select_n3A_1106 by %roll3A_1113 dim 1 : vector<8x128xf32>, i32 -> vector<8x128xf32>
      %roll3A_1115 = arith.constant 8 : i32
      %roll3A_1116 = tpu.dynamic_rotate %select_n3A_1107 by %roll3A_1115 dim 1 : vector<8x128xf32>, i32 -> vector<8x128xf32>
      %roll3A_1117 = arith.constant 8 : i32
      %roll3A_1118 = tpu.dynamic_rotate %select_n3A_1108 by %roll3A_1117 dim 1 : vector<8x128xi32>, i32 -> vector<8x128xi32>
      %gt3A_1119 = arith.cmpf ogt, %roll3A_1110, %select_n3A_1104 : vector<8x128xf32>
      %eq3A_1120 = arith.cmpf oeq, %roll3A_1110, %select_n3A_1104 : vector<8x128xf32>
      %lt3A_1121 = arith.cmpi slt, %roll3A_1118, %select_n3A_1108 : vector<8x128xi32>
      %and3A_1122 = arith.andi %eq3A_1120, %lt3A_1121 : vector<8x128xi1>
      %or3A_1123 = arith.ori %gt3A_1119, %and3A_1122 : vector<8x128xi1>
      %select_n3A_1124 = arith.select %or3A_1123, %roll3A_1110, %select_n3A_1104 : vector<8x128xi1>, vector<8x128xf32>
      %select_n3A_1125 = arith.select %or3A_1123, %roll3A_1112, %select_n3A_1105 : vector<8x128xi1>, vector<8x128xf32>
      %select_n3A_1126 = arith.select %or3A_1123, %roll3A_1114, %select_n3A_1106 : vector<8x128xi1>, vector<8x128xf32>
      %select_n3A_1127 = arith.select %or3A_1123, %roll3A_1116, %select_n3A_1107 : vector<8x128xi1>, vector<8x128xf32>
      %select_n3A_1128 = arith.select %or3A_1123, %roll3A_1118, %select_n3A_1108 : vector<8x128xi1>, vector<8x128xi32>
      %roll3A_1129 = arith.constant 4 : i32
      %roll3A_1130 = tpu.dynamic_rotate %select_n3A_1124 by %roll3A_1129 dim 1 : vector<8x128xf32>, i32 -> vector<8x128xf32>
      %roll3A_1131 = arith.constant 4 : i32
      %roll3A_1132 = tpu.dynamic_rotate %select_n3A_1125 by %roll3A_1131 dim 1 : vector<8x128xf32>, i32 -> vector<8x128xf32>
      %roll3A_1133 = arith.constant 4 : i32
      %roll3A_1134 = tpu.dynamic_rotate %select_n3A_1126 by %roll3A_1133 dim 1 : vector<8x128xf32>, i32 -> vector<8x128xf32>
      %roll3A_1135 = arith.constant 4 : i32
      %roll3A_1136 = tpu.dynamic_rotate %select_n3A_1127 by %roll3A_1135 dim 1 : vector<8x128xf32>, i32 -> vector<8x128xf32>
      %roll3A_1137 = arith.constant 4 : i32
      %roll3A_1138 = tpu.dynamic_rotate %select_n3A_1128 by %roll3A_1137 dim 1 : vector<8x128xi32>, i32 -> vector<8x128xi32>
      %gt3A_1139 = arith.cmpf ogt, %roll3A_1130, %select_n3A_1124 : vector<8x128xf32>
      %eq3A_1140 = arith.cmpf oeq, %roll3A_1130, %select_n3A_1124 : vector<8x128xf32>
      %lt3A_1141 = arith.cmpi slt, %roll3A_1138, %select_n3A_1128 : vector<8x128xi32>
      %and3A_1142 = arith.andi %eq3A_1140, %lt3A_1141 : vector<8x128xi1>
      %or3A_1143 = arith.ori %gt3A_1139, %and3A_1142 : vector<8x128xi1>
      %select_n3A_1144 = arith.select %or3A_1143, %roll3A_1130, %select_n3A_1124 : vector<8x128xi1>, vector<8x128xf32>
      %select_n3A_1145 = arith.select %or3A_1143, %roll3A_1132, %select_n3A_1125 : vector<8x128xi1>, vector<8x128xf32>
      %select_n3A_1146 = arith.select %or3A_1143, %roll3A_1134, %select_n3A_1126 : vector<8x128xi1>, vector<8x128xf32>
      %select_n3A_1147 = arith.select %or3A_1143, %roll3A_1136, %select_n3A_1127 : vector<8x128xi1>, vector<8x128xf32>
      %select_n3A_1148 = arith.select %or3A_1143, %roll3A_1138, %select_n3A_1128 : vector<8x128xi1>, vector<8x128xi32>
      %roll3A_1149 = arith.constant 2 : i32
      %roll3A_1150 = tpu.dynamic_rotate %select_n3A_1144 by %roll3A_1149 dim 1 : vector<8x128xf32>, i32 -> vector<8x128xf32>
      %roll3A_1151 = arith.constant 2 : i32
      %roll3A_1152 = tpu.dynamic_rotate %select_n3A_1145 by %roll3A_1151 dim 1 : vector<8x128xf32>, i32 -> vector<8x128xf32>
      %roll3A_1153 = arith.constant 2 : i32
      %roll3A_1154 = tpu.dynamic_rotate %select_n3A_1146 by %roll3A_1153 dim 1 : vector<8x128xf32>, i32 -> vector<8x128xf32>
      %roll3A_1155 = arith.constant 2 : i32
      %roll3A_1156 = tpu.dynamic_rotate %select_n3A_1147 by %roll3A_1155 dim 1 : vector<8x128xf32>, i32 -> vector<8x128xf32>
      %roll3A_1157 = arith.constant 2 : i32
      %roll3A_1158 = tpu.dynamic_rotate %select_n3A_1148 by %roll3A_1157 dim 1 : vector<8x128xi32>, i32 -> vector<8x128xi32>
      %gt3A_1159 = arith.cmpf ogt, %roll3A_1150, %select_n3A_1144 : vector<8x128xf32>
      %eq3A_1160 = arith.cmpf oeq, %roll3A_1150, %select_n3A_1144 : vector<8x128xf32>
      %lt3A_1161 = arith.cmpi slt, %roll3A_1158, %select_n3A_1148 : vector<8x128xi32>
      %and3A_1162 = arith.andi %eq3A_1160, %lt3A_1161 : vector<8x128xi1>
      %or3A_1163 = arith.ori %gt3A_1159, %and3A_1162 : vector<8x128xi1>
      %select_n3A_1164 = arith.select %or3A_1163, %roll3A_1150, %select_n3A_1144 : vector<8x128xi1>, vector<8x128xf32>
      %select_n3A_1165 = arith.select %or3A_1163, %roll3A_1152, %select_n3A_1145 : vector<8x128xi1>, vector<8x128xf32>
      %select_n3A_1166 = arith.select %or3A_1163, %roll3A_1154, %select_n3A_1146 : vector<8x128xi1>, vector<8x128xf32>
      %select_n3A_1167 = arith.select %or3A_1163, %roll3A_1156, %select_n3A_1147 : vector<8x128xi1>, vector<8x128xf32>
      %select_n3A_1168 = arith.select %or3A_1163, %roll3A_1158, %select_n3A_1148 : vector<8x128xi1>, vector<8x128xi32>
      %roll3A_1169 = arith.constant 1 : i32
      %roll3A_1170 = tpu.dynamic_rotate %select_n3A_1164 by %roll3A_1169 dim 1 : vector<8x128xf32>, i32 -> vector<8x128xf32>
      %roll3A_1171 = arith.constant 1 : i32
      %roll3A_1172 = tpu.dynamic_rotate %select_n3A_1165 by %roll3A_1171 dim 1 : vector<8x128xf32>, i32 -> vector<8x128xf32>
      %roll3A_1173 = arith.constant 1 : i32
      %roll3A_1174 = tpu.dynamic_rotate %select_n3A_1166 by %roll3A_1173 dim 1 : vector<8x128xf32>, i32 -> vector<8x128xf32>
      %roll3A_1175 = arith.constant 1 : i32
      %roll3A_1176 = tpu.dynamic_rotate %select_n3A_1167 by %roll3A_1175 dim 1 : vector<8x128xf32>, i32 -> vector<8x128xf32>
      %roll3A_1177 = arith.constant 1 : i32
      %roll3A_1178 = tpu.dynamic_rotate %select_n3A_1168 by %roll3A_1177 dim 1 : vector<8x128xi32>, i32 -> vector<8x128xi32>
      %gt3A_1179 = arith.cmpf ogt, %roll3A_1170, %select_n3A_1164 : vector<8x128xf32>
      %eq3A_1180 = arith.cmpf oeq, %roll3A_1170, %select_n3A_1164 : vector<8x128xf32>
      %lt3A_1181 = arith.cmpi slt, %roll3A_1178, %select_n3A_1168 : vector<8x128xi32>
      %and3A_1182 = arith.andi %eq3A_1180, %lt3A_1181 : vector<8x128xi1>
      %or3A_1183 = arith.ori %gt3A_1179, %and3A_1182 : vector<8x128xi1>
      %select_n3A_1184 = arith.select %or3A_1183, %roll3A_1170, %select_n3A_1164 : vector<8x128xi1>, vector<8x128xf32>
      %select_n3A_1185 = arith.select %or3A_1183, %roll3A_1172, %select_n3A_1165 : vector<8x128xi1>, vector<8x128xf32>
      %select_n3A_1186 = arith.select %or3A_1183, %roll3A_1174, %select_n3A_1166 : vector<8x128xi1>, vector<8x128xf32>
      %select_n3A_1187 = arith.select %or3A_1183, %roll3A_1176, %select_n3A_1167 : vector<8x128xi1>, vector<8x128xf32>
      %select_n3A_1188 = arith.select %or3A_1183, %roll3A_1178, %select_n3A_1168 : vector<8x128xi1>, vector<8x128xi32>
      %roll3A_1189 = arith.constant 4 : i32
      %roll3A_1190 = tpu.dynamic_rotate %select_n3A_1184 by %roll3A_1189 dim 0 : vector<8x128xf32>, i32 -> vector<8x128xf32>
      %roll3A_1191 = arith.constant 4 : i32
      %roll3A_1192 = tpu.dynamic_rotate %select_n3A_1185 by %roll3A_1191 dim 0 : vector<8x128xf32>, i32 -> vector<8x128xf32>
      %roll3A_1193 = arith.constant 4 : i32
      %roll3A_1194 = tpu.dynamic_rotate %select_n3A_1186 by %roll3A_1193 dim 0 : vector<8x128xf32>, i32 -> vector<8x128xf32>
      %roll3A_1195 = arith.constant 4 : i32
      %roll3A_1196 = tpu.dynamic_rotate %select_n3A_1187 by %roll3A_1195 dim 0 : vector<8x128xf32>, i32 -> vector<8x128xf32>
      %roll3A_1197 = arith.constant 4 : i32
      %roll3A_1198 = tpu.dynamic_rotate %select_n3A_1188 by %roll3A_1197 dim 0 : vector<8x128xi32>, i32 -> vector<8x128xi32>
      %gt3A_1199 = arith.cmpf ogt, %roll3A_1190, %select_n3A_1184 : vector<8x128xf32>
      %eq3A_1200 = arith.cmpf oeq, %roll3A_1190, %select_n3A_1184 : vector<8x128xf32>
      %lt3A_1201 = arith.cmpi slt, %roll3A_1198, %select_n3A_1188 : vector<8x128xi32>
      %and3A_1202 = arith.andi %eq3A_1200, %lt3A_1201 : vector<8x128xi1>
      %or3A_1203 = arith.ori %gt3A_1199, %and3A_1202 : vector<8x128xi1>
      %select_n3A_1204 = arith.select %or3A_1203, %roll3A_1190, %select_n3A_1184 : vector<8x128xi1>, vector<8x128xf32>
      %select_n3A_1205 = arith.select %or3A_1203, %roll3A_1192, %select_n3A_1185 : vector<8x128xi1>, vector<8x128xf32>
      %select_n3A_1206 = arith.select %or3A_1203, %roll3A_1194, %select_n3A_1186 : vector<8x128xi1>, vector<8x128xf32>
      %select_n3A_1207 = arith.select %or3A_1203, %roll3A_1196, %select_n3A_1187 : vector<8x128xi1>, vector<8x128xf32>
      %select_n3A_1208 = arith.select %or3A_1203, %roll3A_1198, %select_n3A_1188 : vector<8x128xi1>, vector<8x128xi32>
      %roll3A_1209 = arith.constant 2 : i32
      %roll3A_1210 = tpu.dynamic_rotate %select_n3A_1204 by %roll3A_1209 dim 0 : vector<8x128xf32>, i32 -> vector<8x128xf32>
      %roll3A_1211 = arith.constant 2 : i32
      %roll3A_1212 = tpu.dynamic_rotate %select_n3A_1205 by %roll3A_1211 dim 0 : vector<8x128xf32>, i32 -> vector<8x128xf32>
      %roll3A_1213 = arith.constant 2 : i32
      %roll3A_1214 = tpu.dynamic_rotate %select_n3A_1206 by %roll3A_1213 dim 0 : vector<8x128xf32>, i32 -> vector<8x128xf32>
      %roll3A_1215 = arith.constant 2 : i32
      %roll3A_1216 = tpu.dynamic_rotate %select_n3A_1207 by %roll3A_1215 dim 0 : vector<8x128xf32>, i32 -> vector<8x128xf32>
      %roll3A_1217 = arith.constant 2 : i32
      %roll3A_1218 = tpu.dynamic_rotate %select_n3A_1208 by %roll3A_1217 dim 0 : vector<8x128xi32>, i32 -> vector<8x128xi32>
      %gt3A_1219 = arith.cmpf ogt, %roll3A_1210, %select_n3A_1204 : vector<8x128xf32>
      %eq3A_1220 = arith.cmpf oeq, %roll3A_1210, %select_n3A_1204 : vector<8x128xf32>
      %lt3A_1221 = arith.cmpi slt, %roll3A_1218, %select_n3A_1208 : vector<8x128xi32>
      %and3A_1222 = arith.andi %eq3A_1220, %lt3A_1221 : vector<8x128xi1>
      %or3A_1223 = arith.ori %gt3A_1219, %and3A_1222 : vector<8x128xi1>
      %select_n3A_1224 = arith.select %or3A_1223, %roll3A_1210, %select_n3A_1204 : vector<8x128xi1>, vector<8x128xf32>
      %select_n3A_1225 = arith.select %or3A_1223, %roll3A_1212, %select_n3A_1205 : vector<8x128xi1>, vector<8x128xf32>
      %select_n3A_1226 = arith.select %or3A_1223, %roll3A_1214, %select_n3A_1206 : vector<8x128xi1>, vector<8x128xf32>
      %select_n3A_1227 = arith.select %or3A_1223, %roll3A_1216, %select_n3A_1207 : vector<8x128xi1>, vector<8x128xf32>
      %select_n3A_1228 = arith.select %or3A_1223, %roll3A_1218, %select_n3A_1208 : vector<8x128xi1>, vector<8x128xi32>
      %roll3A_1229 = arith.constant 1 : i32
      %roll3A_1230 = tpu.dynamic_rotate %select_n3A_1224 by %roll3A_1229 dim 0 : vector<8x128xf32>, i32 -> vector<8x128xf32>
      %roll3A_1231 = arith.constant 1 : i32
      %roll3A_1232 = tpu.dynamic_rotate %select_n3A_1225 by %roll3A_1231 dim 0 : vector<8x128xf32>, i32 -> vector<8x128xf32>
      %roll3A_1233 = arith.constant 1 : i32
      %roll3A_1234 = tpu.dynamic_rotate %select_n3A_1226 by %roll3A_1233 dim 0 : vector<8x128xf32>, i32 -> vector<8x128xf32>
      %roll3A_1235 = arith.constant 1 : i32
      %roll3A_1236 = tpu.dynamic_rotate %select_n3A_1227 by %roll3A_1235 dim 0 : vector<8x128xf32>, i32 -> vector<8x128xf32>
      %roll3A_1237 = arith.constant 1 : i32
      %roll3A_1238 = tpu.dynamic_rotate %select_n3A_1228 by %roll3A_1237 dim 0 : vector<8x128xi32>, i32 -> vector<8x128xi32>
      %gt3A_1239 = arith.cmpf ogt, %roll3A_1230, %select_n3A_1224 : vector<8x128xf32>
      %eq3A_1240 = arith.cmpf oeq, %roll3A_1230, %select_n3A_1224 : vector<8x128xf32>
      %lt3A_1241 = arith.cmpi slt, %roll3A_1238, %select_n3A_1228 : vector<8x128xi32>
      %and3A_1242 = arith.andi %eq3A_1240, %lt3A_1241 : vector<8x128xi1>
      %or3A_1243 = arith.ori %gt3A_1239, %and3A_1242 : vector<8x128xi1>
      %select_n3A_1244 = arith.select %or3A_1243, %roll3A_1232, %select_n3A_1225 : vector<8x128xi1>, vector<8x128xf32>
      %select_n3A_1245 = arith.select %or3A_1243, %roll3A_1234, %select_n3A_1226 : vector<8x128xi1>, vector<8x128xf32>
      %select_n3A_1246 = arith.select %or3A_1243, %roll3A_1236, %select_n3A_1227 : vector<8x128xi1>, vector<8x128xf32>
      %slice3A_1247 = vector.extract_strided_slice %select_n3A_1244 {offsets = [0, 0], sizes = [1, 1], strides = [1, 1]} : vector<8x128xf32> to vector<1x1xf32>
      %slice3A_1248 = vector.extract_strided_slice %select_n3A_1245 {offsets = [0, 0], sizes = [1, 1], strides = [1, 1]} : vector<8x128xf32> to vector<1x1xf32>
      %slice3A_1249 = vector.extract_strided_slice %select_n3A_1246 {offsets = [0, 0], sizes = [1, 1], strides = [1, 1]} : vector<8x128xf32> to vector<1x1xf32>
      scf.yield %min3A, %min3A_404, %min3A_691, %min3A_978, %slice3A_386, %slice3A_387, %slice3A_388, %slice3A_673, %slice3A_674, %slice3A_675, %slice3A_960, %slice3A_961, %slice3A_962, %slice3A_1247, %slice3A_1248, %slice3A_1249 : vector<8x1024xf32>, vector<8x1024xf32>, vector<8x1024xf32>, vector<8x1024xf32>, vector<1x1xf32>, vector<1x1xf32>, vector<1x1xf32>, vector<1x1xf32>, vector<1x1xf32>, vector<1x1xf32>, vector<1x1xf32>, vector<1x1xf32>, vector<1x1xf32>, vector<1x1xf32>, vector<1x1xf32>, vector<1x1xf32>
    }
    %scan3A_96 = arith.constant 2048 : i32
    return
  }
}

module attributes {stable_mosaic.version = 14 : i64} {
  func.func @_knn_body(%arg0: i32, %arg1: i32, %arg2: memref<1x3x8192xf32, #tpu.memory_space<vmem>>, %arg3: memref<1x128x3xf32, #tpu.memory_space<vmem>>, %arg4: memref<1x128x16xi32, #tpu.memory_space<vmem>>) attributes {dimension_semantics = [#tpu.dimension_semantics<arbitrary>, #tpu.dimension_semantics<arbitrary>], iteration_bounds = array<i64: 4, 16>, scalar_prefetch = 0 : i64, scratch_operands = 0 : i64, tpu.core_type = #tpu.core_type<tc>, window_params = [{transform_indices = @transform_0, window_bounds = array<i64: 1, 3, 8192>}, {transform_indices = @transform_1, window_bounds = array<i64: 1, 128, 3>}, {transform_indices = @transform_2, window_bounds = array<i64: 1, 128, 16>}]} {
    %get3A = arith.constant 0 : index
    %get3A_0 = arith.constant 0 : index
    %get3A_1 = arith.constant 0 : index
    %get3A_2 = vector.load %arg2[%get3A, %get3A_0, %get3A_1] : memref<1x3x8192xf32, #tpu.memory_space<vmem>>, vector<1x1x8192xf32>
    %get3A_3 = vector.shape_cast %get3A_2 : vector<1x1x8192xf32> to vector<1x8192xf32>
    %get3A_4 = arith.constant 0 : index
    %get3A_5 = arith.constant 1 : index
    %get3A_6 = arith.constant 0 : index
    %get3A_7 = vector.load %arg2[%get3A_4, %get3A_5, %get3A_6] : memref<1x3x8192xf32, #tpu.memory_space<vmem>>, vector<1x1x8192xf32>
    %get3A_8 = vector.shape_cast %get3A_7 : vector<1x1x8192xf32> to vector<1x8192xf32>
    %get3A_9 = arith.constant 0 : index
    %get3A_10 = arith.constant 2 : index
    %get3A_11 = arith.constant 0 : index
    %get3A_12 = vector.load %arg2[%get3A_9, %get3A_10, %get3A_11] : memref<1x3x8192xf32, #tpu.memory_space<vmem>>, vector<1x1x8192xf32>
    %get3A_13 = vector.shape_cast %get3A_12 : vector<1x1x8192xf32> to vector<1x8192xf32>
    %mul3A = arith.mulf %get3A_3, %get3A_3 : vector<1x8192xf32>
    %mul3A_14 = arith.mulf %get3A_8, %get3A_8 : vector<1x8192xf32>
    %add3A = arith.addf %mul3A, %mul3A_14 : vector<1x8192xf32>
    %mul3A_15 = arith.mulf %get3A_13, %get3A_13 : vector<1x8192xf32>
    %add3A_16 = arith.addf %add3A, %mul3A_15 : vector<1x8192xf32>
    %get3A_17 = arith.constant 0 : index
    %get3A_18 = arith.constant 0 : index
    %get3A_19 = arith.constant 0 : index
    %get3A_20 = vector.load %arg3[%get3A_17, %get3A_18, %get3A_19] : memref<1x128x3xf32, #tpu.memory_space<vmem>>, vector<1x128x3xf32>
    %get3A_21 = vector.shape_cast %get3A_20 : vector<1x128x3xf32> to vector<128x3xf32>
    %slice3A = vector.extract_strided_slice %get3A_21 {offsets = [0, 0], sizes = [128, 1], strides = [1, 1]} : vector<128x3xf32> to vector<128x1xf32>
    %slice3A_22 = vector.extract_strided_slice %get3A_21 {offsets = [0, 1], sizes = [128, 1], strides = [1, 1]} : vector<128x3xf32> to vector<128x1xf32>
    %slice3A_23 = vector.extract_strided_slice %get3A_21 {offsets = [0, 2], sizes = [128, 1], strides = [1, 1]} : vector<128x3xf32> to vector<128x1xf32>
    %mul3A_24 = arith.mulf %slice3A, %slice3A : vector<128x1xf32>
    %mul3A_25 = arith.mulf %slice3A_22, %slice3A_22 : vector<128x1xf32>
    %add3A_26 = arith.addf %mul3A_24, %mul3A_25 : vector<128x1xf32>
    %mul3A_27 = arith.mulf %slice3A_23, %slice3A_23 : vector<128x1xf32>
    %add3A_28 = arith.addf %add3A_26, %mul3A_27 : vector<128x1xf32>
    %get3A_29 = arith.constant 0 : index
    %get3A_30 = arith.constant 0 : index
    %get3A_31 = arith.constant 0 : index
    %get3A_32 = vector.load %arg2[%get3A_29, %get3A_30, %get3A_31] : memref<1x3x8192xf32, #tpu.memory_space<vmem>>, vector<1x3x8192xf32>
    %get3A_33 = vector.shape_cast %get3A_32 : vector<1x3x8192xf32> to vector<3x8192xf32>
    %dot_general3A = arith.constant dense<0.000000e+00> : vector<128x8192xf32>
    %dot_general3A_34 = tpu.matmul %get3A_21, %get3A_33, %dot_general3A {dimension_numbers = #tpu.dot_dimension_numbers<[1], [0], [0], [1], [0, 0, 1, 1], [], []>, transpose_lhs_hint = false} : vector<128x3xf32>, vector<3x8192xf32>, vector<128x8192xf32> -> vector<128x8192xf32>
    %mul3A_35 = arith.constant 2.000000e+00 : f32
    %mul3A_36 = vector.broadcast %mul3A_35 : f32 to vector<128x8192xf32>
    %mul3A_37 = arith.mulf %mul3A_36, %dot_general3A_34 : vector<128x8192xf32>
    %sub3A = vector.broadcast %add3A_28 : vector<128x1xf32> to vector<128x8192xf32>
    %sub3A_38 = arith.subf %sub3A, %mul3A_37 : vector<128x8192xf32>
    %add3A_39 = vector.broadcast %add3A_16 : vector<1x8192xf32> to vector<128x8192xf32>
    %add3A_40 = arith.addf %sub3A_38, %add3A_39 : vector<128x8192xf32>
    %iota3A = tpu.iota {dimensions = array<i32: 1>} : vector<1x8192xi32>
    %mul3A_41 = arith.constant 8192 : i32
    %mul3A_42 = arith.muli %arg0, %mul3A_41 : i32
    %reduce_min3A = arith.constant dense<0x7F800000> : vector<128xf32>
    %reduce_min3A_43 = vector.multi_reduction <minimumf>, %add3A_40, %reduce_min3A [1] : vector<128x8192xf32> to vector<128xf32>
    %broadcast_in_dim3A = vector.shape_cast %reduce_min3A_43 : vector<128xf32> to vector<128x1xf32>
    %eq3A = vector.broadcast %broadcast_in_dim3A : vector<128x1xf32> to vector<128x8192xf32>
    %eq3A_44 = arith.cmpf oeq, %add3A_40, %eq3A : vector<128x8192xf32>
    %jit3A = arith.constant 1073741824 : i32
    %broadcast_in_dim3A_45 = vector.shape_cast %iota3A : vector<1x8192xi32> to vector<1x8192xi32>
    %broadcast_in_dim3A_46 = vector.broadcast %broadcast_in_dim3A_45 : vector<1x8192xi32> to vector<128x8192xi32>
    %broadcast_in_dim3A_47 = vector.broadcast %jit3A : i32 to vector<128x8192xi32>
    %select_n3A = arith.select %eq3A_44, %broadcast_in_dim3A_46, %broadcast_in_dim3A_47 : vector<128x8192xi1>, vector<128x8192xi32>
    %reduce_min3A_48 = arith.constant dense<2147483647> : vector<128xi32>
    %reduce_min3A_49 = vector.multi_reduction <minsi>, %select_n3A, %reduce_min3A_48 [1] : vector<128x8192xi32> to vector<128xi32>
    %broadcast_in_dim3A_50 = vector.shape_cast %reduce_min3A_49 : vector<128xi32> to vector<128x1xi32>
    %add3A_51 = vector.broadcast %mul3A_42 : i32 to vector<128x1xi32>
    %add3A_52 = arith.addi %broadcast_in_dim3A_50, %add3A_51 : vector<128x1xi32>
    %swap3A = arith.constant 0 : index
    %swap3A_53 = arith.constant 0 : index
    %swap3A_54 = arith.constant 0 : index
    %swap3A_55 = vector.load %arg4[%swap3A, %swap3A_53, %swap3A_54] : memref<1x128x16xi32, #tpu.memory_space<vmem>>, vector<1x128x1xi32>
    %swap3A_56 = vector.shape_cast %swap3A_55 : vector<1x128x1xi32> to vector<128x1xi32>
    %swap3A_57 = vector.shape_cast %add3A_52 : vector<128x1xi32> to vector<1x128x1xi32>
    tpu.vector_store %arg4[%swap3A, %swap3A_53, %swap3A_54], %swap3A_57 {strides = array<i32>} : memref<1x128x16xi32, #tpu.memory_space<vmem>>, vector<1x128x1xi32>,
    %eq3A_58 = vector.broadcast %iota3A : vector<1x8192xi32> to vector<128x8192xi32>
    %eq3A_59 = vector.broadcast %broadcast_in_dim3A_50 : vector<128x1xi32> to vector<128x8192xi32>
    %eq3A_60 = arith.cmpi eq, %eq3A_58, %eq3A_59 : vector<128x8192xi32>
    %jit3A_61 = arith.constant 0x7F800000 : f32
    %broadcast_in_dim3A_62 = vector.broadcast %jit3A_61 : f32 to vector<128x8192xf32>
    %select_n3A_63 = arith.select %eq3A_60, %broadcast_in_dim3A_62, %add3A_40 : vector<128x8192xi1>, vector<128x8192xf32>
    %reduce_min3A_64 = arith.constant dense<0x7F800000> : vector<128xf32>
    %reduce_min3A_65 = vector.multi_reduction <minimumf>, %select_n3A_63, %reduce_min3A_64 [1] : vector<128x8192xf32> to vector<128xf32>
    %broadcast_in_dim3A_66 = vector.shape_cast %reduce_min3A_65 : vector<128xf32> to vector<128x1xf32>
    %eq3A_67 = vector.broadcast %broadcast_in_dim3A_66 : vector<128x1xf32> to vector<128x8192xf32>
    %eq3A_68 = arith.cmpf oeq, %select_n3A_63, %eq3A_67 : vector<128x8192xf32>
    %jit3A_69 = arith.constant 1073741824 : i32
    %broadcast_in_dim3A_70 = vector.shape_cast %iota3A : vector<1x8192xi32> to vector<1x8192xi32>
    %broadcast_in_dim3A_71 = vector.broadcast %broadcast_in_dim3A_70 : vector<1x8192xi32> to vector<128x8192xi32>
    %broadcast_in_dim3A_72 = vector.broadcast %jit3A_69 : i32 to vector<128x8192xi32>
    %select_n3A_73 = arith.select %eq3A_68, %broadcast_in_dim3A_71, %broadcast_in_dim3A_72 : vector<128x8192xi1>, vector<128x8192xi32>
    %reduce_min3A_74 = arith.constant dense<2147483647> : vector<128xi32>
    %reduce_min3A_75 = vector.multi_reduction <minsi>, %select_n3A_73, %reduce_min3A_74 [1] : vector<128x8192xi32> to vector<128xi32>
    %broadcast_in_dim3A_76 = vector.shape_cast %reduce_min3A_75 : vector<128xi32> to vector<128x1xi32>
    %add3A_77 = vector.broadcast %mul3A_42 : i32 to vector<128x1xi32>
    %add3A_78 = arith.addi %broadcast_in_dim3A_76, %add3A_77 : vector<128x1xi32>
    %swap3A_79 = arith.constant 0 : index
    %swap3A_80 = arith.constant 0 : index
    %swap3A_81 = arith.constant 1 : index
    %swap3A_82 = vector.load %arg4[%swap3A_79, %swap3A_80, %swap3A_81] : memref<1x128x16xi32, #tpu.memory_space<vmem>>, vector<1x128x1xi32>
    %swap3A_83 = vector.shape_cast %swap3A_82 : vector<1x128x1xi32> to vector<128x1xi32>
    %swap3A_84 = vector.shape_cast %add3A_78 : vector<128x1xi32> to vector<1x128x1xi32>
    tpu.vector_store %arg4[%swap3A_79, %swap3A_80, %swap3A_81], %swap3A_84 {strides = array<i32>} : memref<1x128x16xi32, #tpu.memory_space<vmem>>, vector<1x128x1xi32>,
    %eq3A_85 = vector.broadcast %iota3A : vector<1x8192xi32> to vector<128x8192xi32>
    %eq3A_86 = vector.broadcast %broadcast_in_dim3A_76 : vector<128x1xi32> to vector<128x8192xi32>
    %eq3A_87 = arith.cmpi eq, %eq3A_85, %eq3A_86 : vector<128x8192xi32>
    %jit3A_88 = arith.constant 0x7F800000 : f32
    %broadcast_in_dim3A_89 = vector.broadcast %jit3A_88 : f32 to vector<128x8192xf32>
    %select_n3A_90 = arith.select %eq3A_87, %broadcast_in_dim3A_89, %select_n3A_63 : vector<128x8192xi1>, vector<128x8192xf32>
    %reduce_min3A_91 = arith.constant dense<0x7F800000> : vector<128xf32>
    %reduce_min3A_92 = vector.multi_reduction <minimumf>, %select_n3A_90, %reduce_min3A_91 [1] : vector<128x8192xf32> to vector<128xf32>
    %broadcast_in_dim3A_93 = vector.shape_cast %reduce_min3A_92 : vector<128xf32> to vector<128x1xf32>
    %eq3A_94 = vector.broadcast %broadcast_in_dim3A_93 : vector<128x1xf32> to vector<128x8192xf32>
    %eq3A_95 = arith.cmpf oeq, %select_n3A_90, %eq3A_94 : vector<128x8192xf32>
    %jit3A_96 = arith.constant 1073741824 : i32
    %broadcast_in_dim3A_97 = vector.shape_cast %iota3A : vector<1x8192xi32> to vector<1x8192xi32>
    %broadcast_in_dim3A_98 = vector.broadcast %broadcast_in_dim3A_97 : vector<1x8192xi32> to vector<128x8192xi32>
    %broadcast_in_dim3A_99 = vector.broadcast %jit3A_96 : i32 to vector<128x8192xi32>
    %select_n3A_100 = arith.select %eq3A_95, %broadcast_in_dim3A_98, %broadcast_in_dim3A_99 : vector<128x8192xi1>, vector<128x8192xi32>
    %reduce_min3A_101 = arith.constant dense<2147483647> : vector<128xi32>
    %reduce_min3A_102 = vector.multi_reduction <minsi>, %select_n3A_100, %reduce_min3A_101 [1] : vector<128x8192xi32> to vector<128xi32>
    %broadcast_in_dim3A_103 = vector.shape_cast %reduce_min3A_102 : vector<128xi32> to vector<128x1xi32>
    %add3A_104 = vector.broadcast %mul3A_42 : i32 to vector<128x1xi32>
    %add3A_105 = arith.addi %broadcast_in_dim3A_103, %add3A_104 : vector<128x1xi32>
    %swap3A_106 = arith.constant 0 : index
    %swap3A_107 = arith.constant 0 : index
    %swap3A_108 = arith.constant 2 : index
    %swap3A_109 = vector.load %arg4[%swap3A_106, %swap3A_107, %swap3A_108] : memref<1x128x16xi32, #tpu.memory_space<vmem>>, vector<1x128x1xi32>
    %swap3A_110 = vector.shape_cast %swap3A_109 : vector<1x128x1xi32> to vector<128x1xi32>
    %swap3A_111 = vector.shape_cast %add3A_105 : vector<128x1xi32> to vector<1x128x1xi32>
    tpu.vector_store %arg4[%swap3A_106, %swap3A_107, %swap3A_108], %swap3A_111 {strides = array<i32>} : memref<1x128x16xi32, #tpu.memory_space<vmem>>, vector<1x128x1xi32>,
    %eq3A_112 = vector.broadcast %iota3A : vector<1x8192xi32> to vector<128x8192xi32>
    %eq3A_113 = vector.broadcast %broadcast_in_dim3A_103 : vector<128x1xi32> to vector<128x8192xi32>
    %eq3A_114 = arith.cmpi eq, %eq3A_112, %eq3A_113 : vector<128x8192xi32>
    %jit3A_115 = arith.constant 0x7F800000 : f32
    %broadcast_in_dim3A_116 = vector.broadcast %jit3A_115 : f32 to vector<128x8192xf32>
    %select_n3A_117 = arith.select %eq3A_114, %broadcast_in_dim3A_116, %select_n3A_90 : vector<128x8192xi1>, vector<128x8192xf32>
    %reduce_min3A_118 = arith.constant dense<0x7F800000> : vector<128xf32>
    %reduce_min3A_119 = vector.multi_reduction <minimumf>, %select_n3A_117, %reduce_min3A_118 [1] : vector<128x8192xf32> to vector<128xf32>
    %broadcast_in_dim3A_120 = vector.shape_cast %reduce_min3A_119 : vector<128xf32> to vector<128x1xf32>
    %eq3A_121 = vector.broadcast %broadcast_in_dim3A_120 : vector<128x1xf32> to vector<128x8192xf32>
    %eq3A_122 = arith.cmpf oeq, %select_n3A_117, %eq3A_121 : vector<128x8192xf32>
    %jit3A_123 = arith.constant 1073741824 : i32
    %broadcast_in_dim3A_124 = vector.shape_cast %iota3A : vector<1x8192xi32> to vector<1x8192xi32>
    %broadcast_in_dim3A_125 = vector.broadcast %broadcast_in_dim3A_124 : vector<1x8192xi32> to vector<128x8192xi32>
    %broadcast_in_dim3A_126 = vector.broadcast %jit3A_123 : i32 to vector<128x8192xi32>
    %select_n3A_127 = arith.select %eq3A_122, %broadcast_in_dim3A_125, %broadcast_in_dim3A_126 : vector<128x8192xi1>, vector<128x8192xi32>
    %reduce_min3A_128 = arith.constant dense<2147483647> : vector<128xi32>
    %reduce_min3A_129 = vector.multi_reduction <minsi>, %select_n3A_127, %reduce_min3A_128 [1] : vector<128x8192xi32> to vector<128xi32>
    %broadcast_in_dim3A_130 = vector.shape_cast %reduce_min3A_129 : vector<128xi32> to vector<128x1xi32>
    %add3A_131 = vector.broadcast %mul3A_42 : i32 to vector<128x1xi32>
    %add3A_132 = arith.addi %broadcast_in_dim3A_130, %add3A_131 : vector<128x1xi32>
    %swap3A_133 = arith.constant 0 : index
    %swap3A_134 = arith.constant 0 : index
    %swap3A_135 = arith.constant 3 : index
    %swap3A_136 = vector.load %arg4[%swap3A_133, %swap3A_134, %swap3A_135] : memref<1x128x16xi32, #tpu.memory_space<vmem>>, vector<1x128x1xi32>
    %swap3A_137 = vector.shape_cast %swap3A_136 : vector<1x128x1xi32> to vector<128x1xi32>
    %swap3A_138 = vector.shape_cast %add3A_132 : vector<128x1xi32> to vector<1x128x1xi32>
    tpu.vector_store %arg4[%swap3A_133, %swap3A_134, %swap3A_135], %swap3A_138 {strides = array<i32>} : memref<1x128x16xi32, #tpu.memory_space<vmem>>, vector<1x128x1xi32>,
    %eq3A_139 = vector.broadcast %iota3A : vector<1x8192xi32> to vector<128x8192xi32>
    %eq3A_140 = vector.broadcast %broadcast_in_dim3A_130 : vector<128x1xi32> to vector<128x8192xi32>
    %eq3A_141 = arith.cmpi eq, %eq3A_139, %eq3A_140 : vector<128x8192xi32>
    %jit3A_142 = arith.constant 0x7F800000 : f32
    %broadcast_in_dim3A_143 = vector.broadcast %jit3A_142 : f32 to vector<128x8192xf32>
    %select_n3A_144 = arith.select %eq3A_141, %broadcast_in_dim3A_143, %select_n3A_117 : vector<128x8192xi1>, vector<128x8192xf32>
    %reduce_min3A_145 = arith.constant dense<0x7F800000> : vector<128xf32>
    %reduce_min3A_146 = vector.multi_reduction <minimumf>, %select_n3A_144, %reduce_min3A_145 [1] : vector<128x8192xf32> to vector<128xf32>
    %broadcast_in_dim3A_147 = vector.shape_cast %reduce_min3A_146 : vector<128xf32> to vector<128x1xf32>
    %eq3A_148 = vector.broadcast %broadcast_in_dim3A_147 : vector<128x1xf32> to vector<128x8192xf32>
    %eq3A_149 = arith.cmpf oeq, %select_n3A_144, %eq3A_148 : vector<128x8192xf32>
    %jit3A_150 = arith.constant 1073741824 : i32
    %broadcast_in_dim3A_151 = vector.shape_cast %iota3A : vector<1x8192xi32> to vector<1x8192xi32>
    %broadcast_in_dim3A_152 = vector.broadcast %broadcast_in_dim3A_151 : vector<1x8192xi32> to vector<128x8192xi32>
    %broadcast_in_dim3A_153 = vector.broadcast %jit3A_150 : i32 to vector<128x8192xi32>
    %select_n3A_154 = arith.select %eq3A_149, %broadcast_in_dim3A_152, %broadcast_in_dim3A_153 : vector<128x8192xi1>, vector<128x8192xi32>
    %reduce_min3A_155 = arith.constant dense<2147483647> : vector<128xi32>
    %reduce_min3A_156 = vector.multi_reduction <minsi>, %select_n3A_154, %reduce_min3A_155 [1] : vector<128x8192xi32> to vector<128xi32>
    %broadcast_in_dim3A_157 = vector.shape_cast %reduce_min3A_156 : vector<128xi32> to vector<128x1xi32>
    %add3A_158 = vector.broadcast %mul3A_42 : i32 to vector<128x1xi32>
    %add3A_159 = arith.addi %broadcast_in_dim3A_157, %add3A_158 : vector<128x1xi32>
    %swap3A_160 = arith.constant 0 : index
    %swap3A_161 = arith.constant 0 : index
    %swap3A_162 = arith.constant 4 : index
    %swap3A_163 = vector.load %arg4[%swap3A_160, %swap3A_161, %swap3A_162] : memref<1x128x16xi32, #tpu.memory_space<vmem>>, vector<1x128x1xi32>
    %swap3A_164 = vector.shape_cast %swap3A_163 : vector<1x128x1xi32> to vector<128x1xi32>
    %swap3A_165 = vector.shape_cast %add3A_159 : vector<128x1xi32> to vector<1x128x1xi32>
    tpu.vector_store %arg4[%swap3A_160, %swap3A_161, %swap3A_162], %swap3A_165 {strides = array<i32>} : memref<1x128x16xi32, #tpu.memory_space<vmem>>, vector<1x128x1xi32>,
    %eq3A_166 = vector.broadcast %iota3A : vector<1x8192xi32> to vector<128x8192xi32>
    %eq3A_167 = vector.broadcast %broadcast_in_dim3A_157 : vector<128x1xi32> to vector<128x8192xi32>
    %eq3A_168 = arith.cmpi eq, %eq3A_166, %eq3A_167 : vector<128x8192xi32>
    %jit3A_169 = arith.constant 0x7F800000 : f32
    %broadcast_in_dim3A_170 = vector.broadcast %jit3A_169 : f32 to vector<128x8192xf32>
    %select_n3A_171 = arith.select %eq3A_168, %broadcast_in_dim3A_170, %select_n3A_144 : vector<128x8192xi1>, vector<128x8192xf32>
    %reduce_min3A_172 = arith.constant dense<0x7F800000> : vector<128xf32>
    %reduce_min3A_173 = vector.multi_reduction <minimumf>, %select_n3A_171, %reduce_min3A_172 [1] : vector<128x8192xf32> to vector<128xf32>
    %broadcast_in_dim3A_174 = vector.shape_cast %reduce_min3A_173 : vector<128xf32> to vector<128x1xf32>
    %eq3A_175 = vector.broadcast %broadcast_in_dim3A_174 : vector<128x1xf32> to vector<128x8192xf32>
    %eq3A_176 = arith.cmpf oeq, %select_n3A_171, %eq3A_175 : vector<128x8192xf32>
    %jit3A_177 = arith.constant 1073741824 : i32
    %broadcast_in_dim3A_178 = vector.shape_cast %iota3A : vector<1x8192xi32> to vector<1x8192xi32>
    %broadcast_in_dim3A_179 = vector.broadcast %broadcast_in_dim3A_178 : vector<1x8192xi32> to vector<128x8192xi32>
    %broadcast_in_dim3A_180 = vector.broadcast %jit3A_177 : i32 to vector<128x8192xi32>
    %select_n3A_181 = arith.select %eq3A_176, %broadcast_in_dim3A_179, %broadcast_in_dim3A_180 : vector<128x8192xi1>, vector<128x8192xi32>
    %reduce_min3A_182 = arith.constant dense<2147483647> : vector<128xi32>
    %reduce_min3A_183 = vector.multi_reduction <minsi>, %select_n3A_181, %reduce_min3A_182 [1] : vector<128x8192xi32> to vector<128xi32>
    %broadcast_in_dim3A_184 = vector.shape_cast %reduce_min3A_183 : vector<128xi32> to vector<128x1xi32>
    %add3A_185 = vector.broadcast %mul3A_42 : i32 to vector<128x1xi32>
    %add3A_186 = arith.addi %broadcast_in_dim3A_184, %add3A_185 : vector<128x1xi32>
    %swap3A_187 = arith.constant 0 : index
    %swap3A_188 = arith.constant 0 : index
    %swap3A_189 = arith.constant 5 : index
    %swap3A_190 = vector.load %arg4[%swap3A_187, %swap3A_188, %swap3A_189] : memref<1x128x16xi32, #tpu.memory_space<vmem>>, vector<1x128x1xi32>
    %swap3A_191 = vector.shape_cast %swap3A_190 : vector<1x128x1xi32> to vector<128x1xi32>
    %swap3A_192 = vector.shape_cast %add3A_186 : vector<128x1xi32> to vector<1x128x1xi32>
    tpu.vector_store %arg4[%swap3A_187, %swap3A_188, %swap3A_189], %swap3A_192 {strides = array<i32>} : memref<1x128x16xi32, #tpu.memory_space<vmem>>, vector<1x128x1xi32>,
    %eq3A_193 = vector.broadcast %iota3A : vector<1x8192xi32> to vector<128x8192xi32>
    %eq3A_194 = vector.broadcast %broadcast_in_dim3A_184 : vector<128x1xi32> to vector<128x8192xi32>
    %eq3A_195 = arith.cmpi eq, %eq3A_193, %eq3A_194 : vector<128x8192xi32>
    %jit3A_196 = arith.constant 0x7F800000 : f32
    %broadcast_in_dim3A_197 = vector.broadcast %jit3A_196 : f32 to vector<128x8192xf32>
    %select_n3A_198 = arith.select %eq3A_195, %broadcast_in_dim3A_197, %select_n3A_171 : vector<128x8192xi1>, vector<128x8192xf32>
    %reduce_min3A_199 = arith.constant dense<0x7F800000> : vector<128xf32>
    %reduce_min3A_200 = vector.multi_reduction <minimumf>, %select_n3A_198, %reduce_min3A_199 [1] : vector<128x8192xf32> to vector<128xf32>
    %broadcast_in_dim3A_201 = vector.shape_cast %reduce_min3A_200 : vector<128xf32> to vector<128x1xf32>
    %eq3A_202 = vector.broadcast %broadcast_in_dim3A_201 : vector<128x1xf32> to vector<128x8192xf32>
    %eq3A_203 = arith.cmpf oeq, %select_n3A_198, %eq3A_202 : vector<128x8192xf32>
    %jit3A_204 = arith.constant 1073741824 : i32
    %broadcast_in_dim3A_205 = vector.shape_cast %iota3A : vector<1x8192xi32> to vector<1x8192xi32>
    %broadcast_in_dim3A_206 = vector.broadcast %broadcast_in_dim3A_205 : vector<1x8192xi32> to vector<128x8192xi32>
    %broadcast_in_dim3A_207 = vector.broadcast %jit3A_204 : i32 to vector<128x8192xi32>
    %select_n3A_208 = arith.select %eq3A_203, %broadcast_in_dim3A_206, %broadcast_in_dim3A_207 : vector<128x8192xi1>, vector<128x8192xi32>
    %reduce_min3A_209 = arith.constant dense<2147483647> : vector<128xi32>
    %reduce_min3A_210 = vector.multi_reduction <minsi>, %select_n3A_208, %reduce_min3A_209 [1] : vector<128x8192xi32> to vector<128xi32>
    %broadcast_in_dim3A_211 = vector.shape_cast %reduce_min3A_210 : vector<128xi32> to vector<128x1xi32>
    %add3A_212 = vector.broadcast %mul3A_42 : i32 to vector<128x1xi32>
    %add3A_213 = arith.addi %broadcast_in_dim3A_211, %add3A_212 : vector<128x1xi32>
    %swap3A_214 = arith.constant 0 : index
    %swap3A_215 = arith.constant 0 : index
    %swap3A_216 = arith.constant 6 : index
    %swap3A_217 = vector.load %arg4[%swap3A_214, %swap3A_215, %swap3A_216] : memref<1x128x16xi32, #tpu.memory_space<vmem>>, vector<1x128x1xi32>
    %swap3A_218 = vector.shape_cast %swap3A_217 : vector<1x128x1xi32> to vector<128x1xi32>
    %swap3A_219 = vector.shape_cast %add3A_213 : vector<128x1xi32> to vector<1x128x1xi32>
    tpu.vector_store %arg4[%swap3A_214, %swap3A_215, %swap3A_216], %swap3A_219 {strides = array<i32>} : memref<1x128x16xi32, #tpu.memory_space<vmem>>, vector<1x128x1xi32>,
    %eq3A_220 = vector.broadcast %iota3A : vector<1x8192xi32> to vector<128x8192xi32>
    %eq3A_221 = vector.broadcast %broadcast_in_dim3A_211 : vector<128x1xi32> to vector<128x8192xi32>
    %eq3A_222 = arith.cmpi eq, %eq3A_220, %eq3A_221 : vector<128x8192xi32>
    %jit3A_223 = arith.constant 0x7F800000 : f32
    %broadcast_in_dim3A_224 = vector.broadcast %jit3A_223 : f32 to vector<128x8192xf32>
    %select_n3A_225 = arith.select %eq3A_222, %broadcast_in_dim3A_224, %select_n3A_198 : vector<128x8192xi1>, vector<128x8192xf32>
    %reduce_min3A_226 = arith.constant dense<0x7F800000> : vector<128xf32>
    %reduce_min3A_227 = vector.multi_reduction <minimumf>, %select_n3A_225, %reduce_min3A_226 [1] : vector<128x8192xf32> to vector<128xf32>
    %broadcast_in_dim3A_228 = vector.shape_cast %reduce_min3A_227 : vector<128xf32> to vector<128x1xf32>
    %eq3A_229 = vector.broadcast %broadcast_in_dim3A_228 : vector<128x1xf32> to vector<128x8192xf32>
    %eq3A_230 = arith.cmpf oeq, %select_n3A_225, %eq3A_229 : vector<128x8192xf32>
    %jit3A_231 = arith.constant 1073741824 : i32
    %broadcast_in_dim3A_232 = vector.shape_cast %iota3A : vector<1x8192xi32> to vector<1x8192xi32>
    %broadcast_in_dim3A_233 = vector.broadcast %broadcast_in_dim3A_232 : vector<1x8192xi32> to vector<128x8192xi32>
    %broadcast_in_dim3A_234 = vector.broadcast %jit3A_231 : i32 to vector<128x8192xi32>
    %select_n3A_235 = arith.select %eq3A_230, %broadcast_in_dim3A_233, %broadcast_in_dim3A_234 : vector<128x8192xi1>, vector<128x8192xi32>
    %reduce_min3A_236 = arith.constant dense<2147483647> : vector<128xi32>
    %reduce_min3A_237 = vector.multi_reduction <minsi>, %select_n3A_235, %reduce_min3A_236 [1] : vector<128x8192xi32> to vector<128xi32>
    %broadcast_in_dim3A_238 = vector.shape_cast %reduce_min3A_237 : vector<128xi32> to vector<128x1xi32>
    %add3A_239 = vector.broadcast %mul3A_42 : i32 to vector<128x1xi32>
    %add3A_240 = arith.addi %broadcast_in_dim3A_238, %add3A_239 : vector<128x1xi32>
    %swap3A_241 = arith.constant 0 : index
    %swap3A_242 = arith.constant 0 : index
    %swap3A_243 = arith.constant 7 : index
    %swap3A_244 = vector.load %arg4[%swap3A_241, %swap3A_242, %swap3A_243] : memref<1x128x16xi32, #tpu.memory_space<vmem>>, vector<1x128x1xi32>
    %swap3A_245 = vector.shape_cast %swap3A_244 : vector<1x128x1xi32> to vector<128x1xi32>
    %swap3A_246 = vector.shape_cast %add3A_240 : vector<128x1xi32> to vector<1x128x1xi32>
    tpu.vector_store %arg4[%swap3A_241, %swap3A_242, %swap3A_243], %swap3A_246 {strides = array<i32>} : memref<1x128x16xi32, #tpu.memory_space<vmem>>, vector<1x128x1xi32>,
    %eq3A_247 = vector.broadcast %iota3A : vector<1x8192xi32> to vector<128x8192xi32>
    %eq3A_248 = vector.broadcast %broadcast_in_dim3A_238 : vector<128x1xi32> to vector<128x8192xi32>
    %eq3A_249 = arith.cmpi eq, %eq3A_247, %eq3A_248 : vector<128x8192xi32>
    %jit3A_250 = arith.constant 0x7F800000 : f32
    %broadcast_in_dim3A_251 = vector.broadcast %jit3A_250 : f32 to vector<128x8192xf32>
    %select_n3A_252 = arith.select %eq3A_249, %broadcast_in_dim3A_251, %select_n3A_225 : vector<128x8192xi1>, vector<128x8192xf32>
    %reduce_min3A_253 = arith.constant dense<0x7F800000> : vector<128xf32>
    %reduce_min3A_254 = vector.multi_reduction <minimumf>, %select_n3A_252, %reduce_min3A_253 [1] : vector<128x8192xf32> to vector<128xf32>
    %broadcast_in_dim3A_255 = vector.shape_cast %reduce_min3A_254 : vector<128xf32> to vector<128x1xf32>
    %eq3A_256 = vector.broadcast %broadcast_in_dim3A_255 : vector<128x1xf32> to vector<128x8192xf32>
    %eq3A_257 = arith.cmpf oeq, %select_n3A_252, %eq3A_256 : vector<128x8192xf32>
    %jit3A_258 = arith.constant 1073741824 : i32
    %broadcast_in_dim3A_259 = vector.shape_cast %iota3A : vector<1x8192xi32> to vector<1x8192xi32>
    %broadcast_in_dim3A_260 = vector.broadcast %broadcast_in_dim3A_259 : vector<1x8192xi32> to vector<128x8192xi32>
    %broadcast_in_dim3A_261 = vector.broadcast %jit3A_258 : i32 to vector<128x8192xi32>
    %select_n3A_262 = arith.select %eq3A_257, %broadcast_in_dim3A_260, %broadcast_in_dim3A_261 : vector<128x8192xi1>, vector<128x8192xi32>
    %reduce_min3A_263 = arith.constant dense<2147483647> : vector<128xi32>
    %reduce_min3A_264 = vector.multi_reduction <minsi>, %select_n3A_262, %reduce_min3A_263 [1] : vector<128x8192xi32> to vector<128xi32>
    %broadcast_in_dim3A_265 = vector.shape_cast %reduce_min3A_264 : vector<128xi32> to vector<128x1xi32>
    %add3A_266 = vector.broadcast %mul3A_42 : i32 to vector<128x1xi32>
    %add3A_267 = arith.addi %broadcast_in_dim3A_265, %add3A_266 : vector<128x1xi32>
    %swap3A_268 = arith.constant 0 : index
    %swap3A_269 = arith.constant 0 : index
    %swap3A_270 = arith.constant 8 : index
    %swap3A_271 = vector.load %arg4[%swap3A_268, %swap3A_269, %swap3A_270] : memref<1x128x16xi32, #tpu.memory_space<vmem>>, vector<1x128x1xi32>
    %swap3A_272 = vector.shape_cast %swap3A_271 : vector<1x128x1xi32> to vector<128x1xi32>
    %swap3A_273 = vector.shape_cast %add3A_267 : vector<128x1xi32> to vector<1x128x1xi32>
    tpu.vector_store %arg4[%swap3A_268, %swap3A_269, %swap3A_270], %swap3A_273 {strides = array<i32>} : memref<1x128x16xi32, #tpu.memory_space<vmem>>, vector<1x128x1xi32>,
    %eq3A_274 = vector.broadcast %iota3A : vector<1x8192xi32> to vector<128x8192xi32>
    %eq3A_275 = vector.broadcast %broadcast_in_dim3A_265 : vector<128x1xi32> to vector<128x8192xi32>
    %eq3A_276 = arith.cmpi eq, %eq3A_274, %eq3A_275 : vector<128x8192xi32>
    %jit3A_277 = arith.constant 0x7F800000 : f32
    %broadcast_in_dim3A_278 = vector.broadcast %jit3A_277 : f32 to vector<128x8192xf32>
    %select_n3A_279 = arith.select %eq3A_276, %broadcast_in_dim3A_278, %select_n3A_252 : vector<128x8192xi1>, vector<128x8192xf32>
    %reduce_min3A_280 = arith.constant dense<0x7F800000> : vector<128xf32>
    %reduce_min3A_281 = vector.multi_reduction <minimumf>, %select_n3A_279, %reduce_min3A_280 [1] : vector<128x8192xf32> to vector<128xf32>
    %broadcast_in_dim3A_282 = vector.shape_cast %reduce_min3A_281 : vector<128xf32> to vector<128x1xf32>
    %eq3A_283 = vector.broadcast %broadcast_in_dim3A_282 : vector<128x1xf32> to vector<128x8192xf32>
    %eq3A_284 = arith.cmpf oeq, %select_n3A_279, %eq3A_283 : vector<128x8192xf32>
    %jit3A_285 = arith.constant 1073741824 : i32
    %broadcast_in_dim3A_286 = vector.shape_cast %iota3A : vector<1x8192xi32> to vector<1x8192xi32>
    %broadcast_in_dim3A_287 = vector.broadcast %broadcast_in_dim3A_286 : vector<1x8192xi32> to vector<128x8192xi32>
    %broadcast_in_dim3A_288 = vector.broadcast %jit3A_285 : i32 to vector<128x8192xi32>
    %select_n3A_289 = arith.select %eq3A_284, %broadcast_in_dim3A_287, %broadcast_in_dim3A_288 : vector<128x8192xi1>, vector<128x8192xi32>
    %reduce_min3A_290 = arith.constant dense<2147483647> : vector<128xi32>
    %reduce_min3A_291 = vector.multi_reduction <minsi>, %select_n3A_289, %reduce_min3A_290 [1] : vector<128x8192xi32> to vector<128xi32>
    %broadcast_in_dim3A_292 = vector.shape_cast %reduce_min3A_291 : vector<128xi32> to vector<128x1xi32>
    %add3A_293 = vector.broadcast %mul3A_42 : i32 to vector<128x1xi32>
    %add3A_294 = arith.addi %broadcast_in_dim3A_292, %add3A_293 : vector<128x1xi32>
    %swap3A_295 = arith.constant 0 : index
    %swap3A_296 = arith.constant 0 : index
    %swap3A_297 = arith.constant 9 : index
    %swap3A_298 = vector.load %arg4[%swap3A_295, %swap3A_296, %swap3A_297] : memref<1x128x16xi32, #tpu.memory_space<vmem>>, vector<1x128x1xi32>
    %swap3A_299 = vector.shape_cast %swap3A_298 : vector<1x128x1xi32> to vector<128x1xi32>
    %swap3A_300 = vector.shape_cast %add3A_294 : vector<128x1xi32> to vector<1x128x1xi32>
    tpu.vector_store %arg4[%swap3A_295, %swap3A_296, %swap3A_297], %swap3A_300 {strides = array<i32>} : memref<1x128x16xi32, #tpu.memory_space<vmem>>, vector<1x128x1xi32>,
    %eq3A_301 = vector.broadcast %iota3A : vector<1x8192xi32> to vector<128x8192xi32>
    %eq3A_302 = vector.broadcast %broadcast_in_dim3A_292 : vector<128x1xi32> to vector<128x8192xi32>
    %eq3A_303 = arith.cmpi eq, %eq3A_301, %eq3A_302 : vector<128x8192xi32>
    %jit3A_304 = arith.constant 0x7F800000 : f32
    %broadcast_in_dim3A_305 = vector.broadcast %jit3A_304 : f32 to vector<128x8192xf32>
    %select_n3A_306 = arith.select %eq3A_303, %broadcast_in_dim3A_305, %select_n3A_279 : vector<128x8192xi1>, vector<128x8192xf32>
    %reduce_min3A_307 = arith.constant dense<0x7F800000> : vector<128xf32>
    %reduce_min3A_308 = vector.multi_reduction <minimumf>, %select_n3A_306, %reduce_min3A_307 [1] : vector<128x8192xf32> to vector<128xf32>
    %broadcast_in_dim3A_309 = vector.shape_cast %reduce_min3A_308 : vector<128xf32> to vector<128x1xf32>
    %eq3A_310 = vector.broadcast %broadcast_in_dim3A_309 : vector<128x1xf32> to vector<128x8192xf32>
    %eq3A_311 = arith.cmpf oeq, %select_n3A_306, %eq3A_310 : vector<128x8192xf32>
    %jit3A_312 = arith.constant 1073741824 : i32
    %broadcast_in_dim3A_313 = vector.shape_cast %iota3A : vector<1x8192xi32> to vector<1x8192xi32>
    %broadcast_in_dim3A_314 = vector.broadcast %broadcast_in_dim3A_313 : vector<1x8192xi32> to vector<128x8192xi32>
    %broadcast_in_dim3A_315 = vector.broadcast %jit3A_312 : i32 to vector<128x8192xi32>
    %select_n3A_316 = arith.select %eq3A_311, %broadcast_in_dim3A_314, %broadcast_in_dim3A_315 : vector<128x8192xi1>, vector<128x8192xi32>
    %reduce_min3A_317 = arith.constant dense<2147483647> : vector<128xi32>
    %reduce_min3A_318 = vector.multi_reduction <minsi>, %select_n3A_316, %reduce_min3A_317 [1] : vector<128x8192xi32> to vector<128xi32>
    %broadcast_in_dim3A_319 = vector.shape_cast %reduce_min3A_318 : vector<128xi32> to vector<128x1xi32>
    %add3A_320 = vector.broadcast %mul3A_42 : i32 to vector<128x1xi32>
    %add3A_321 = arith.addi %broadcast_in_dim3A_319, %add3A_320 : vector<128x1xi32>
    %swap3A_322 = arith.constant 0 : index
    %swap3A_323 = arith.constant 0 : index
    %swap3A_324 = arith.constant 10 : index
    %swap3A_325 = vector.load %arg4[%swap3A_322, %swap3A_323, %swap3A_324] : memref<1x128x16xi32, #tpu.memory_space<vmem>>, vector<1x128x1xi32>
    %swap3A_326 = vector.shape_cast %swap3A_325 : vector<1x128x1xi32> to vector<128x1xi32>
    %swap3A_327 = vector.shape_cast %add3A_321 : vector<128x1xi32> to vector<1x128x1xi32>
    tpu.vector_store %arg4[%swap3A_322, %swap3A_323, %swap3A_324], %swap3A_327 {strides = array<i32>} : memref<1x128x16xi32, #tpu.memory_space<vmem>>, vector<1x128x1xi32>,
    %eq3A_328 = vector.broadcast %iota3A : vector<1x8192xi32> to vector<128x8192xi32>
    %eq3A_329 = vector.broadcast %broadcast_in_dim3A_319 : vector<128x1xi32> to vector<128x8192xi32>
    %eq3A_330 = arith.cmpi eq, %eq3A_328, %eq3A_329 : vector<128x8192xi32>
    %jit3A_331 = arith.constant 0x7F800000 : f32
    %broadcast_in_dim3A_332 = vector.broadcast %jit3A_331 : f32 to vector<128x8192xf32>
    %select_n3A_333 = arith.select %eq3A_330, %broadcast_in_dim3A_332, %select_n3A_306 : vector<128x8192xi1>, vector<128x8192xf32>
    %reduce_min3A_334 = arith.constant dense<0x7F800000> : vector<128xf32>
    %reduce_min3A_335 = vector.multi_reduction <minimumf>, %select_n3A_333, %reduce_min3A_334 [1] : vector<128x8192xf32> to vector<128xf32>
    %broadcast_in_dim3A_336 = vector.shape_cast %reduce_min3A_335 : vector<128xf32> to vector<128x1xf32>
    %eq3A_337 = vector.broadcast %broadcast_in_dim3A_336 : vector<128x1xf32> to vector<128x8192xf32>
    %eq3A_338 = arith.cmpf oeq, %select_n3A_333, %eq3A_337 : vector<128x8192xf32>
    %jit3A_339 = arith.constant 1073741824 : i32
    %broadcast_in_dim3A_340 = vector.shape_cast %iota3A : vector<1x8192xi32> to vector<1x8192xi32>
    %broadcast_in_dim3A_341 = vector.broadcast %broadcast_in_dim3A_340 : vector<1x8192xi32> to vector<128x8192xi32>
    %broadcast_in_dim3A_342 = vector.broadcast %jit3A_339 : i32 to vector<128x8192xi32>
    %select_n3A_343 = arith.select %eq3A_338, %broadcast_in_dim3A_341, %broadcast_in_dim3A_342 : vector<128x8192xi1>, vector<128x8192xi32>
    %reduce_min3A_344 = arith.constant dense<2147483647> : vector<128xi32>
    %reduce_min3A_345 = vector.multi_reduction <minsi>, %select_n3A_343, %reduce_min3A_344 [1] : vector<128x8192xi32> to vector<128xi32>
    %broadcast_in_dim3A_346 = vector.shape_cast %reduce_min3A_345 : vector<128xi32> to vector<128x1xi32>
    %add3A_347 = vector.broadcast %mul3A_42 : i32 to vector<128x1xi32>
    %add3A_348 = arith.addi %broadcast_in_dim3A_346, %add3A_347 : vector<128x1xi32>
    %swap3A_349 = arith.constant 0 : index
    %swap3A_350 = arith.constant 0 : index
    %swap3A_351 = arith.constant 11 : index
    %swap3A_352 = vector.load %arg4[%swap3A_349, %swap3A_350, %swap3A_351] : memref<1x128x16xi32, #tpu.memory_space<vmem>>, vector<1x128x1xi32>
    %swap3A_353 = vector.shape_cast %swap3A_352 : vector<1x128x1xi32> to vector<128x1xi32>
    %swap3A_354 = vector.shape_cast %add3A_348 : vector<128x1xi32> to vector<1x128x1xi32>
    tpu.vector_store %arg4[%swap3A_349, %swap3A_350, %swap3A_351], %swap3A_354 {strides = array<i32>} : memref<1x128x16xi32, #tpu.memory_space<vmem>>, vector<1x128x1xi32>,
    %eq3A_355 = vector.broadcast %iota3A : vector<1x8192xi32> to vector<128x8192xi32>
    %eq3A_356 = vector.broadcast %broadcast_in_dim3A_346 : vector<128x1xi32> to vector<128x8192xi32>
    %eq3A_357 = arith.cmpi eq, %eq3A_355, %eq3A_356 : vector<128x8192xi32>
    %jit3A_358 = arith.constant 0x7F800000 : f32
    %broadcast_in_dim3A_359 = vector.broadcast %jit3A_358 : f32 to vector<128x8192xf32>
    %select_n3A_360 = arith.select %eq3A_357, %broadcast_in_dim3A_359, %select_n3A_333 : vector<128x8192xi1>, vector<128x8192xf32>
    %reduce_min3A_361 = arith.constant dense<0x7F800000> : vector<128xf32>
    %reduce_min3A_362 = vector.multi_reduction <minimumf>, %select_n3A_360, %reduce_min3A_361 [1] : vector<128x8192xf32> to vector<128xf32>
    %broadcast_in_dim3A_363 = vector.shape_cast %reduce_min3A_362 : vector<128xf32> to vector<128x1xf32>
    %eq3A_364 = vector.broadcast %broadcast_in_dim3A_363 : vector<128x1xf32> to vector<128x8192xf32>
    %eq3A_365 = arith.cmpf oeq, %select_n3A_360, %eq3A_364 : vector<128x8192xf32>
    %jit3A_366 = arith.constant 1073741824 : i32
    %broadcast_in_dim3A_367 = vector.shape_cast %iota3A : vector<1x8192xi32> to vector<1x8192xi32>
    %broadcast_in_dim3A_368 = vector.broadcast %broadcast_in_dim3A_367 : vector<1x8192xi32> to vector<128x8192xi32>
    %broadcast_in_dim3A_369 = vector.broadcast %jit3A_366 : i32 to vector<128x8192xi32>
    %select_n3A_370 = arith.select %eq3A_365, %broadcast_in_dim3A_368, %broadcast_in_dim3A_369 : vector<128x8192xi1>, vector<128x8192xi32>
    %reduce_min3A_371 = arith.constant dense<2147483647> : vector<128xi32>
    %reduce_min3A_372 = vector.multi_reduction <minsi>, %select_n3A_370, %reduce_min3A_371 [1] : vector<128x8192xi32> to vector<128xi32>
    %broadcast_in_dim3A_373 = vector.shape_cast %reduce_min3A_372 : vector<128xi32> to vector<128x1xi32>
    %add3A_374 = vector.broadcast %mul3A_42 : i32 to vector<128x1xi32>
    %add3A_375 = arith.addi %broadcast_in_dim3A_373, %add3A_374 : vector<128x1xi32>
    %swap3A_376 = arith.constant 0 : index
    %swap3A_377 = arith.constant 0 : index
    %swap3A_378 = arith.constant 12 : index
    %swap3A_379 = vector.load %arg4[%swap3A_376, %swap3A_377, %swap3A_378] : memref<1x128x16xi32, #tpu.memory_space<vmem>>, vector<1x128x1xi32>
    %swap3A_380 = vector.shape_cast %swap3A_379 : vector<1x128x1xi32> to vector<128x1xi32>
    %swap3A_381 = vector.shape_cast %add3A_375 : vector<128x1xi32> to vector<1x128x1xi32>
    tpu.vector_store %arg4[%swap3A_376, %swap3A_377, %swap3A_378], %swap3A_381 {strides = array<i32>} : memref<1x128x16xi32, #tpu.memory_space<vmem>>, vector<1x128x1xi32>,
    %eq3A_382 = vector.broadcast %iota3A : vector<1x8192xi32> to vector<128x8192xi32>
    %eq3A_383 = vector.broadcast %broadcast_in_dim3A_373 : vector<128x1xi32> to vector<128x8192xi32>
    %eq3A_384 = arith.cmpi eq, %eq3A_382, %eq3A_383 : vector<128x8192xi32>
    %jit3A_385 = arith.constant 0x7F800000 : f32
    %broadcast_in_dim3A_386 = vector.broadcast %jit3A_385 : f32 to vector<128x8192xf32>
    %select_n3A_387 = arith.select %eq3A_384, %broadcast_in_dim3A_386, %select_n3A_360 : vector<128x8192xi1>, vector<128x8192xf32>
    %reduce_min3A_388 = arith.constant dense<0x7F800000> : vector<128xf32>
    %reduce_min3A_389 = vector.multi_reduction <minimumf>, %select_n3A_387, %reduce_min3A_388 [1] : vector<128x8192xf32> to vector<128xf32>
    %broadcast_in_dim3A_390 = vector.shape_cast %reduce_min3A_389 : vector<128xf32> to vector<128x1xf32>
    %eq3A_391 = vector.broadcast %broadcast_in_dim3A_390 : vector<128x1xf32> to vector<128x8192xf32>
    %eq3A_392 = arith.cmpf oeq, %select_n3A_387, %eq3A_391 : vector<128x8192xf32>
    %jit3A_393 = arith.constant 1073741824 : i32
    %broadcast_in_dim3A_394 = vector.shape_cast %iota3A : vector<1x8192xi32> to vector<1x8192xi32>
    %broadcast_in_dim3A_395 = vector.broadcast %broadcast_in_dim3A_394 : vector<1x8192xi32> to vector<128x8192xi32>
    %broadcast_in_dim3A_396 = vector.broadcast %jit3A_393 : i32 to vector<128x8192xi32>
    %select_n3A_397 = arith.select %eq3A_392, %broadcast_in_dim3A_395, %broadcast_in_dim3A_396 : vector<128x8192xi1>, vector<128x8192xi32>
    %reduce_min3A_398 = arith.constant dense<2147483647> : vector<128xi32>
    %reduce_min3A_399 = vector.multi_reduction <minsi>, %select_n3A_397, %reduce_min3A_398 [1] : vector<128x8192xi32> to vector<128xi32>
    %broadcast_in_dim3A_400 = vector.shape_cast %reduce_min3A_399 : vector<128xi32> to vector<128x1xi32>
    %add3A_401 = vector.broadcast %mul3A_42 : i32 to vector<128x1xi32>
    %add3A_402 = arith.addi %broadcast_in_dim3A_400, %add3A_401 : vector<128x1xi32>
    %swap3A_403 = arith.constant 0 : index
    %swap3A_404 = arith.constant 0 : index
    %swap3A_405 = arith.constant 13 : index
    %swap3A_406 = vector.load %arg4[%swap3A_403, %swap3A_404, %swap3A_405] : memref<1x128x16xi32, #tpu.memory_space<vmem>>, vector<1x128x1xi32>
    %swap3A_407 = vector.shape_cast %swap3A_406 : vector<1x128x1xi32> to vector<128x1xi32>
    %swap3A_408 = vector.shape_cast %add3A_402 : vector<128x1xi32> to vector<1x128x1xi32>
    tpu.vector_store %arg4[%swap3A_403, %swap3A_404, %swap3A_405], %swap3A_408 {strides = array<i32>} : memref<1x128x16xi32, #tpu.memory_space<vmem>>, vector<1x128x1xi32>,
    %eq3A_409 = vector.broadcast %iota3A : vector<1x8192xi32> to vector<128x8192xi32>
    %eq3A_410 = vector.broadcast %broadcast_in_dim3A_400 : vector<128x1xi32> to vector<128x8192xi32>
    %eq3A_411 = arith.cmpi eq, %eq3A_409, %eq3A_410 : vector<128x8192xi32>
    %jit3A_412 = arith.constant 0x7F800000 : f32
    %broadcast_in_dim3A_413 = vector.broadcast %jit3A_412 : f32 to vector<128x8192xf32>
    %select_n3A_414 = arith.select %eq3A_411, %broadcast_in_dim3A_413, %select_n3A_387 : vector<128x8192xi1>, vector<128x8192xf32>
    %reduce_min3A_415 = arith.constant dense<0x7F800000> : vector<128xf32>
    %reduce_min3A_416 = vector.multi_reduction <minimumf>, %select_n3A_414, %reduce_min3A_415 [1] : vector<128x8192xf32> to vector<128xf32>
    %broadcast_in_dim3A_417 = vector.shape_cast %reduce_min3A_416 : vector<128xf32> to vector<128x1xf32>
    %eq3A_418 = vector.broadcast %broadcast_in_dim3A_417 : vector<128x1xf32> to vector<128x8192xf32>
    %eq3A_419 = arith.cmpf oeq, %select_n3A_414, %eq3A_418 : vector<128x8192xf32>
    %jit3A_420 = arith.constant 1073741824 : i32
    %broadcast_in_dim3A_421 = vector.shape_cast %iota3A : vector<1x8192xi32> to vector<1x8192xi32>
    %broadcast_in_dim3A_422 = vector.broadcast %broadcast_in_dim3A_421 : vector<1x8192xi32> to vector<128x8192xi32>
    %broadcast_in_dim3A_423 = vector.broadcast %jit3A_420 : i32 to vector<128x8192xi32>
    %select_n3A_424 = arith.select %eq3A_419, %broadcast_in_dim3A_422, %broadcast_in_dim3A_423 : vector<128x8192xi1>, vector<128x8192xi32>
    %reduce_min3A_425 = arith.constant dense<2147483647> : vector<128xi32>
    %reduce_min3A_426 = vector.multi_reduction <minsi>, %select_n3A_424, %reduce_min3A_425 [1] : vector<128x8192xi32> to vector<128xi32>
    %broadcast_in_dim3A_427 = vector.shape_cast %reduce_min3A_426 : vector<128xi32> to vector<128x1xi32>
    %add3A_428 = vector.broadcast %mul3A_42 : i32 to vector<128x1xi32>
    %add3A_429 = arith.addi %broadcast_in_dim3A_427, %add3A_428 : vector<128x1xi32>
    %swap3A_430 = arith.constant 0 : index
    %swap3A_431 = arith.constant 0 : index
    %swap3A_432 = arith.constant 14 : index
    %swap3A_433 = vector.load %arg4[%swap3A_430, %swap3A_431, %swap3A_432] : memref<1x128x16xi32, #tpu.memory_space<vmem>>, vector<1x128x1xi32>
    %swap3A_434 = vector.shape_cast %swap3A_433 : vector<1x128x1xi32> to vector<128x1xi32>
    %swap3A_435 = vector.shape_cast %add3A_429 : vector<128x1xi32> to vector<1x128x1xi32>
    tpu.vector_store %arg4[%swap3A_430, %swap3A_431, %swap3A_432], %swap3A_435 {strides = array<i32>} : memref<1x128x16xi32, #tpu.memory_space<vmem>>, vector<1x128x1xi32>,
    %eq3A_436 = vector.broadcast %iota3A : vector<1x8192xi32> to vector<128x8192xi32>
    %eq3A_437 = vector.broadcast %broadcast_in_dim3A_427 : vector<128x1xi32> to vector<128x8192xi32>
    %eq3A_438 = arith.cmpi eq, %eq3A_436, %eq3A_437 : vector<128x8192xi32>
    %jit3A_439 = arith.constant 0x7F800000 : f32
    %broadcast_in_dim3A_440 = vector.broadcast %jit3A_439 : f32 to vector<128x8192xf32>
    %select_n3A_441 = arith.select %eq3A_438, %broadcast_in_dim3A_440, %select_n3A_414 : vector<128x8192xi1>, vector<128x8192xf32>
    %reduce_min3A_442 = arith.constant dense<0x7F800000> : vector<128xf32>
    %reduce_min3A_443 = vector.multi_reduction <minimumf>, %select_n3A_441, %reduce_min3A_442 [1] : vector<128x8192xf32> to vector<128xf32>
    %broadcast_in_dim3A_444 = vector.shape_cast %reduce_min3A_443 : vector<128xf32> to vector<128x1xf32>
    %eq3A_445 = vector.broadcast %broadcast_in_dim3A_444 : vector<128x1xf32> to vector<128x8192xf32>
    %eq3A_446 = arith.cmpf oeq, %select_n3A_441, %eq3A_445 : vector<128x8192xf32>
    %jit3A_447 = arith.constant 1073741824 : i32
    %broadcast_in_dim3A_448 = vector.shape_cast %iota3A : vector<1x8192xi32> to vector<1x8192xi32>
    %broadcast_in_dim3A_449 = vector.broadcast %broadcast_in_dim3A_448 : vector<1x8192xi32> to vector<128x8192xi32>
    %broadcast_in_dim3A_450 = vector.broadcast %jit3A_447 : i32 to vector<128x8192xi32>
    %select_n3A_451 = arith.select %eq3A_446, %broadcast_in_dim3A_449, %broadcast_in_dim3A_450 : vector<128x8192xi1>, vector<128x8192xi32>
    %reduce_min3A_452 = arith.constant dense<2147483647> : vector<128xi32>
    %reduce_min3A_453 = vector.multi_reduction <minsi>, %select_n3A_451, %reduce_min3A_452 [1] : vector<128x8192xi32> to vector<128xi32>
    %broadcast_in_dim3A_454 = vector.shape_cast %reduce_min3A_453 : vector<128xi32> to vector<128x1xi32>
    %add3A_455 = vector.broadcast %mul3A_42 : i32 to vector<128x1xi32>
    %add3A_456 = arith.addi %broadcast_in_dim3A_454, %add3A_455 : vector<128x1xi32>
    %swap3A_457 = arith.constant 0 : index
    %swap3A_458 = arith.constant 0 : index
    %swap3A_459 = arith.constant 15 : index
    %swap3A_460 = vector.load %arg4[%swap3A_457, %swap3A_458, %swap3A_459] : memref<1x128x16xi32, #tpu.memory_space<vmem>>, vector<1x128x1xi32>
    %swap3A_461 = vector.shape_cast %swap3A_460 : vector<1x128x1xi32> to vector<128x1xi32>
    %swap3A_462 = vector.shape_cast %add3A_456 : vector<128x1xi32> to vector<1x128x1xi32>
    tpu.vector_store %arg4[%swap3A_457, %swap3A_458, %swap3A_459], %swap3A_462 {strides = array<i32>} : memref<1x128x16xi32, #tpu.memory_space<vmem>>, vector<1x128x1xi32>,
    return
  }
  func.func @transform_0(%arg0: i32, %arg1: i32) -> (i32, i32, i32) {
    %c0_i32 = arith.constant 0 : i32
    %c0_i32_0 = arith.constant 0 : i32
    %c0_i32_1 = arith.constant 0 : i32
    return %arg0, %c0_i32, %c0_i32_0 : i32, i32, i32
  }
  func.func @transform_1(%arg0: i32, %arg1: i32) -> (i32, i32, i32) {
    %c0_i32 = arith.constant 0 : i32
    %c0_i32_0 = arith.constant 0 : i32
    return %arg0, %arg1, %c0_i32 : i32, i32, i32
  }
  func.func @transform_2(%arg0: i32, %arg1: i32) -> (i32, i32, i32) {
    %c0_i32 = arith.constant 0 : i32
    %c0_i32_0 = arith.constant 0 : i32
    return %arg0, %arg1, %c0_i32 : i32, i32, i32
  }
}

module attributes {stable_mosaic.version = 14 : i64} {
  func.func @_mlp_body(%arg0: i32, %arg1: memref<512x64xf32, #tpu.memory_space<vmem>>, %arg2: memref<64x128xf32, #tpu.memory_space<vmem>>, %arg3: memref<2x128xf32, #tpu.memory_space<vmem>>, %arg4: memref<512x128xf32, #tpu.memory_space<vmem>>, %arg5: memref<2x128xf32, #tpu.memory_space<vmem>>, %arg6: memref<2x128xf32, #tpu.memory_space<vmem>>) attributes {dimension_semantics = [#tpu.dimension_semantics<arbitrary>], iteration_bounds = array<i64: 64>, scalar_prefetch = 0 : i64, scratch_operands = 1 : i64, tpu.core_type = #tpu.core_type<tc>, window_params = [{transform_indices = @transform_0, window_bounds = array<i64: 512, 64>}, {pipeline_mode = #tpu.pipeline_mode<synchronous>, transform_indices = @transform_1, window_bounds = array<i64: 64, 128>}, {pipeline_mode = #tpu.pipeline_mode<synchronous>, transform_indices = @transform_2, window_bounds = array<i64: 2, 128>}, {transform_indices = @transform_3, window_bounds = array<i64: 512, 128>}, {pipeline_mode = #tpu.pipeline_mode<synchronous>, transform_indices = @transform_4, window_bounds = array<i64: 2, 128>}]} {
    %get3A = arith.constant 0 : index
    %get3A_0 = arith.constant 0 : index
    %get3A_1 = vector.load %arg1[%get3A, %get3A_0] : memref<512x64xf32, #tpu.memory_space<vmem>>, vector<512x64xf32>
    %get3A_2 = arith.constant 0 : index
    %get3A_3 = arith.constant 0 : index
    %get3A_4 = vector.load %arg2[%get3A_2, %get3A_3] : memref<64x128xf32, #tpu.memory_space<vmem>>, vector<64x128xf32>
    %dot_general3A = arith.constant dense<0.000000e+00> : vector<512x128xf32>
    %dot_general3A_5 = tpu.matmul %get3A_1, %get3A_4, %dot_general3A {dimension_numbers = #tpu.dot_dimension_numbers<[1], [0], [0], [1], [0, 0, 1, 1], [], []>, transpose_lhs_hint = false} : vector<512x64xf32>, vector<64x128xf32>, vector<512x128xf32> -> vector<512x128xf32>
    %swap3A = arith.constant 0 : index
    %swap3A_6 = arith.constant 0 : index
    %swap3A_7 = vector.load %arg4[%swap3A, %swap3A_6] : memref<512x128xf32, #tpu.memory_space<vmem>>, vector<512x128xf32>
    tpu.vector_store %arg4[%swap3A, %swap3A_6], %dot_general3A_5 {strides = array<i32>} : memref<512x128xf32, #tpu.memory_space<vmem>>, vector<512x128xf32>,
    %reduce_sum3A = arith.constant dense<0.000000e+00> : vector<128xf32>
    %reduce_sum3A_8 = vector.multi_reduction <add>, %dot_general3A_5, %reduce_sum3A [0] : vector<512x128xf32> to vector<128xf32>
    %broadcast_in_dim3A = vector.shape_cast %reduce_sum3A_8 : vector<128xf32> to vector<1x128xf32>
    %mul3A = arith.mulf %dot_general3A_5, %dot_general3A_5 : vector<512x128xf32>
    %reduce_sum3A_9 = arith.constant dense<0.000000e+00> : vector<128xf32>
    %reduce_sum3A_10 = vector.multi_reduction <add>, %mul3A, %reduce_sum3A_9 [0] : vector<512x128xf32> to vector<128xf32>
    %broadcast_in_dim3A_11 = vector.shape_cast %reduce_sum3A_10 : vector<128xf32> to vector<1x128xf32>
    %eq3A = arith.constant 0 : i32
    %eq3A_12 = arith.cmpi eq, %arg0, %eq3A : i32
    %convert_element_type3A = arith.extui %eq3A_12 : i1 to i32
    %cond3A = arith.constant 0 : i32
    %cond3A_13 = arith.cmpi ne, %convert_element_type3A, %cond3A : i32
    scf.if %cond3A_13 {
      %swap3A_23 = arith.constant 0 : index
      %swap3A_24 = arith.constant 0 : index
      %swap3A_25 = vector.load %arg6[%swap3A_23, %swap3A_24] : memref<2x128xf32, #tpu.memory_space<vmem>>, vector<1x128xf32>
      tpu.vector_store %arg6[%swap3A_23, %swap3A_24], %broadcast_in_dim3A {strides = array<i32>} : memref<2x128xf32, #tpu.memory_space<vmem>>, vector<1x128xf32>,
      %swap3A_26 = arith.constant 1 : index
      %swap3A_27 = arith.constant 0 : index
      %swap3A_28 = vector.load %arg6[%swap3A_26, %swap3A_27] : memref<2x128xf32, #tpu.memory_space<vmem>>, vector<1x128xf32>
      tpu.vector_store %arg6[%swap3A_26, %swap3A_27], %broadcast_in_dim3A_11 {strides = array<i32>} : memref<2x128xf32, #tpu.memory_space<vmem>>, vector<1x128xf32>,
    } else {
    }
    %gt3A = arith.constant 0 : i32
    %gt3A_14 = arith.cmpi sgt, %arg0, %gt3A : i32
    %convert_element_type3A_15 = arith.extui %gt3A_14 : i1 to i32
    %cond3A_16 = arith.constant 0 : i32
    %cond3A_17 = arith.cmpi ne, %convert_element_type3A_15, %cond3A_16 : i32
    scf.if %cond3A_17 {
      %get3A_23 = arith.constant 0 : index
      %get3A_24 = arith.constant 0 : index
      %get3A_25 = vector.load %arg6[%get3A_23, %get3A_24] : memref<2x128xf32, #tpu.memory_space<vmem>>, vector<1x128xf32>
      %add3A = arith.addf %get3A_25, %broadcast_in_dim3A : vector<1x128xf32>
      %swap3A_26 = arith.constant 0 : index
      %swap3A_27 = arith.constant 0 : index
      %swap3A_28 = vector.load %arg6[%swap3A_26, %swap3A_27] : memref<2x128xf32, #tpu.memory_space<vmem>>, vector<1x128xf32>
      tpu.vector_store %arg6[%swap3A_26, %swap3A_27], %add3A {strides = array<i32>} : memref<2x128xf32, #tpu.memory_space<vmem>>, vector<1x128xf32>,
      %get3A_29 = arith.constant 1 : index
      %get3A_30 = arith.constant 0 : index
      %get3A_31 = vector.load %arg6[%get3A_29, %get3A_30] : memref<2x128xf32, #tpu.memory_space<vmem>>, vector<1x128xf32>
      %add3A_32 = arith.addf %get3A_31, %broadcast_in_dim3A_11 : vector<1x128xf32>
      %swap3A_33 = arith.constant 1 : index
      %swap3A_34 = arith.constant 0 : index
      %swap3A_35 = vector.load %arg6[%swap3A_33, %swap3A_34] : memref<2x128xf32, #tpu.memory_space<vmem>>, vector<1x128xf32>
      tpu.vector_store %arg6[%swap3A_33, %swap3A_34], %add3A_32 {strides = array<i32>} : memref<2x128xf32, #tpu.memory_space<vmem>>, vector<1x128xf32>,
    } else {
    }
    %eq3A_18 = arith.constant 63 : i32
    %eq3A_19 = arith.cmpi eq, %arg0, %eq3A_18 : i32
    %convert_element_type3A_20 = arith.extui %eq3A_19 : i1 to i32
    %cond3A_21 = arith.constant 0 : i32
    %cond3A_22 = arith.cmpi ne, %convert_element_type3A_20, %cond3A_21 : i32
    scf.if %cond3A_22 {
      %get3A_23 = arith.constant 0 : index
      %get3A_24 = arith.constant 0 : index
      %get3A_25 = vector.load %arg6[%get3A_23, %get3A_24] : memref<2x128xf32, #tpu.memory_space<vmem>>, vector<1x128xf32>
      %mul3A_26 = arith.constant 3.05175781E-5 : f32
      %mul3A_27 = vector.broadcast %mul3A_26 : f32 to vector<1x128xf32>
      %mul3A_28 = arith.mulf %get3A_25, %mul3A_27 : vector<1x128xf32>
      %get3A_29 = arith.constant 1 : index
      %get3A_30 = arith.constant 0 : index
      %get3A_31 = vector.load %arg6[%get3A_29, %get3A_30] : memref<2x128xf32, #tpu.memory_space<vmem>>, vector<1x128xf32>
      %mul3A_32 = arith.constant 3.05175781E-5 : f32
      %mul3A_33 = vector.broadcast %mul3A_32 : f32 to vector<1x128xf32>
      %mul3A_34 = arith.mulf %get3A_31, %mul3A_33 : vector<1x128xf32>
      %mul3A_35 = arith.mulf %mul3A_28, %mul3A_28 : vector<1x128xf32>
      %sub3A = arith.subf %mul3A_34, %mul3A_35 : vector<1x128xf32>
      %get3A_36 = arith.constant 0 : index
      %get3A_37 = arith.constant 0 : index
      %get3A_38 = vector.load %arg3[%get3A_36, %get3A_37] : memref<2x128xf32, #tpu.memory_space<vmem>>, vector<1x128xf32>
      %add3A = arith.constant 9.99999974E-6 : f32
      %add3A_39 = vector.broadcast %add3A : f32 to vector<1x128xf32>
      %add3A_40 = arith.addf %sub3A, %add3A_39 : vector<1x128xf32>
      %sqrt3A = math.sqrt %add3A_40 : vector<1x128xf32>
      %div3A = arith.divf %get3A_38, %sqrt3A : vector<1x128xf32>
      %get3A_41 = arith.constant 1 : index
      %get3A_42 = arith.constant 0 : index
      %get3A_43 = vector.load %arg3[%get3A_41, %get3A_42] : memref<2x128xf32, #tpu.memory_space<vmem>>, vector<1x128xf32>
      %mul3A_44 = arith.mulf %mul3A_28, %div3A : vector<1x128xf32>
      %sub3A_45 = arith.subf %get3A_43, %mul3A_44 : vector<1x128xf32>
      %swap3A_46 = arith.constant 0 : index
      %swap3A_47 = arith.constant 0 : index
      %swap3A_48 = vector.load %arg5[%swap3A_46, %swap3A_47] : memref<2x128xf32, #tpu.memory_space<vmem>>, vector<1x128xf32>
      tpu.vector_store %arg5[%swap3A_46, %swap3A_47], %div3A {strides = array<i32>} : memref<2x128xf32, #tpu.memory_space<vmem>>, vector<1x128xf32>,
      %swap3A_49 = arith.constant 1 : index
      %swap3A_50 = arith.constant 0 : index
      %swap3A_51 = vector.load %arg5[%swap3A_49, %swap3A_50] : memref<2x128xf32, #tpu.memory_space<vmem>>, vector<1x128xf32>
      tpu.vector_store %arg5[%swap3A_49, %swap3A_50], %sub3A_45 {strides = array<i32>} : memref<2x128xf32, #tpu.memory_space<vmem>>, vector<1x128xf32>,
    } else {
    }
    return
  }
  func.func @transform_0(%arg0: i32) -> (i32, i32) {
    %c0_i32 = arith.constant 0 : i32
    %c0_i32_0 = arith.constant 0 : i32
    return %arg0, %c0_i32 : i32, i32
  }
  func.func @transform_1(%arg0: i32) -> (i32, i32) {
    %c0_i32 = arith.constant 0 : i32
    %c0_i32_0 = arith.constant 0 : i32
    %c0_i32_1 = arith.constant 0 : i32
    return %c0_i32, %c0_i32_0 : i32, i32
  }
  func.func @transform_2(%arg0: i32) -> (i32, i32) {
    %c0_i32 = arith.constant 0 : i32
    %c0_i32_0 = arith.constant 0 : i32
    %c0_i32_1 = arith.constant 0 : i32
    return %c0_i32, %c0_i32_0 : i32, i32
  }
  func.func @transform_3(%arg0: i32) -> (i32, i32) {
    %c0_i32 = arith.constant 0 : i32
    %c0_i32_0 = arith.constant 0 : i32
    return %arg0, %c0_i32 : i32, i32
  }
  func.func @transform_4(%arg0: i32) -> (i32, i32) {
    %c0_i32 = arith.constant 0 : i32
    %c0_i32_0 = arith.constant 0 : i32
    %c0_i32_1 = arith.constant 0 : i32
    return %c0_i32, %c0_i32_0 : i32, i32
  }
}

</mosaic_0001>

<sc_bundles>
// kernel: kernel.6.cloned.1.call-start
scs
__scs_entry_jumppad:
0x0: {  	(pc) =	sbr.rel $0x88, $3  }
0x1: {  	(tag) =	ssettag $0x0;
	lr =	simm.s32 $0x1  }
0x2: {  	[smem:$0x3F9C] =	sst lr;
	_ =	strace $0xD0000000  }
0x3: {  	_ = 	snop  }
0x4: {  	_ = 	snop  }
0x5: {  	_ = 	snop  }
0x6: {  	_ = 	snop  }
0x7: {  	_ = 	snop  }
__scs_overlays_trampoline_lowered:
0x8: {  	[smem:$0x3FAB] =	sst s0  }
0x9: {  	[smem:$0x3FAC] =	sst s1  }
0xa: {  	[smem:$0x3FAD] =	sst s2  }
0xb: {  	[smem:$0x3FAE] =	sst s3  }
0xc: {  	[smem:$0x3FAF] =	sst s4  }
0xd: {  	[smem:$0x3FB0] =	sst s5  }
0xe: {  	[smem:$0x3FB1] =	sst s6  }
0xf: {  	[smem:$0x3FB2] =	sst s7  }
0x10: {  	[smem:$0x3FB3] =	sst s8  }
0x11: {  	[smem:$0x3FB4] =	sst s9;
	s0 =	simm.s32 @!p0 $0x0  }
0x12: {  	s1 =	sld [smem:$0x3F9A];
	s0 =	simm.s32 @p0 $0x1  }
0x13: {  	[smem:$0x3FB5] =	sst s0;
	s0 =	simm.s32 @!p1 $0x0  }
0x14: {  	s2 =	sld [smem:$0x3F99];
	s0 =	simm.s32 @p1 $0x1  }
0x15: {  	[smem:$0x3FB6] =	sst s0;
	s0 =	simm.s32 @!p2 $0x0  }
0x16: {  	s3 =	sld [smem:$0x3FDB];
	s0 =	simm.s32 @p2 $0x1  }
0x17: {  	s4 =	simm.s32 $0x1BF5;
	[smem:$0x3FB8] =	sst s0  }
0x18: {  	s0 =	sld [smem:$0x3F9B];
	_ =	swait.ge [sflag:s4], $0x0  }
0x19: {  	s7 =	sld [smem:$0x3F9C]  }
0x1a: {  	s8 =	sadd.s32 $0xFFFFE003, lr  }
0x1b: {  	s9 =	sadd.s32 $0xFFFFFEF7, lr;
	s5 =	simm.s32 $0xFFFFFFFF;
	p2 =	slt.u32 s8, $0xFFFFF086  }
0x1c: {  	p1 =	slt.u32 s9, $0xF7A;
	s5 =	simm.s32 @!p2 $0x0  }
0x1d: {  	s5 =	simm.s32 @p1 $0x1;
	p0 =	seq.s32 s7, s2  }
0x1e: {  	s7 =	smul.u32 @!p0 $0xF7A, s2;
	p2 =	seq.s32 @!p0 s5, $0x0  }
0x1f: {  	s9 =	smul.u32 $0xF7A, s1;
	s8 =	simm.s32 @!p0 $0x1BF5;
	p2 =	por !p2, p0  }
0x20: {  	[sflag:s8] =	ssyncset.s32 @!p0 $0xFFFFF086;
	s6 =	sadd.s32 @!p0 s3, s7;
	s7 =	simm.s32 @!p0 $0x108  }
0x21: {  	s3 =	sadd.s32 s3, s9;
	s6 =	sadd.s32 @!p0 $0x88, s6;
	s7 =	simm.s32 @p2 $0x1082  }
0x22: {  	[simem:s7], [sflag:s8] =	dma.local @!p0 [hbm:s6], $0xF7A  }
0x23: {  	s9 =	sor.u32 $0xD0000000, s2;
	s6 =	simm.s32 $0x108;
	_ =	swait.ge @!p0 [sflag:s8], $0x0  }
0x24: {  	s3 =	sadd.s32 $0x88, s3;
	s6 =	simm.s32 @!p1 $0x1082;
	[sflag:s4] =	ssyncset.s32 $0xFFFFF086  }
0x25: {  	[simem:s6], [sflag:s4] =	dma.local [hbm:s3], $0xF7A  }
0x26: {  	[smem:$0x3F9C] =	sst s1;
	(tag) =	ssettag s2;
	_ =	strace s9  }
0x27: {  	s1 =	sld [smem:$0x3FAC]  }
0x28: {  	s2 =	sld [smem:$0x3FAD]  }
0x29: {  	s4 =	sld [smem:$0x3FAF]  }
0x2a: {  	p0 =	seq.s32 s5, $0x0;
	s5 =	sld [smem:$0x3FB0]  }
0x2b: {  	s6 =	sld [smem:$0x3FB1]  }
0x2c: {  	s7 =	sld [smem:$0x3FB2]  }
0x2d: {  	s3 =	simm.s32 $0x108;
	s8 =	sld [smem:$0x3FB3]  }
0x2e: {  	s3 =	simm.s32 @!p0 $0x1082;
	s9 =	sld [smem:$0x3FB4]  }
0x2f: {  	lr =	sadd.s32 s0, s3;
	s0 =	sld [smem:$0x3FAB]  }
0x30: {  	s3 =	sld [smem:$0x3FAE]  }
0x31: {  	[smem:$0x3FB7] =	sst s10  }
0x32: {  	s10 =	sld [smem:$0x3FB5];
	_ =	sdelay $0x3  }
0x33: {  	p0 =	seq.s32 s10, $0x1;
	s10 =	sld [smem:$0x3FB7];
	_ =	sdelay $0x3  }
0x34: {  	[smem:$0x3FB7] =	sst s10  }
0x35: {  	s10 =	sld [smem:$0x3FB6];
	_ =	sdelay $0x3  }
0x36: {  	p1 =	seq.s32 s10, $0x1;
	s10 =	sld [smem:$0x3FB7];
	_ =	sdelay $0x3  }
0x37: {  	[smem:$0x3FB7] =	sst s10  }
0x38: {  	s10 =	sld [smem:$0x3FB8]  }
0x39: {  	_ = 	snop;
	(pc) =	sbr.ind lr, $3  }
0x3a: {  	_ = 	snop  }
0x3b: {  	_ = 	snop  }
0x3c: {  	p2 =	seq.s32 s10, $0x1;
	s10 =	sld [smem:$0x3FB7]  }
0x3d: {  	_ =	shalt  }
0x3e: {  	_ =	shalt  }
0x3f: {  	_ =	shalt  }
0x40: {  	_ =	shalt  }
0x41: {  	_ =	shalt  }
0x42: {  	_ =	shalt  }
0x43: {  	_ =	shalt  }
0x44: {  	_ =	shalt  }
0x45: {  	_ =	shalt  }
0x46: {  	_ =	shalt  }
0x47: {  	_ =	shalt  }
0x48: {  	_ =	shalt  }
0x49: {  	_ =	shalt  }
0x4a: {  	_ =	shalt  }
0x4b: {  	_ =	shalt  }
0x4c: {  	_ =	shalt  }
0x4d: {  	_ =	shalt  }
0x4e: {  	_ =	shalt  }
0x4f: {  	_ =	shalt  }
0x50: {  	_ =	shalt  }
0x51: {  	_ =	shalt  }
0x52: {  	_ =	shalt  }
0x53: {  	_ =	shalt  }
0x54: {  	_ =	shalt  }
0x55: {  	_ =	shalt  }
0x56: {  	_ =	shalt  }
0x57: {  	_ =	shalt  }
0x58: {  	_ =	shalt  }
0x59: {  	_ =	shalt  }
0x5a: {  	_ =	shalt  }
0x5b: {  	_ =	shalt  }
0x5c: {  	_ =	shalt  }
0x5d: {  	_ =	shalt  }
0x5e: {  	_ =	shalt  }
0x5f: {  	_ =	shalt  }
0x60: {  	_ =	shalt  }
0x61: {  	_ =	shalt  }
0x62: {  	_ =	shalt  }
0x63: {  	_ =	shalt  }
0x64: {  	_ =	shalt  }
0x65: {  	_ =	shalt  }
0x66: {  	_ =	shalt  }
0x67: {  	_ =	shalt  }
0x68: {  	_ =	shalt  }
0x69: {  	_ =	shalt  }
0x6a: {  	_ =	shalt  }
0x6b: {  	_ =	shalt  }
0x6c: {  	_ =	shalt  }
0x6d: {  	_ =	shalt  }
0x6e: {  	_ =	shalt  }
0x6f: {  	_ =	shalt  }
0x70: {  	_ =	shalt  }
0x71: {  	_ =	shalt  }
0x72: {  	_ =	shalt  }
0x73: {  	_ =	shalt  }
0x74: {  	_ =	shalt  }
0x75: {  	_ =	shalt  }
0x76: {  	_ =	shalt  }
0x77: {  	_ =	shalt  }
0x78: {  	_ =	shalt  }
0x79: {  	_ =	shalt  }
0x7a: {  	_ =	shalt  }
0x7b: {  	_ =	shalt  }
0x7c: {  	_ =	shalt  }
0x7d: {  	_ =	shalt  }
0x7e: {  	_ =	shalt  }
0x7f: {  	_ =	shalt  }
0x80: {  	_ =	shalt  }
0x81: {  	_ =	shalt  }
0x82: {  	_ =	shalt  }
0x83: {  	_ =	shalt  }
0x84: {  	_ =	shalt  }
0x85: {  	_ =	shalt  }
0x86: {  	_ =	shalt  }
0x87: {  	_ =	shalt  }
.Lfunc_end0:
.L_simem_size_0:
called_computation_lowered:
.L_overlay_start_0:
0x88: {  	s2 =	sld [smem:$0x3FD9]  }
0x89: {  	s3 =	sld [smem:$0x3FFE];
	_ =	sdelay $0x1  }
0x8a: {  	s1 =	srdreg.scid  }
0x8b: {  	s0 =	sand.u32 $0x1, s1  }
0x8c: {  	s14 =	sshll.u32 s0, $0xA;
	s2 =	sadd.s32 s3, s2  }
0x8d: {  	s2 =	sadd.s32 s2, s14  }
0x8e: {  	[smem:$0x3FC3] =	sst s2  }
0x8f: {  	_ = 	snop  }
0x90: {  	s2 =	sld [smem:$0x3FD0];
	_ =	sdelay $0x2  }
0x91: {  	s15 =	simm.s32 $0xA;
	s4 =	simm.s32 $0x10  }
0x92: {  	[smem:s4], [sflag:s15] =	dma.local [hbm:s2], $0x1  }
0x93: {  	_ =	swait.eq [sflag:s15], $0x1  }
0x94: {  	[sflag:s15] =	ssyncset.done $0x0  }
0x95: {  	[sflag:s15] =	ssyncadd.s32 $0xFFFFFFFF  }
0x96: {  	s16 =	sld [smem:$0x10];
	(tm) =	ssettm $0x1  }
0x97: {  	s17 =	sld [smem:$0x3FFB];
	_ =	sdelay $0x3  }
0x98: {  	_ =	strace s17  }
0x99: {  	s3 =	sld [smem:$0x3FFC];
	_ =	sdelay $0x3  }
0x9a: {  	_ =	strace s3  }
0x9b: {  	s3 =	sld [smem:$0x3FFD];
	_ =	sdelay $0x3  }
0x9c: {  	_ =	strace s3  }
0x9d: {  	_ =	strace $0x8FFFFFFF  }
0x9e: {  	s18 =	sld [smem:$0x3FDB];
	_ =	sdelay $0x1  }
0x9f: {  	s19 =	simm.s32 $_scs_section_size  }
0xa0: {  	s5 =	simm.s32 $_size__tile_overlayer_lowered;
	s6 =	simm.s32 $_tile_overlayer_lowered  }
0xa1: {  	s22 =	simm.s32 $0x1BFF;
	s21 =	sshll.u32 s6, $0x1;
	s3 =	sadd.s32 s19, s18  }
0xa2: {  	s7 =	simm.s32 $0x0;
	s20 =	sshll.u32 s5, $0x1;
	s5 =	sadd.s32 s21, s3  }
0xa3: {  	[timem:s7], [sflag:s22] =	dma.local [hbm:s5], s20  }
0xa4: {  	_ =	swait.ge [sflag:s22], s20  }
0xa5: {  	s4 =	ssub.s32 $0x0, s20;
	[sflag:s22] =	ssyncset.done $0x0  }
0xa6: {  	[sflag:s22] =	ssyncadd.s32 s4;
	_ =	sdelay $0x1  }
0xa7: {  	s23 =	simm.s32 $0x1B8B  }
0xa8: {  	_ =	swait.ge [sflag:s23], $0x1  }
0xa9: {  	[sflag:s23] =	ssyncset.done $0x0  }
0xaa: {  	s25 =	simm.s32 $0x1B8E;
	s24 =	sld [smem:$0x3FFE];
	[sflag:s23] =	ssyncadd.s32 $0xFFFFFFFF  }
0xab: {  	s26 =	simm.s32 $execute0_lowered;
	[smem:$0x3FD2] =	sst s25  }
0xac: {  	s5 =	sshll.u32 s26, $0x1;
	_ =	strace $0x80000046;
	[dreg:$0x1] =	wrdreg $0xFFFFFFFF  }
0xad: {  	s28 =	simm.s32 $_size_execute0_lowered;
	s3 =	sadd.s32 s3, s5;
	[dreg:$0x0] =	wrdreg $0x0  }
0xae: {  	s5 =	sshll.u32 s28, $0x1;
	[dreg:$0x2] =	wrdreg s3  }
0xaf: {  	[dreg:$0x3] =	wrdreg s5  }
0xb0: {  	[dreg:$0x4] =	wrdreg $0xC0  }
0xb1: {  	_ =	task [dreg:s7], $0x5FFFF  }
0xb2: {  	[dreg:$0x1] =	wrdreg $0xFFFFFFFF  }
0xb3: {  	[dreg:$0x0] =	wrdreg $0x60  }
0xb4: {  	[dreg:$0x2] =	wrdreg s24  }
0xb5: {  	[dreg:$0x3] =	wrdreg s16  }
0xb6: {  	[dreg:$0x4] =	wrdreg $0x9  }
0xb7: {  	_ =	task.clear_ibuf [dreg:s7], $0x5FFFF;
	_ =	strace $0x90000046  }
0xb8: {  	s29 =	simm.s32 $0x9;
	_ =	strace $0x80000048  }
0xb9: {  	_ =	swait.ge [sflag:s29], $0x1  }
0xba: {  	[sflag:s29] =	ssyncadd.s32 $0xFFFFFFFF  }
0xbb: {  	_ =	strace $0x90000048  }
0xbc: {  	_ =	sfence  }
0xbd: {  	s30 =	sld [smem:$0x0];
	_ =	sdelay $0x2  }
0xbe: {  	s31 =	sshll.u32 s1, $0xD;
	s1 =	sshrl.u32 s1, $0x2  }
0xbf: {  	s3 =	sand.u32 $0x4000, s31;
	s1 =	sadd.s32 s1, s30  }
0xc0: {  	s0 =	sor.u32 s3, s0;
	s1 =	sshll.u32 s1, $0x11  }
0xc1: {  	s0 =	sor.u32 s1, s0  }
0xc2: {  	s0 =	sadd.s32 $0x8F2B, s0  }
0xc3: {  	[sflag:s0] =	ssyncadd.remote.s32 $0x1  }
0xc4: {  	_ =	sfence.sel $0xFFFF  }
0xc5: {  	[dreg:$0x0] =	wrdreg $0xFFFFFFFF;
	(pc) =	sbr.abs _section_cstart, $3  }
0xc6: {  	[dreg:$0x1] =	wrdreg $0xFFFFFFFF  }
0xc7: {  	_ =	task.clear_ibuf [dreg:s7], $0x2FFFF;
	_ =	strace $0x9FFFFFFF  }
0xc8: {  	(tm) =	ssettm $0x7FFFFFFF  }
0xc9: {  	_ =	shalt  }
tec
execute0_lowered:
.L_overlay_start_1:
0x0: {  	(tag) =	ssettag $0x1  }
0x1: {  	s4 =	rddreg [dreg:$0x0];
	s1 =	srdreg.scid  }
0x2: {  	s0 =	stileid.u32;
	s6 =	rddreg [dreg:$0x1];
	s2 =	simm.s32 $0x0  }
0x3: {  	s10 =	simm.s32 $0x80;
	s11 =	simm.s32 $0x1000;
	s12 =	simm.s32 $0x1  }
0x4: {  	s13 =	simm.s32 $0x5000;
	s3 =	sand.u32 $0x1, s1;
	s1 =	rddreg [dreg:$0x2]  }
0x5: {  	s14 =	simm.s32 $0x0;
	s5 =	sshll.u32 s0, $0x1;
	[smem:$0x7FF] =	sst s2  }
0x6: {  	s7 =	sor.u32 s3, s5;
	_ =	strace $0x80000047;
	s8 =	ssub.s32 $0x2, s3  }
0x7: {  	s3 =	sadd.s32 $0x5A00, s4;
	s5 =	sshll.u32 s7, $0x9;
	s9 =	sshrl.u32 s8, $0x1  }
0x8: {  	s7 =	sshll.u32 s7, $0xC;
	s5 =	sadd.s32 s5, s4;
	s4 =	sadd.s32 $0x85A00, s4  }
0x9: {  	s8 =	ssub.s32 s8, s9;
	s6 =	sadd.s32 s6, s7;
	s9 =	simm.s32 $0x5400  }
0xa: {  	s5 =	sadd.s32 $0x1A00, s5;
	s7 =	smax.u32 s8, $0x1;
	s8 =	simm.s32 $0x2  }
.LBB2_1:
0xb: {  	[tilespmem:s2], [sflag:$0x2] =	stream.linear.gather [hbm4b:s5+s2], $0x1000, $0x38;
	[tilespmem:$0x5500] =	vst v63  }
0xc: {  	_ =	swait.ge [sflag:s8], $0x1000  }
0xd: {  	[sflag:s8] =	ssyncset.done $0x0  }
0xe: {  	[sflag:s8] =	ssyncadd.s32 $0xFFFFF000  }
0xf: {  	[tilespmem:s9], [sflag:$0x2] =	stream.linear.gather [hbm4b:s4+s2], $0x100, $0x38;
	[tilespmem:$0x5500] =	vst v63  }
0x10: {  	_ =	swait.ge [sflag:s8], $0x100  }
0x11: {  	[sflag:s8] =	ssyncset.done $0x0  }
0x12: {  	s15 =	simm.s32 $0x0;
	[sflag:s8] =	ssyncadd.s32 $0xFFFFFF00  }
.LBB2_2:
0x13: {  	s16 =	sshll.u32 s15, $0x7  }
0x14: {  	s17 =	sand.u32 $0x3FFFFF80, s16  }
0x15: {  	[tilespmem:s11], [sflag:$0x1] =	stream.indirect.gather [hbm4b:s3+s10], $0x80, s17, s10, $0xb8;
	[tilespmem:$0x5500] =	vst v63  }
0x16: {  	_ =	swait.ge [sflag:s12], $0x4000  }
0x17: {  	s18 =	simm.s32 $0x5000;
	[sflag:s12] =	ssyncset.done $0x0  }
0x18: {  	s19 =	simm.s32 $0x1400;
	s17 =	simm.s32 $0x0;
	[sflag:s12] =	ssyncadd.s32 $0xFFFFC000  }
.LBB2_3:
0x19: {  	v1 =	vmov s19;
	_ =	sdelay $0x3  }
0x1a: {  	s20 =	simm.s32 $0x0  }
0x1b: {  	v0 =	vmov s18;
	s21 =	simm.s32 $0x40;
	v2 =	vld.idx.msk [tilespmem:v1+s20+$0xFFFFFC80 ss:$0x1], $0xffff  }
.LBB2_4:
0x1c: {  	p0 =	sne.s32 s21, $0x1C0;
	v3 =	vld.idx.msk [tilespmem:v1+s20+$0xFFFFFC00 ss:$0x1], $0xffff  }
0x1d: {  	v4 =	vld.idx.msk [tilespmem:v1+s20+$0xFFFFFD00 ss:$0x1], $0xffff  }
0x1e: {  	v5 =	vld.idx.msk [tilespmem:v1+s20+$0xFFFFFD80 ss:$0x1], $0xffff  }
0x1f: {  	v6 =	vld.idx.msk [tilespmem:v1+s20+$0xFFFFFE00 ss:$0x1], $0xffff  }
0x20: {  	v7 =	vld.idx.msk [tilespmem:v1+s20+$0xFFFFFE80 ss:$0x1], $0xffff  }
0x21: {  	v8 =	vld.idx.msk [tilespmem:v1+s20+$0xFFFFFF00 ss:$0x1], $0xffff  }
0x22: {  	v2 =	vmax.f32 v3, v2;
	v3 =	vld.idx.msk [tilespmem:v1+s20+$0xFFFFFF80 ss:$0x1], $0xffff  }
0x23: {  	v2 =	vmax.f32 v2, v4;
	v4 =	vld.idx.msk [tilespmem:v1+s20+$0x0 ss:$0x1], $0xffff  }
0x24: {  	v2 =	vmax.f32 v2, v5;
	v5 =	vld.idx.msk [tilespmem:v1+s20+$0x80 ss:$0x1], $0xffff  }
0x25: {  	v2 =	vmax.f32 v2, v6;
	v6 =	vld.idx.msk [tilespmem:v1+s20+$0x100 ss:$0x1], $0xffff  }
0x26: {  	v2 =	vmax.f32 v2, v7;
	v7 =	vld.idx.msk [tilespmem:v1+s20+$0x180 ss:$0x1], $0xffff  }
0x27: {  	v2 =	vmax.f32 v2, v8;
	v8 =	vld.idx.msk [tilespmem:v1+s20+$0x200 ss:$0x1], $0xffff  }
0x28: {  	v2 =	vmax.f32 v2, v3;
	v3 =	vld.idx.msk [tilespmem:v1+s20+$0x280 ss:$0x1], $0xffff  }
0x29: {  	v2 =	vmax.f32 v2, v4;
	v4 =	vld.idx.msk [tilespmem:v1+s20+$0x300 ss:$0x1], $0xffff  }
0x2a: {  	v2 =	vmax.f32 v2, v5;
	v5 =	vld.idx.msk [tilespmem:v1+s20+$0x380 ss:$0x1], $0xffff  }
0x2b: {  	v2 =	vmax.f32 v2, v6  }
0x2c: {  	v2 =	vmax.f32 v2, v7;
	v6 =	vld [tilespmem:s20+$0x5400]  }
0x2d: {  	v2 =	vmax.f32 v2, v8  }
0x2e: {  	v2 =	vmax.f32 v2, v3;
	v3 =	vld [tilespmem:s20+$0x5480]  }
0x2f: {  	v2 =	vmax.f32 v2, v4  }
0x30: {  	v2 =	vmax.f32 v2, v5  }
0x31: {  	v2 =	vmul.f32 v6, v2;
	_ =	sdelay $0x1  }
.Ltmp0:
0x32: {  	v2 =	vadd.f32 v3, v2;
	(pc) =	sbr.rel @p0 .LBB2_4-.Ltmp0, $4  }
0x33: {  	_ = 	snop  }
0x34: {  	v2 =	vmax.f32 v2, $0.0e+00  }
0x35: {  	[tilespmem:v0+s20+$0x0 ss:$0x1] =	vst.idx.msk $0xffff, v2;
	s20 =	sshra.s32 s21, $0x2  }
0x36: {  	s21 =	sadd.s32 $0x40, s21;
	v2 =	vld.idx.msk [tilespmem:v1+s20+$0xFFFFFC80 ss:$0x1], $0xffff  }
0x37: {  	_ =	sdelay $0x3  }
0x38: {  	v3 =	vld.idx.msk [tilespmem:v1+s20+$0xFFFFFC00 ss:$0x1], $0xffff  }
0x39: {  	v4 =	vld.idx.msk [tilespmem:v1+s20+$0xFFFFFD00 ss:$0x1], $0xffff  }
0x3a: {  	v5 =	vld.idx.msk [tilespmem:v1+s20+$0xFFFFFD80 ss:$0x1], $0xffff  }
0x3b: {  	v6 =	vld.idx.msk [tilespmem:v1+s20+$0xFFFFFE00 ss:$0x1], $0xffff  }
0x3c: {  	v7 =	vld.idx.msk [tilespmem:v1+s20+$0xFFFFFE80 ss:$0x1], $0xffff  }
0x3d: {  	v8 =	vld.idx.msk [tilespmem:v1+s20+$0xFFFFFF00 ss:$0x1], $0xffff;
	v2 =	vmax.f32 v3, v2  }
0x3e: {  	v53 =	vld.idx.msk [tilespmem:v1+s20+$0xFFFFFF80 ss:$0x1], $0xffff;
	v2 =	vmax.f32 v2, v4  }
0x3f: {  	v54 =	vld.idx.msk [tilespmem:v1+s20+$0x0 ss:$0x1], $0xffff;
	v2 =	vmax.f32 v2, v5  }
0x40: {  	v55 =	vld.idx.msk [tilespmem:v1+s20+$0x80 ss:$0x1], $0xffff;
	v2 =	vmax.f32 v2, v6  }
0x41: {  	v56 =	vld.idx.msk [tilespmem:v1+s20+$0x100 ss:$0x1], $0xffff;
	v2 =	vmax.f32 v2, v7  }
0x42: {  	v57 =	vld.idx.msk [tilespmem:v1+s20+$0x180 ss:$0x1], $0xffff;
	v2 =	vmax.f32 v2, v8  }
0x43: {  	v58 =	vld.idx.msk [tilespmem:v1+s20+$0x200 ss:$0x1], $0xffff;
	v2 =	vmax.f32 v2, v53  }
0x44: {  	v59 =	vld.idx.msk [tilespmem:v1+s20+$0x280 ss:$0x1], $0xffff;
	v2 =	vmax.f32 v2, v54  }
0x45: {  	v60 =	vld.idx.msk [tilespmem:v1+s20+$0x300 ss:$0x1], $0xffff;
	v2 =	vmax.f32 v2, v55  }
0x46: {  	v61 =	vld.idx.msk [tilespmem:v1+s20+$0x380 ss:$0x1], $0xffff;
	v2 =	vmax.f32 v2, v56  }
0x47: {  	v62 =	vld [tilespmem:s20+$0x5400];
	v2 =	vmax.f32 v2, v57  }
0x48: {  	v2 =	vmax.f32 v2, v58  }
0x49: {  	v63 =	vld [tilespmem:s20+$0x5480];
	v2 =	vmax.f32 v2, v59  }
0x4a: {  	v2 =	vmax.f32 v2, v60  }
0x4b: {  	s17 =	sadd.s32 $0x1, s17;
	v1 =	vmax.f32 v2, v61  }
0x4c: {  	p0 =	sne.s32 s17, $0x8;
	v1 =	vmul.f32 v62, v1  }
.Ltmp1:
0x4d: {  	_ = 	snop;
	(pc) =	sbr.rel @p0 .LBB2_3-.Ltmp1, $3  }
0x4e: {  	v1 =	vadd.f32 v63, v1;
	_ =	sdelay $0x1  }
0x4f: {  	v1 =	vmax.f32 v1, $0.0e+00  }
0x50: {  	s18 =	sadd.s32 $0x80, s18;
	s19 =	sadd.s32 $0x800, s19;
	[tilespmem:v0+s20+$0x0 ss:$0x1] =	vst.idx.msk $0xffff, v1  }
0x51: {  	s15 =	sadd.s32 $0x1, s15  }
0x52: {  	p0 =	sne.s32 s15, $0x20  }
.Ltmp2:
0x53: {  	s16 =	sadd.s32 s16, s6;
	(pc) =	sbr.rel @p0 .LBB2_2-.Ltmp2, $4  }
0x54: {  	[hbm4b:s16+s2] =	stream.linear.scatter [tilespmem:s13], [sflag:$0x2], $0x400, $0x38;
	[tilespmem:$0x5500] =	vst v63  }
0x55: {  	_ =	swait.ge [sflag:s8], $0x400  }
0x56: {  	[sflag:s8] =	ssyncset.done $0x0  }
0x57: {  	[sflag:s8] =	ssyncadd.s32 $0xFFFFFC00  }
0x58: {  	s14 =	sadd.s32 $0x1, s14  }
0x59: {  	p0 =	sne.s32 s14, s7  }
.Ltmp3:
0x5a: {  	_ = 	snop;
	(pc) =	sbr.rel @p0 .LBB2_1-.Ltmp3, $1  }
0x5b: {  	_ =	sdelay $0x3  }
0x5c: {  	_ =	sfence.sel $0x180000  }
0x5d: {  	[bflag:$0x0] =	sbarrier.arrive $0xFFFF  }
0x5e: {  	p0 =	sne.s32 s0, $0x0;
	_ =	strace $0x90000047  }
0x5f: {  	s0 =	sadd.s32 @!p0 $0x100000, s1;
	[bflag:$0x2] =	sbarrier.arrive $0xFFFF  }
0x60: {  	[sflag:s0] =	ssyncadd.tile.s32 @!p0 $0x1;
	_ =	shalt  }
.Lfunc_end2:
_tile_overlayer_lowered:
.L_overlay_start_2:
0x61: {  	(tag) =	ssettag $0x2  }
0x62: {  	s0 =	rddreg [dreg:$0x0];
	s2 =	stileid.u32  }
0x63: {  	s1 =	rddreg [dreg:$0x1];
	p0 =	sne.s32 s2, $0x0  }
0x64: {  	s3 =	rddreg [dreg:$0x2];
	[bflag:$0x3] =	sbarrier.arrive $0xFFFF;
	s2 =	simm.s32 @!p0 $0x1C02  }
0x65: {  	[timem:s3], [sflag:s2] =	dma.local @!p0 [hbm:s0], s1  }
0x66: {  	s0 =	simm.s32 @!p0 $0x2  }
0x67: {  	_ =	swait.ge @!p0 [sflag:s0], s1  }
0x68: {  	s1 =	ssub.s32 @!p0 $0x0, s1;
	[sflag:s0] =	ssyncset.done @!p0 $0x0  }
0x69: {  	[sflag:s0] =	ssyncadd.s32 @!p0 s1  }
0x6a: {  	[bflag:$0x3] =	sbarrier.arrive $0xFFFF  }
0x6b: {  	_ =	shalt  }

</sc_bundles>
